<compile_context>
chip_gen: v7x
topology: tpu7x:2x2x1
jax: 0.10.2.dev20260603
libtpu: 0.0.44.dev20260713+nightly
codegen_flags: <defaults>
</compile_context>

<pallas_src>
import functools
import jax
import jax.numpy as jnp
from jax import lax
from jax.experimental import pallas as pl
from jax.experimental.pallas import tpu as pltpu
from jax.experimental.pallas import tpu_sc as plsc


def _sc_edge_body(n, krows, ht_hbm, src_hbm, tgt_hbm, rel_hbm, zeros_hbm,
                  sum_hbm, cnt_hbm, shared, srcv, tgtv, relv, sidx, aux,
                  rows, ones_v, sem):
    c = lax.axis_index("c")
    s = lax.axis_index("s")
    wid = s * 2 + c
    nsum = n * 5
    sum_zone = nsum + 16
    sum_dump = nsum + 8
    nhalf = n * 4
    cnt_dump = nhalf

    pltpu.sync_copy(src_hbm.at[wid], srcv)
    pltpu.sync_copy(tgt_hbm.at[wid], tgtv)
    pltpu.sync_copy(rel_hbm.at[wid], relv)

    def jbody(j, carry):
        def lbody(l, cc):
            t = tgtv[j, pl.ds(l * 16, 16)]
            r = relv[j, pl.ds(l * 16, 16)]
            sidx[j, pl.ds(l * 16, 16)] = jnp.where(
                (r >= 3) & (r < 8), t * 5 + (r - 3), sum_dump)
            return cc
        return lax.fori_loop(0, 8, lbody, carry)
    lax.fori_loop(0, krows, jbody, 0)

    for p in range(8):
        @pl.when(s == 0)
        def _():
            pltpu.sync_copy(zeros_hbm.at[pl.ds(0, sum_zone)],
                            shared.at[pl.ds(0, sum_zone)])
        plsc.subcore_barrier()

        def fill(j, carry):
            def lb(l, cc):
                aux[j, pl.ds(l * 16, 16)] = srcv[j, pl.ds(l * 16, 16)] + p * n
                return cc
            return lax.fori_loop(0, 8, lb, carry)
        lax.fori_loop(0, krows, fill, 0)

        def stream(j, carry):
            pltpu.async_copy(ht_hbm.at[aux.at[j]], rows, sem).wait()
            pltpu.sync_copy(rows, shared.at[sidx.at[j]], add=True)
            return carry
        lax.fori_loop(0, krows, stream, 0)

        plsc.subcore_barrier()

        @pl.when(s == 0)
        def _():
            pltpu.sync_copy(shared.at[pl.ds(0, nsum)], sum_hbm.at[c, p])
        plsc.subcore_barrier()

    def ob(j, carry):
        ones_v[j, :] = jnp.full((16,), 1.0, jnp.float32)
        return carry
    lax.fori_loop(0, 128, ob, 0)

    for ch in range(2):
        @pl.when(s == 0)
        def _():
            pltpu.sync_copy(zeros_hbm.at[pl.ds(0, nhalf + 8)],
                            shared.at[pl.ds(0, nhalf + 8)])
        plsc.subcore_barrier()

        def cfill(j, carry):
            def lb(l, cc):
                t = tgtv[j, pl.ds(l * 16, 16)]
                r = relv[j, pl.ds(l * 16, 16)]
                ci = t * 8 + r - ch * nhalf
                ok = (r < 8) & (ci >= 0) & (ci < nhalf)
                aux[j, pl.ds(l * 16, 16)] = jnp.where(ok, ci, cnt_dump)
                return cc
            return lax.fori_loop(0, 8, lb, carry)
        lax.fori_loop(0, krows, cfill, 0)

        def streamb(j, carry):
            pltpu.sync_copy(ones_v, shared.at[aux.at[j]], add=True)
            return carry
        lax.fori_loop(0, krows, streamb, 0)

        plsc.subcore_barrier()

        @pl.when(s == 0)
        def _():
            pltpu.sync_copy(shared.at[pl.ds(0, nhalf)], cnt_hbm.at[c, ch])
        plsc.subcore_barrier()


def _sc_edge_sums(h, src, tgt, rel, n, e):
    f32, i32 = jnp.float32, jnp.int32
    e2 = -(-e // 4096) * 4096
    slab = e2 // 32
    krows = slab // 128
    pad = e2 - e
    src2 = jnp.pad(src, (0, pad)).reshape(32, krows, 128)
    tgt2 = jnp.pad(tgt, (0, pad)).reshape(32, krows, 128)
    rel2 = jnp.pad(rel, (0, pad), constant_values=1000).reshape(32, krows, 128)
    ht = h.reshape(n, 8, 16).transpose(1, 0, 2).reshape(8 * n, 16)
    zrows = n * 5 + 16
    zeros = jnp.zeros((zrows, 16), f32)

    kern = functools.partial(
        pl.kernel,
        mesh=plsc.VectorSubcoreMesh(core_axis_name="c", subcore_axis_name="s"),
        compiler_params=pltpu.CompilerParams(use_tc_tiling_on_sc=False),
        out_type=[
            jax.ShapeDtypeStruct((2, 8, n * 5, 16), f32),
            jax.ShapeDtypeStruct((2, 2, n * 4, 16), f32),
        ],
        scratch_types=[
            pltpu.VMEM_SHARED((zrows, 16), f32),
            pltpu.VMEM((krows, 128), i32),
            pltpu.VMEM((krows, 128), i32),
            pltpu.VMEM((krows, 128), i32),
            pltpu.VMEM((krows, 128), i32),
            pltpu.VMEM((krows, 128), i32),
            pltpu.VMEM((128, 16), f32),
            pltpu.VMEM((128, 16), f32),
            pltpu.SemaphoreType.DMA,
        ],
    )(functools.partial(_sc_edge_body, n, krows))
    sums, cnt = kern(ht, src2, tgt2, rel2, zeros)
    raw = sums.transpose(0, 2, 1, 3).reshape(2, n, 5, 128)
    cnt2 = cnt[:, :, :, 0].reshape(2, n, 8)
    return raw, cnt2


def _k1_body(h_ref, wrel_ref, andw_ref, andb_ref, ct_ref, *, nand):
    x = h_ref[...]
    for r in range(nand):
        hr = jax.lax.dot_general(x, wrel_ref[r], (((1,), (1,)), ((), ())))
        a = jax.lax.dot_general(hr, andw_ref[...], (((1,), (1,)), ((), ())))
        ct_ref[r] = hr * jax.nn.sigmoid(a + andb_ref[...])


def _k2_body(h_ref, s_ref, t_ref, r_ref, raw_ref, cnt_ref, *, chunk, e, nmean, rbase):
    @pl.when(pl.program_id(0) == 0)
    def _():
        raw_ref[...] = jnp.zeros_like(raw_ref)
        cnt_ref[...] = jnp.zeros_like(cnt_ref)

    base = pl.program_id(0) * chunk

    def body(i, carry):
        s = s_ref[0, 0, i]
        t = t_ref[0, 0, i]
        r = r_ref[0, 0, i]
        valid = base + i < e
        seg = t * 8 + r
        row = seg // 128
        col = seg % 128
        onehot = (jax.lax.broadcasted_iota(jnp.int32, (1, 128), 1) == col)

        @pl.when(valid)
        def _():
            cnt_ref[pl.ds(row, 1), :] += onehot.astype(jnp.float32)

        @pl.when(valid & (r >= rbase))
        def _():
            seg5 = t * nmean + (r - rbase)
            raw_ref[pl.ds(seg5, 1), :] += h_ref[pl.ds(s, 1), :]

        return carry

    jax.lax.fori_loop(0, chunk, body, 0)


def _k3_body(ct_ref, s_ref, t_ref, r_ref, w_ref, macc_ref, *, chunk, e, n, nand, big):
    @pl.when(pl.program_id(0) == 0)
    def _():
        macc_ref[...] = jnp.full_like(macc_ref, big)

    base = pl.program_id(0) * chunk

    def body(i, carry):
        r = r_ref[0, 0, i]
        valid = (base + i < e) & (r < nand)

        @pl.when(valid)
        def _():
            s = s_ref[0, 0, i]
            t = t_ref[0, 0, i]
            w = w_ref[0, 0, i]
            val = ct_ref[pl.ds(r * n + s, 1), :] * w
            mseg = t * nand + r
            macc_ref[pl.ds(mseg, 1), :] = jnp.minimum(macc_ref[pl.ds(mseg, 1), :], val)

        return carry

    jax.lax.fori_loop(0, chunk, body, 0)


def _k4_body(h_ref, raw_ref, rawb_ref, cnt_ref, cntb_ref, macc_ref, sf_ref,
             wself_ref, wrel_ref, wp_ref, wc_ref, istw_ref, istb_ref,
             lng_ref, lnb_ref, out_ref, *, nrel, nand, dout):
    x = h_ref[...]
    acc = jax.lax.dot_general(x, wself_ref[...], (((1,), (1,)), ((), ())))
    cnt = cnt_ref[...] + cntb_ref[...]
    pos = cnt > 0.0
    denom = jnp.maximum(cnt, 1.0)
    for r in range(nand):
        acc = acc + jnp.where(pos[:, r:r + 1], macc_ref[:, r, :], 0.0)
    m_mat = jax.lax.dot_general(wp_ref[...], wc_ref[...], (((0,), (0,)), ((), ())))
    sitg = jax.nn.sigmoid(
        jax.lax.dot_general(sf_ref[...], istw_ref[...], (((1,), (1,)), ((), ())))
        + istb_ref[...])
    inv_sqrt_d = 1.0 / (float(dout) ** 0.5)
    for r in range(nand, nrel):
        raw_r = raw_ref[:, r - nand, :] + rawb_ref[:, r - nand, :]
        mean_r = jax.lax.dot_general(raw_r, wrel_ref[r],
                                     (((1,), (1,)), ((), ()))) / denom[:, r:r + 1]
        if r in (3, 4):
            th = jax.lax.dot_general(x, wrel_ref[r], (((1,), (1,)), ((), ())))
            attn = jnp.sum(jnp.dot(mean_r, m_mat) * th, axis=-1, keepdims=True)
            g = jax.nn.sigmoid(attn * inv_sqrt_d)
            msg = th * g + mean_r * (1.0 - g)
        elif r == 5:
            msg = mean_r * sitg
        else:
            msg = mean_r
        acc = acc + jnp.where(pos[:, r:r + 1], msg, 0.0)
    o = jnp.maximum(acc, 0.0)
    mu = jnp.mean(o, axis=-1, keepdims=True)
    var = jnp.mean((o - mu) ** 2, axis=-1, keepdims=True)
    out_ref[...] = (o - mu) * jax.lax.rsqrt(var + 1e-5) * lng_ref[...] + lnb_ref[...]


def kernel(h, edge_index, edge_types, edge_weights, situation_features,
           W_self, W_rel, and_W, and_b, if_Wp, if_Wc, ist_W, ist_b, ln_g, ln_b):
    n, din = h.shape
    e = edge_types.shape[0]
    r = W_rel.shape[0]
    dout = W_self.shape[0]
    sit = situation_features.shape[1]
    nand = 3
    nmean = r - nand
    blk = 1000 if n % 1000 == 0 else n
    nblk = n // blk

    f32 = jnp.float32
    i32 = jnp.int32

    ct = pl.pallas_call(
        functools.partial(_k1_body, nand=nand),
        grid=(nblk,),
        in_specs=[
            pl.BlockSpec((blk, din), lambda i: (i, 0)),
            pl.BlockSpec((r, dout, din), lambda i: (0, 0, 0)),
            pl.BlockSpec((dout, dout), lambda i: (0, 0)),
            pl.BlockSpec((1, dout), lambda i: (0, 0)),
        ],
        out_specs=pl.BlockSpec((nand, blk, dout), lambda i: (0, i, 0)),
        out_shape=jax.ShapeDtypeStruct((nand, n, dout), f32),
    )(h, W_rel, and_W, and_b.reshape(1, dout))

    chunk = 10000 if e % 10000 == 0 else e
    nch = -(-e // chunk)
    pad = nch * chunk - e
    src = jnp.pad(edge_index[0].astype(i32), (0, pad)).reshape(nch, 1, chunk)
    tgt = jnp.pad(edge_index[1].astype(i32), (0, pad)).reshape(nch, 1, chunk)
    rel = jnp.pad(edge_types.astype(i32), (0, pad)).reshape(nch, 1, chunk)
    wgt = jnp.pad(edge_weights.astype(f32), (0, pad)).reshape(nch, 1, chunk)

    smem_idx = pl.BlockSpec((1, 1, chunk), lambda i: (i, 0, 0),
                            memory_space=pltpu.SMEM)

    if e >= 4096:
        raw2, cnt2 = _sc_edge_sums(h, edge_index[0].astype(i32),
                                   edge_index[1].astype(i32),
                                   edge_types.astype(i32), n, e)
        raw_a, raw_b = raw2[0], raw2[1]
        cnt_a, cnt_b = cnt2[0], cnt2[1]
    else:
        rawsum, cnt = pl.pallas_call(
            functools.partial(_k2_body, chunk=chunk, e=e, nmean=nmean,
                              rbase=nand),
            grid=(nch,),
            in_specs=[
                pl.BlockSpec((n, din), lambda i: (0, 0)),
                smem_idx, smem_idx, smem_idx,
            ],
            out_specs=[
                pl.BlockSpec((n * nmean, din), lambda i: (0, 0)),
                pl.BlockSpec((n * r // 128, 128), lambda i: (0, 0)),
            ],
            out_shape=[
                jax.ShapeDtypeStruct((n * nmean, din), f32),
                jax.ShapeDtypeStruct((n * r // 128, 128), f32),
            ],
        )(h, src, tgt, rel)
        raw_a = rawsum.reshape(n, nmean, din)
        raw_b = jnp.zeros_like(raw_a)
        cnt_a = cnt.reshape(n, r)
        cnt_b = jnp.zeros_like(cnt_a)

    big = 3.0e38
    macc = pl.pallas_call(
        functools.partial(_k3_body, chunk=chunk, e=e, n=n, nand=nand, big=big),
        grid=(nch,),
        in_specs=[
            pl.BlockSpec((nand * n, dout), lambda i: (0, 0)),
            smem_idx, smem_idx, smem_idx, smem_idx,
        ],
        out_specs=pl.BlockSpec((nand * n, dout), lambda i: (0, 0)),
        out_shape=jax.ShapeDtypeStruct((nand * n, dout), f32),
    )(ct.reshape(nand * n, dout), src, tgt, rel, wgt)

    out = pl.pallas_call(
        functools.partial(_k4_body, nrel=r, nand=nand, dout=dout),
        grid=(nblk,),
        in_specs=[
            pl.BlockSpec((blk, din), lambda i: (i, 0)),
            pl.BlockSpec((blk, nmean, din), lambda i: (i, 0, 0)),
            pl.BlockSpec((blk, nmean, din), lambda i: (i, 0, 0)),
            pl.BlockSpec((blk, r), lambda i: (i, 0)),
            pl.BlockSpec((blk, r), lambda i: (i, 0)),
            pl.BlockSpec((blk, nand, dout), lambda i: (i, 0, 0)),
            pl.BlockSpec((blk, sit), lambda i: (i, 0)),
            pl.BlockSpec((dout, din), lambda i: (0, 0)),
            pl.BlockSpec((r, dout, din), lambda i: (0, 0, 0)),
            pl.BlockSpec((dout, dout), lambda i: (0, 0)),
            pl.BlockSpec((dout, dout), lambda i: (0, 0)),
            pl.BlockSpec((dout, sit), lambda i: (0, 0)),
            pl.BlockSpec((1, dout), lambda i: (0, 0)),
            pl.BlockSpec((1, dout), lambda i: (0, 0)),
            pl.BlockSpec((1, dout), lambda i: (0, 0)),
        ],
        out_specs=pl.BlockSpec((blk, dout), lambda i: (i, 0)),
        out_shape=jax.ShapeDtypeStruct((n, dout), f32),
    )(h, raw_a, raw_b, cnt_a, cnt_b,
      macc.reshape(n, nand, dout), situation_features, W_self, W_rel,
      if_Wp, if_Wc, ist_W, ist_b.reshape(1, dout), ln_g.reshape(1, dout),
      ln_b.reshape(1, dout))
    return out

# --- scband reference (transcript-rebuilt; emitter-appended) ---
"""Pipeline reference for scband-typed-message-passing-layer-19292993093994 (READ-ONLY COPY).

The authoritative reference and input builder live on the scoring server;
editing this copy changes nothing except your own understanding.
"""

import jax, jax.numpy as jnp
import numpy as np

N = 10000
E = 320000
DIN = 128
DOUT = 128
R = 8
SIT = 16


def setup_inputs(seed: int = 0):
    key = jax.random.key(seed)
    ks = jax.random.split(key, 12)
    h = jax.random.normal(ks[0], (N, DIN), dtype=jnp.float32)
    edge_index = jax.random.randint(ks[1], (2, E), 0, N)
    edge_types = jax.random.randint(ks[2], (E,), 0, R)
    edge_weights = jax.random.uniform(ks[3], (E,), dtype=jnp.float32)
    situation_features = jax.random.normal(ks[4], (N, SIT), dtype=jnp.float32)
    s = 0.05
    W_self = jax.random.normal(ks[5], (DOUT, DIN), dtype=jnp.float32) * s
    W_rel = jax.random.normal(ks[6], (R, DOUT, DIN), dtype=jnp.float32) * s
    and_W = jax.random.normal(ks[7], (DOUT, DOUT), dtype=jnp.float32) * s
    and_b = jnp.zeros((DOUT,), dtype=jnp.float32)
    if_Wp = jax.random.normal(ks[8], (DOUT, DOUT), dtype=jnp.float32) * s
    if_Wc = jax.random.normal(ks[9], (DOUT, DOUT), dtype=jnp.float32) * s
    ist_W = jax.random.normal(ks[10], (DOUT, SIT), dtype=jnp.float32) * s
    ist_b = jnp.zeros((DOUT,), dtype=jnp.float32)
    ln_g = jnp.ones((DOUT,), dtype=jnp.float32)
    ln_b = jnp.zeros((DOUT,), dtype=jnp.float32)
    return {"h": h, "edge_index": edge_index, "edge_types": edge_types, "edge_weights": edge_weights, "situation_features": situation_features, "W_self": W_self, "W_rel": W_rel, "and_W": and_W, "and_b": and_b, "if_Wp": if_Wp, "if_Wc": if_Wc, "ist_W": ist_W, "ist_b": ist_b, "ln_g": ln_g, "ln_b": ln_b}


def reference(h, edge_index, edge_types, edge_weights, situation_features, W_self, W_rel, and_W, and_b, if_Wp, if_Wc, ist_W, ist_b, ln_g, ln_b):
    n = h.shape[0]
    r = W_rel.shape[0]
    dout = W_self.shape[0]
    out = h @ W_self.T
    src = edge_index[0]
    tgt = edge_index[1]
    # per-relation transformed node features: H_rel[r] = h @ W_rel[r].T
    H_rel = jnp.einsum('rod,nd->rno', W_rel, h)
    src_h = H_rel[edge_types, src]  # (E, dout) gather
    # segment id = (target node, relation) pair, matching the torch per-(t, r) grouping
    seg = tgt * r + edge_types
    nseg = n * r
    count = jax.ops.segment_sum(jnp.ones_like(edge_weights), seg, num_segments=nseg)
    # IKLAnd: sigmoid-gated, confidence-weighted elementwise min over the group
    gated = jax.nn.sigmoid(src_h @ and_W.T + and_b)
    conj = src_h * gated * edge_weights[:, None]
    and_msg = jax.ops.segment_min(conj, seg, num_segments=nseg)
    # group mean (used by IF premise, IST, and plain-mean relations)
    sum_h = jax.ops.segment_sum(src_h, seg, num_segments=nseg)
    mean_h = sum_h / jnp.maximum(count, 1.0)[:, None]
    seg_ids = jnp.arange(nseg)
    seg_node = seg_ids // r
    seg_rel = seg_ids % r
    # IKLIf: premise = group mean of W_r-transformed sources, conclusion = W_r-transformed target
    tgt_h = H_rel[seg_rel, seg_node]
    attn = jnp.sum((mean_h @ if_Wp.T) * (tgt_h @ if_Wc.T), axis=-1, keepdims=True)
    gate = jax.nn.sigmoid(attn / (float(dout) ** 0.5))
    if_msg = tgt_h * gate + mean_h * (1.0 - gate)
    # IKLIst: situation-gated mean for LOCATED_AT
    sit_gate = jax.nn.sigmoid(situation_features @ ist_W.T + ist_b)
    ist_msg = mean_h * sit_gate[seg_node]
    # relation routing: 0,1,2 -> AND; 3 (NEXT), 4 (ENTAILS) -> IF; 5 (LOCATED_AT) -> IST; 6,7 -> mean
    is_and = (seg_rel <= 2)[:, None]
    is_if = ((seg_rel == 3) | (seg_rel == 4))[:, None]
    is_ist = (seg_rel == 5)[:, None]
    msg = jnp.where(is_and, and_msg, jnp.where(is_if, if_msg, jnp.where(is_ist, ist_msg, mean_h)))
    msg = jnp.where((count > 0.0)[:, None], msg, 0.0)
    out = out + msg.reshape(n, r, dout).sum(axis=1)
    out = jax.nn.relu(out)
    mu = out.mean(axis=-1, keepdims=True)
    var = ((out - mu) ** 2).mean(axis=-1, keepdims=True)
    return (out - mu) / jnp.sqrt(var + 1e-5) * ln_g + ln_b

if __name__ == "__main__":
    import jax
    _d = setup_inputs()
    print(jax.jit(kernel)(*tuple(_d.values())))

</pallas_src>

<mosaic_0001>
#map = affine_map<(d0, d1) -> (0, 0)>
#map1 = affine_map<(d0, d1) -> (0, 0, 0)>
#map2 = affine_map<(d0, d1) -> (0, 0, 0, 0)>
module attributes {stable_mosaic.version = 14 : i64} {
  func.func @_sc_edge_body(%arg0: i32, %arg1: i32, %arg2: memref<80000x16xf32, #tpu.memory_space<hbm>>, %arg3: memref<32x79x128xi32, #tpu.memory_space<hbm>>, %arg4: memref<32x79x128xi32, #tpu.memory_space<hbm>>, %arg5: memref<32x79x128xi32, #tpu.memory_space<hbm>>, %arg6: memref<50016x16xf32, #tpu.memory_space<hbm>>, %arg7: memref<2x8x50000x16xf32, #tpu.memory_space<hbm>>, %arg8: memref<2x2x40000x16xf32, #tpu.memory_space<hbm>>, %arg9: memref<50016x16xf32, #tpu.memory_space<vmem_shared>>, %arg10: memref<79x128xi32, #tpu.memory_space<vmem>>, %arg11: memref<79x128xi32, #tpu.memory_space<vmem>>, %arg12: memref<79x128xi32, #tpu.memory_space<vmem>>, %arg13: memref<79x128xi32, #tpu.memory_space<vmem>>, %arg14: memref<79x128xi32, #tpu.memory_space<vmem>>, %arg15: memref<128x16xf32, #tpu.memory_space<vmem>>, %arg16: memref<128x16xf32, #tpu.memory_space<vmem>>, %arg17: memref<!tpu.dma_semaphore, #tpu.memory_space<semaphore_mem>>) attributes {dimension_semantics = [#tpu.dimension_semantics<core_parallel>, #tpu.dimension_semantics<subcore_parallel>], iteration_bounds = array<i64: 2, 16>, scalar_prefetch = 0 : i64, scratch_operands = 9 : i64, tpu.core_type = #tpu.core_type<sc_vector_subcore>, window_params = [{transform_indices = #map}, {transform_indices = #map1}, {transform_indices = #map1}, {transform_indices = #map1}, {transform_indices = #map}, {transform_indices = #map2}, {transform_indices = #map2}]} {
    %mul3A = arith.constant 2 : i32
    %mul3A_0 = arith.muli %arg1, %mul3A : i32
    %add3A = arith.addi %mul3A_0, %arg0 : i32
    "tpu.region"() ({
      %run_scoped3A = tpu.sem_alloc : memref<!tpu.dma_semaphore, #tpu.memory_space<semaphore_mem>>
      %dma_start3A = arith.constant 0 : i32
      %dma_start3A_258 = arith.constant 0 : i32
      %dma_start3A_259 = tpu.memref_slice %arg3[%add3A, %dma_start3A, %dma_start3A_258] : memref<32x79x128xi32, #tpu.memory_space<hbm>> -> memref<1x79x128xi32, #tpu.memory_space<hbm>>
      %dma_start3A_260 = tpu.memref_squeeze %dma_start3A_259 : memref<1x79x128xi32, #tpu.memory_space<hbm>> -> memref<79x128xi32, #tpu.memory_space<hbm>>
      %dma_start3A_261 = arith.constant 0 : i32
      %dma_start3A_262 = arith.constant 0 : i32
      %dma_start3A_263 = tpu.memref_slice %arg3[%add3A, %dma_start3A_261, %dma_start3A_262] : memref<32x79x128xi32, #tpu.memory_space<hbm>> -> memref<1x79x128xi32, #tpu.memory_space<hbm>>
      %dma_start3A_264 = tpu.memref_squeeze %dma_start3A_263 : memref<1x79x128xi32, #tpu.memory_space<hbm>> -> memref<79x128xi32, #tpu.memory_space<hbm>>
      tpu.enqueue_dma source(%dma_start3A_264 : memref<79x128xi32, #tpu.memory_space<hbm>>) target(%arg10 : memref<79x128xi32, #tpu.memory_space<vmem>>) target_semaphore(%run_scoped3A : memref<!tpu.dma_semaphore, #tpu.memory_space<semaphore_mem>>)
      %dma_wait3A = arith.constant 0 : i32
      %dma_wait3A_265 = arith.constant 0 : i32
      %dma_wait3A_266 = tpu.memref_slice %arg3[%add3A, %dma_wait3A, %dma_wait3A_265] : memref<32x79x128xi32, #tpu.memory_space<hbm>> -> memref<1x79x128xi32, #tpu.memory_space<hbm>>
      %dma_wait3A_267 = tpu.memref_squeeze %dma_wait3A_266 : memref<1x79x128xi32, #tpu.memory_space<hbm>> -> memref<79x128xi32, #tpu.memory_space<hbm>>
      %dma_wait3A_268 = arith.constant 0 : i32
      %dma_wait3A_269 = arith.constant 0 : i32
      %dma_wait3A_270 = tpu.memref_slice %arg3[%add3A, %dma_wait3A_268, %dma_wait3A_269] : memref<32x79x128xi32, #tpu.memory_space<hbm>> -> memref<1x79x128xi32, #tpu.memory_space<hbm>>
      %dma_wait3A_271 = tpu.memref_squeeze %dma_wait3A_270 : memref<1x79x128xi32, #tpu.memory_space<hbm>> -> memref<79x128xi32, #tpu.memory_space<hbm>>
      tpu.wait_dma2 semaphore(%run_scoped3A : memref<!tpu.dma_semaphore, #tpu.memory_space<semaphore_mem>>) src(%dma_wait3A_271 : memref<79x128xi32, #tpu.memory_space<hbm>>) dst(%arg10 : memref<79x128xi32, #tpu.memory_space<vmem>>)
      tpu.yield
    }) : () -> ()
    "tpu.region"() ({
      %run_scoped3A = tpu.sem_alloc : memref<!tpu.dma_semaphore, #tpu.memory_space<semaphore_mem>>
      %dma_start3A = arith.constant 0 : i32
      %dma_start3A_258 = arith.constant 0 : i32
      %dma_start3A_259 = tpu.memref_slice %arg4[%add3A, %dma_start3A, %dma_start3A_258] : memref<32x79x128xi32, #tpu.memory_space<hbm>> -> memref<1x79x128xi32, #tpu.memory_space<hbm>>
      %dma_start3A_260 = tpu.memref_squeeze %dma_start3A_259 : memref<1x79x128xi32, #tpu.memory_space<hbm>> -> memref<79x128xi32, #tpu.memory_space<hbm>>
      %dma_start3A_261 = arith.constant 0 : i32
      %dma_start3A_262 = arith.constant 0 : i32
      %dma_start3A_263 = tpu.memref_slice %arg4[%add3A, %dma_start3A_261, %dma_start3A_262] : memref<32x79x128xi32, #tpu.memory_space<hbm>> -> memref<1x79x128xi32, #tpu.memory_space<hbm>>
      %dma_start3A_264 = tpu.memref_squeeze %dma_start3A_263 : memref<1x79x128xi32, #tpu.memory_space<hbm>> -> memref<79x128xi32, #tpu.memory_space<hbm>>
      tpu.enqueue_dma source(%dma_start3A_264 : memref<79x128xi32, #tpu.memory_space<hbm>>) target(%arg11 : memref<79x128xi32, #tpu.memory_space<vmem>>) target_semaphore(%run_scoped3A : memref<!tpu.dma_semaphore, #tpu.memory_space<semaphore_mem>>)
      %dma_wait3A = arith.constant 0 : i32
      %dma_wait3A_265 = arith.constant 0 : i32
      %dma_wait3A_266 = tpu.memref_slice %arg4[%add3A, %dma_wait3A, %dma_wait3A_265] : memref<32x79x128xi32, #tpu.memory_space<hbm>> -> memref<1x79x128xi32, #tpu.memory_space<hbm>>
      %dma_wait3A_267 = tpu.memref_squeeze %dma_wait3A_266 : memref<1x79x128xi32, #tpu.memory_space<hbm>> -> memref<79x128xi32, #tpu.memory_space<hbm>>
      %dma_wait3A_268 = arith.constant 0 : i32
      %dma_wait3A_269 = arith.constant 0 : i32
      %dma_wait3A_270 = tpu.memref_slice %arg4[%add3A, %dma_wait3A_268, %dma_wait3A_269] : memref<32x79x128xi32, #tpu.memory_space<hbm>> -> memref<1x79x128xi32, #tpu.memory_space<hbm>>
      %dma_wait3A_271 = tpu.memref_squeeze %dma_wait3A_270 : memref<1x79x128xi32, #tpu.memory_space<hbm>> -> memref<79x128xi32, #tpu.memory_space<hbm>>
      tpu.wait_dma2 semaphore(%run_scoped3A : memref<!tpu.dma_semaphore, #tpu.memory_space<semaphore_mem>>) src(%dma_wait3A_271 : memref<79x128xi32, #tpu.memory_space<hbm>>) dst(%arg11 : memref<79x128xi32, #tpu.memory_space<vmem>>)
      tpu.yield
    }) : () -> ()
    "tpu.region"() ({
      %run_scoped3A = tpu.sem_alloc : memref<!tpu.dma_semaphore, #tpu.memory_space<semaphore_mem>>
      %dma_start3A = arith.constant 0 : i32
      %dma_start3A_258 = arith.constant 0 : i32
      %dma_start3A_259 = tpu.memref_slice %arg5[%add3A, %dma_start3A, %dma_start3A_258] : memref<32x79x128xi32, #tpu.memory_space<hbm>> -> memref<1x79x128xi32, #tpu.memory_space<hbm>>
      %dma_start3A_260 = tpu.memref_squeeze %dma_start3A_259 : memref<1x79x128xi32, #tpu.memory_space<hbm>> -> memref<79x128xi32, #tpu.memory_space<hbm>>
      %dma_start3A_261 = arith.constant 0 : i32
      %dma_start3A_262 = arith.constant 0 : i32
      %dma_start3A_263 = tpu.memref_slice %arg5[%add3A, %dma_start3A_261, %dma_start3A_262] : memref<32x79x128xi32, #tpu.memory_space<hbm>> -> memref<1x79x128xi32, #tpu.memory_space<hbm>>
      %dma_start3A_264 = tpu.memref_squeeze %dma_start3A_263 : memref<1x79x128xi32, #tpu.memory_space<hbm>> -> memref<79x128xi32, #tpu.memory_space<hbm>>
      tpu.enqueue_dma source(%dma_start3A_264 : memref<79x128xi32, #tpu.memory_space<hbm>>) target(%arg12 : memref<79x128xi32, #tpu.memory_space<vmem>>) target_semaphore(%run_scoped3A : memref<!tpu.dma_semaphore, #tpu.memory_space<semaphore_mem>>)
      %dma_wait3A = arith.constant 0 : i32
      %dma_wait3A_265 = arith.constant 0 : i32
      %dma_wait3A_266 = tpu.memref_slice %arg5[%add3A, %dma_wait3A, %dma_wait3A_265] : memref<32x79x128xi32, #tpu.memory_space<hbm>> -> memref<1x79x128xi32, #tpu.memory_space<hbm>>
      %dma_wait3A_267 = tpu.memref_squeeze %dma_wait3A_266 : memref<1x79x128xi32, #tpu.memory_space<hbm>> -> memref<79x128xi32, #tpu.memory_space<hbm>>
      %dma_wait3A_268 = arith.constant 0 : i32
      %dma_wait3A_269 = arith.constant 0 : i32
      %dma_wait3A_270 = tpu.memref_slice %arg5[%add3A, %dma_wait3A_268, %dma_wait3A_269] : memref<32x79x128xi32, #tpu.memory_space<hbm>> -> memref<1x79x128xi32, #tpu.memory_space<hbm>>
      %dma_wait3A_271 = tpu.memref_squeeze %dma_wait3A_270 : memref<1x79x128xi32, #tpu.memory_space<hbm>> -> memref<79x128xi32, #tpu.memory_space<hbm>>
      tpu.wait_dma2 semaphore(%run_scoped3A : memref<!tpu.dma_semaphore, #tpu.memory_space<semaphore_mem>>) src(%dma_wait3A_271 : memref<79x128xi32, #tpu.memory_space<hbm>>) dst(%arg12 : memref<79x128xi32, #tpu.memory_space<vmem>>)
      tpu.yield
    }) : () -> ()
    %scan3A = arith.constant 0 : i32
    %scan3A_1 = arith.constant 0 : i32
    %scan3A_2 = arith.constant 79 : i32
    %scan3A_3 = arith.addi %scan3A_1, %scan3A_2 : i32
    %scan3A_4 = arith.constant 1 : i32
    scf.for %scan3A_258 = %scan3A_1 to %scan3A_3 step %scan3A_4  : i32 {
      %scan3A_259 = arith.constant 0 : i32
      %scan3A_260 = arith.constant 8 : i32
      %scan3A_261 = arith.addi %scan3A_259, %scan3A_260 : i32
      %scan3A_262 = arith.constant 1 : i32
      scf.for %scan3A_264 = %scan3A_259 to %scan3A_261 step %scan3A_262  : i32 {
        %mul3A_265 = arith.constant 16 : i32
        %mul3A_266 = arith.muli %scan3A_264, %mul3A_265 : i32
        %get3A = arith.index_cast %scan3A_258 : i32 to index
        %get3A_267 = arith.index_cast %mul3A_266 : i32 to index
        %get3A_268 = tpu.vector_load %arg11[%get3A, %get3A_267] {strides = array<i32>} : memref<79x128xi32, #tpu.memory_space<vmem>>, vector<1x16xi32>,
        %get3A_269 = vector.shape_cast %get3A_268 : vector<1x16xi32> to vector<16xi32>
        %mul3A_270 = arith.constant 16 : i32
        %mul3A_271 = arith.muli %scan3A_264, %mul3A_270 : i32
        %get3A_272 = arith.index_cast %scan3A_258 : i32 to index
        %get3A_273 = arith.index_cast %mul3A_271 : i32 to index
        %get3A_274 = tpu.vector_load %arg12[%get3A_272, %get3A_273] {strides = array<i32>} : memref<79x128xi32, #tpu.memory_space<vmem>>, vector<1x16xi32>,
        %get3A_275 = vector.shape_cast %get3A_274 : vector<1x16xi32> to vector<16xi32>
        %ge3A = arith.constant 3 : i32
        %ge3A_276 = vector.broadcast %ge3A : i32 to vector<16xi32>
        %ge3A_277 = arith.cmpi sge, %get3A_275, %ge3A_276 : vector<16xi32>
        %lt3A = arith.constant 8 : i32
        %lt3A_278 = vector.broadcast %lt3A : i32 to vector<16xi32>
        %lt3A_279 = arith.cmpi slt, %get3A_275, %lt3A_278 : vector<16xi32>
        %and3A = arith.andi %ge3A_277, %lt3A_279 : vector<16xi1>
        %mul3A_280 = arith.constant 5 : i32
        %mul3A_281 = vector.broadcast %mul3A_280 : i32 to vector<16xi32>
        %mul3A_282 = arith.muli %get3A_269, %mul3A_281 : vector<16xi32>
        %sub3A = arith.constant 3 : i32
        %sub3A_283 = vector.broadcast %sub3A : i32 to vector<16xi32>
        %sub3A_284 = arith.subi %get3A_275, %sub3A_283 : vector<16xi32>
        %add3A_285 = arith.addi %mul3A_282, %sub3A_284 : vector<16xi32>
        %jit3A = arith.constant 50008 : i32
        %broadcast_in_dim3A = vector.broadcast %jit3A : i32 to vector<16xi32>
        %select_n3A = arith.select %and3A, %add3A_285, %broadcast_in_dim3A : vector<16xi1>, vector<16xi32>
        %mul3A_286 = arith.constant 16 : i32
        %mul3A_287 = arith.muli %scan3A_264, %mul3A_286 : i32
        %swap3A = arith.index_cast %scan3A_258 : i32 to index
        %swap3A_288 = arith.index_cast %mul3A_287 : i32 to index
        %swap3A_289 = tpu.vector_load %arg13[%swap3A, %swap3A_288] {strides = array<i32>} : memref<79x128xi32, #tpu.memory_space<vmem>>, vector<1x16xi32>,
        %swap3A_290 = vector.shape_cast %swap3A_289 : vector<1x16xi32> to vector<16xi32>
        %swap3A_291 = vector.shape_cast %select_n3A : vector<16xi32> to vector<1x16xi32>
        tpu.vector_store %arg13[%swap3A, %swap3A_288], %swap3A_291 {strides = array<i32>} : memref<79x128xi32, #tpu.memory_space<vmem>>, vector<1x16xi32>,
      }
      %scan3A_263 = arith.constant 8 : i32
    }
    %scan3A_5 = arith.constant 79 : i32
    %eq3A = arith.constant 0 : i32
    %eq3A_6 = arith.cmpi eq, %arg1, %eq3A : i32
    %convert_element_type3A = arith.extui %eq3A_6 : i1 to i32
    %cond3A = arith.constant 0 : i32
    %cond3A_7 = arith.cmpi ne, %convert_element_type3A, %cond3A : i32
    scf.if %cond3A_7 {
      "tpu.region"() ({
        %run_scoped3A = tpu.sem_alloc : memref<!tpu.dma_semaphore, #tpu.memory_space<semaphore_mem>>
        %dma_start3A = arith.constant 0 : i32
        %dma_start3A_258 = arith.constant 0 : i32
        %dma_start3A_259 = tpu.memref_slice %arg9[%dma_start3A, %dma_start3A_258] : memref<50016x16xf32, #tpu.memory_space<vmem_shared>> -> memref<50016x16xf32, #tpu.memory_space<vmem_shared>>
        %dma_start3A_260 = arith.constant 0 : i32
        %dma_start3A_261 = arith.constant 0 : i32
        %dma_start3A_262 = tpu.memref_slice %arg6[%dma_start3A_260, %dma_start3A_261] : memref<50016x16xf32, #tpu.memory_space<hbm>> -> memref<50016x16xf32, #tpu.memory_space<hbm>>
        tpu.enqueue_dma source(%dma_start3A_262 : memref<50016x16xf32, #tpu.memory_space<hbm>>) target(%dma_start3A_259 : memref<50016x16xf32, #tpu.memory_space<vmem_shared>>) target_semaphore(%run_scoped3A : memref<!tpu.dma_semaphore, #tpu.memory_space<semaphore_mem>>)
        %dma_wait3A = arith.constant 0 : i32
        %dma_wait3A_263 = arith.constant 0 : i32
        %dma_wait3A_264 = tpu.memref_slice %arg9[%dma_wait3A, %dma_wait3A_263] : memref<50016x16xf32, #tpu.memory_space<vmem_shared>> -> memref<50016x16xf32, #tpu.memory_space<vmem_shared>>
        %dma_wait3A_265 = arith.constant 0 : i32
        %dma_wait3A_266 = arith.constant 0 : i32
        %dma_wait3A_267 = tpu.memref_slice %arg6[%dma_wait3A_265, %dma_wait3A_266] : memref<50016x16xf32, #tpu.memory_space<hbm>> -> memref<50016x16xf32, #tpu.memory_space<hbm>>
        tpu.wait_dma2 semaphore(%run_scoped3A : memref<!tpu.dma_semaphore, #tpu.memory_space<semaphore_mem>>) src(%dma_wait3A_267 : memref<50016x16xf32, #tpu.memory_space<hbm>>) dst(%dma_wait3A_264 : memref<50016x16xf32, #tpu.memory_space<vmem_shared>>)
        tpu.yield
      }) : () -> ()
    } else {
    }
    %barrier3A = arith.constant 0 : index
    tpu.barrier barrier_id(%barrier3A)
    %scan3A_8 = arith.constant 0 : i32
    %scan3A_9 = arith.constant 0 : i32
    %scan3A_10 = arith.constant 79 : i32
    %scan3A_11 = arith.addi %scan3A_9, %scan3A_10 : i32
    %scan3A_12 = arith.constant 1 : i32
    scf.for %scan3A_258 = %scan3A_9 to %scan3A_11 step %scan3A_12  : i32 {
      %scan3A_259 = arith.constant 0 : i32
      %scan3A_260 = arith.constant 8 : i32
      %scan3A_261 = arith.addi %scan3A_259, %scan3A_260 : i32
      %scan3A_262 = arith.constant 1 : i32
      scf.for %scan3A_264 = %scan3A_259 to %scan3A_261 step %scan3A_262  : i32 {
        %mul3A_265 = arith.constant 16 : i32
        %mul3A_266 = arith.muli %scan3A_264, %mul3A_265 : i32
        %get3A = arith.index_cast %scan3A_258 : i32 to index
        %get3A_267 = arith.index_cast %mul3A_266 : i32 to index
        %get3A_268 = tpu.vector_load %arg10[%get3A, %get3A_267] {strides = array<i32>} : memref<79x128xi32, #tpu.memory_space<vmem>>, vector<1x16xi32>,
        %get3A_269 = vector.shape_cast %get3A_268 : vector<1x16xi32> to vector<16xi32>
        %add3A_270 = arith.constant 0 : i32
        %add3A_271 = vector.broadcast %add3A_270 : i32 to vector<16xi32>
        %add3A_272 = arith.addi %get3A_269, %add3A_271 : vector<16xi32>
        %mul3A_273 = arith.constant 16 : i32
        %mul3A_274 = arith.muli %scan3A_264, %mul3A_273 : i32
        %swap3A = arith.index_cast %scan3A_258 : i32 to index
        %swap3A_275 = arith.index_cast %mul3A_274 : i32 to index
        %swap3A_276 = tpu.vector_load %arg14[%swap3A, %swap3A_275] {strides = array<i32>} : memref<79x128xi32, #tpu.memory_space<vmem>>, vector<1x16xi32>,
        %swap3A_277 = vector.shape_cast %swap3A_276 : vector<1x16xi32> to vector<16xi32>
        %swap3A_278 = vector.shape_cast %add3A_272 : vector<16xi32> to vector<1x16xi32>
        tpu.vector_store %arg14[%swap3A, %swap3A_275], %swap3A_278 {strides = array<i32>} : memref<79x128xi32, #tpu.memory_space<vmem>>, vector<1x16xi32>,
      }
      %scan3A_263 = arith.constant 8 : i32
    }
    %scan3A_13 = arith.constant 79 : i32
    %scan3A_14 = arith.constant 0 : i32
    %scan3A_15 = arith.constant 0 : i32
    %scan3A_16 = arith.constant 79 : i32
    %scan3A_17 = arith.addi %scan3A_15, %scan3A_16 : i32
    %scan3A_18 = arith.constant 1 : i32
    scf.for %scan3A_258 = %scan3A_15 to %scan3A_17 step %scan3A_18  : i32 {
      %dma_start3A = arith.constant 0 : i32
      %dma_start3A_259 = tpu.memref_slice %arg14[%scan3A_258, %dma_start3A] : memref<79x128xi32, #tpu.memory_space<vmem>> -> memref<1x128xi32, #tpu.memory_space<vmem>>
      %dma_start3A_260 = tpu.memref_squeeze %dma_start3A_259 : memref<1x128xi32, #tpu.memory_space<vmem>> -> memref<128xi32, #tpu.memory_space<vmem>>
      %dma_start3A_261 = arith.constant 0 : i32
      %dma_start3A_262 = arith.constant 0 : i32
      %dma_start3A_263 = tpu.memref_slice %arg2[%dma_start3A_261, %dma_start3A_262] : memref<80000x16xf32, #tpu.memory_space<hbm>> -> memref<80000x16xf32, #tpu.memory_space<hbm>>
      tpu.enqueue_indirect_dma source(%dma_start3A_263 : memref<80000x16xf32, #tpu.memory_space<hbm>>) target(%arg15 : memref<128x16xf32, #tpu.memory_space<vmem>>) offsets(%dma_start3A_260 : memref<128xi32, #tpu.memory_space<vmem>>) semaphore(%arg17 : memref<!tpu.dma_semaphore, #tpu.memory_space<semaphore_mem>>)
      %dma_wait3A = arith.constant 0 : i32
      %dma_wait3A_264 = tpu.memref_slice %arg14[%scan3A_258, %dma_wait3A] : memref<79x128xi32, #tpu.memory_space<vmem>> -> memref<1x128xi32, #tpu.memory_space<vmem>>
      %dma_wait3A_265 = tpu.memref_squeeze %dma_wait3A_264 : memref<1x128xi32, #tpu.memory_space<vmem>> -> memref<128xi32, #tpu.memory_space<vmem>>
      %dma_wait3A_266 = arith.constant 0 : i32
      %dma_wait3A_267 = arith.constant 0 : i32
      %dma_wait3A_268 = tpu.memref_slice %arg2[%dma_wait3A_266, %dma_wait3A_267] : memref<80000x16xf32, #tpu.memory_space<hbm>> -> memref<80000x16xf32, #tpu.memory_space<hbm>>
      tpu.wait_indirect_dma semaphore(%arg17 : memref<!tpu.dma_semaphore, #tpu.memory_space<semaphore_mem>>) src(%dma_wait3A_268 : memref<80000x16xf32, #tpu.memory_space<hbm>>) dst(%arg15 : memref<128x16xf32, #tpu.memory_space<vmem>>)
      "tpu.region"() ({
        %run_scoped3A = tpu.sem_alloc : memref<!tpu.dma_semaphore, #tpu.memory_space<semaphore_mem>>
        %dma_start3A_269 = arith.constant 0 : i32
        %dma_start3A_270 = tpu.memref_slice %arg13[%scan3A_258, %dma_start3A_269] : memref<79x128xi32, #tpu.memory_space<vmem>> -> memref<1x128xi32, #tpu.memory_space<vmem>>
        %dma_start3A_271 = tpu.memref_squeeze %dma_start3A_270 : memref<1x128xi32, #tpu.memory_space<vmem>> -> memref<128xi32, #tpu.memory_space<vmem>>
        %dma_start3A_272 = arith.constant 0 : i32
        %dma_start3A_273 = arith.constant 0 : i32
        %dma_start3A_274 = tpu.memref_slice %arg9[%dma_start3A_272, %dma_start3A_273] : memref<50016x16xf32, #tpu.memory_space<vmem_shared>> -> memref<50016x16xf32, #tpu.memory_space<vmem_shared>>
        tpu.enqueue_indirect_dma source(%arg15 : memref<128x16xf32, #tpu.memory_space<vmem>>) target(%dma_start3A_274 : memref<50016x16xf32, #tpu.memory_space<vmem_shared>>) offsets(%dma_start3A_271 : memref<128xi32, #tpu.memory_space<vmem>>) semaphore(%run_scoped3A : memref<!tpu.dma_semaphore, #tpu.memory_space<semaphore_mem>>) {add = true}
        %dma_wait3A_275 = arith.constant 0 : i32
        %dma_wait3A_276 = tpu.memref_slice %arg13[%scan3A_258, %dma_wait3A_275] : memref<79x128xi32, #tpu.memory_space<vmem>> -> memref<1x128xi32, #tpu.memory_space<vmem>>
        %dma_wait3A_277 = tpu.memref_squeeze %dma_wait3A_276 : memref<1x128xi32, #tpu.memory_space<vmem>> -> memref<128xi32, #tpu.memory_space<vmem>>
        %dma_wait3A_278 = arith.constant 0 : i32
        %dma_wait3A_279 = arith.constant 0 : i32
        %dma_wait3A_280 = tpu.memref_slice %arg9[%dma_wait3A_278, %dma_wait3A_279] : memref<50016x16xf32, #tpu.memory_space<vmem_shared>> -> memref<50016x16xf32, #tpu.memory_space<vmem_shared>>
        tpu.wait_indirect_dma semaphore(%run_scoped3A : memref<!tpu.dma_semaphore, #tpu.memory_space<semaphore_mem>>) src(%arg15 : memref<128x16xf32, #tpu.memory_space<vmem>>) dst(%dma_wait3A_280 : memref<50016x16xf32, #tpu.memory_space<vmem_shared>>)
        tpu.yield
      }) : () -> ()
    }
    %scan3A_19 = arith.constant 79 : i32
    %barrier3A_20 = arith.constant 0 : index
    tpu.barrier barrier_id(%barrier3A_20)
    %eq3A_21 = arith.constant 0 : i32
    %eq3A_22 = arith.cmpi eq, %arg1, %eq3A_21 : i32
    %convert_element_type3A_23 = arith.extui %eq3A_22 : i1 to i32
    %cond3A_24 = arith.constant 0 : i32
    %cond3A_25 = arith.cmpi ne, %convert_element_type3A_23, %cond3A_24 : i32
    scf.if %cond3A_25 {
      %run_scoped3A = arith.constant 0 : i32
      "tpu.region"() ({
        %run_scoped3A_258 = tpu.sem_alloc : memref<!tpu.dma_semaphore, #tpu.memory_space<semaphore_mem>>
        %dma_start3A = arith.constant 0 : i32
        %dma_start3A_259 = arith.constant 0 : i32
        %dma_start3A_260 = tpu.memref_slice %arg7[%arg0, %run_scoped3A, %dma_start3A, %dma_start3A_259] : memref<2x8x50000x16xf32, #tpu.memory_space<hbm>> -> memref<1x1x50000x16xf32, #tpu.memory_space<hbm>>
        %dma_start3A_261 = tpu.memref_squeeze %dma_start3A_260 : memref<1x1x50000x16xf32, #tpu.memory_space<hbm>> -> memref<50000x16xf32, #tpu.memory_space<hbm>>
        %dma_start3A_262 = arith.constant 0 : i32
        %dma_start3A_263 = arith.constant 0 : i32
        %dma_start3A_264 = tpu.memref_slice %arg9[%dma_start3A_262, %dma_start3A_263] : memref<50016x16xf32, #tpu.memory_space<vmem_shared>> -> memref<50000x16xf32, #tpu.memory_space<vmem_shared>>
        tpu.enqueue_dma source(%dma_start3A_264 : memref<50000x16xf32, #tpu.memory_space<vmem_shared>>) target(%dma_start3A_261 : memref<50000x16xf32, #tpu.memory_space<hbm>>) target_semaphore(%run_scoped3A_258 : memref<!tpu.dma_semaphore, #tpu.memory_space<semaphore_mem>>)
        %dma_wait3A = arith.constant 0 : i32
        %dma_wait3A_265 = arith.constant 0 : i32
        %dma_wait3A_266 = tpu.memref_slice %arg7[%arg0, %run_scoped3A, %dma_wait3A, %dma_wait3A_265] : memref<2x8x50000x16xf32, #tpu.memory_space<hbm>> -> memref<1x1x50000x16xf32, #tpu.memory_space<hbm>>
        %dma_wait3A_267 = tpu.memref_squeeze %dma_wait3A_266 : memref<1x1x50000x16xf32, #tpu.memory_space<hbm>> -> memref<50000x16xf32, #tpu.memory_space<hbm>>
        %dma_wait3A_268 = arith.constant 0 : i32
        %dma_wait3A_269 = arith.constant 0 : i32
        %dma_wait3A_270 = tpu.memref_slice %arg9[%dma_wait3A_268, %dma_wait3A_269] : memref<50016x16xf32, #tpu.memory_space<vmem_shared>> -> memref<50000x16xf32, #tpu.memory_space<vmem_shared>>
        tpu.wait_dma2 semaphore(%run_scoped3A_258 : memref<!tpu.dma_semaphore, #tpu.memory_space<semaphore_mem>>) src(%dma_wait3A_270 : memref<50000x16xf32, #tpu.memory_space<vmem_shared>>) dst(%dma_wait3A_267 : memref<50000x16xf32, #tpu.memory_space<hbm>>)
        tpu.yield
      }) : () -> ()
    } else {
    }
    %barrier3A_26 = arith.constant 0 : index
    tpu.barrier barrier_id(%barrier3A_26)
    %eq3A_27 = arith.constant 0 : i32
    %eq3A_28 = arith.cmpi eq, %arg1, %eq3A_27 : i32
    %convert_element_type3A_29 = arith.extui %eq3A_28 : i1 to i32
    %cond3A_30 = arith.constant 0 : i32
    %cond3A_31 = arith.cmpi ne, %convert_element_type3A_29, %cond3A_30 : i32
    scf.if %cond3A_31 {
      "tpu.region"() ({
        %run_scoped3A = tpu.sem_alloc : memref<!tpu.dma_semaphore, #tpu.memory_space<semaphore_mem>>
        %dma_start3A = arith.constant 0 : i32
        %dma_start3A_258 = arith.constant 0 : i32
        %dma_start3A_259 = tpu.memref_slice %arg9[%dma_start3A, %dma_start3A_258] : memref<50016x16xf32, #tpu.memory_space<vmem_shared>> -> memref<50016x16xf32, #tpu.memory_space<vmem_shared>>
        %dma_start3A_260 = arith.constant 0 : i32
        %dma_start3A_261 = arith.constant 0 : i32
        %dma_start3A_262 = tpu.memref_slice %arg6[%dma_start3A_260, %dma_start3A_261] : memref<50016x16xf32, #tpu.memory_space<hbm>> -> memref<50016x16xf32, #tpu.memory_space<hbm>>
        tpu.enqueue_dma source(%dma_start3A_262 : memref<50016x16xf32, #tpu.memory_space<hbm>>) target(%dma_start3A_259 : memref<50016x16xf32, #tpu.memory_space<vmem_shared>>) target_semaphore(%run_scoped3A : memref<!tpu.dma_semaphore, #tpu.memory_space<semaphore_mem>>)
        %dma_wait3A = arith.constant 0 : i32
        %dma_wait3A_263 = arith.constant 0 : i32
        %dma_wait3A_264 = tpu.memref_slice %arg9[%dma_wait3A, %dma_wait3A_263] : memref<50016x16xf32, #tpu.memory_space<vmem_shared>> -> memref<50016x16xf32, #tpu.memory_space<vmem_shared>>
        %dma_wait3A_265 = arith.constant 0 : i32
        %dma_wait3A_266 = arith.constant 0 : i32
        %dma_wait3A_267 = tpu.memref_slice %arg6[%dma_wait3A_265, %dma_wait3A_266] : memref<50016x16xf32, #tpu.memory_space<hbm>> -> memref<50016x16xf32, #tpu.memory_space<hbm>>
        tpu.wait_dma2 semaphore(%run_scoped3A : memref<!tpu.dma_semaphore, #tpu.memory_space<semaphore_mem>>) src(%dma_wait3A_267 : memref<50016x16xf32, #tpu.memory_space<hbm>>) dst(%dma_wait3A_264 : memref<50016x16xf32, #tpu.memory_space<vmem_shared>>)
        tpu.yield
      }) : () -> ()
    } else {
    }
    %barrier3A_32 = arith.constant 0 : index
    tpu.barrier barrier_id(%barrier3A_32)
    %scan3A_33 = arith.constant 0 : i32
    %scan3A_34 = arith.constant 0 : i32
    %scan3A_35 = arith.constant 79 : i32
    %scan3A_36 = arith.addi %scan3A_34, %scan3A_35 : i32
    %scan3A_37 = arith.constant 1 : i32
    scf.for %scan3A_258 = %scan3A_34 to %scan3A_36 step %scan3A_37  : i32 {
      %scan3A_259 = arith.constant 0 : i32
      %scan3A_260 = arith.constant 8 : i32
      %scan3A_261 = arith.addi %scan3A_259, %scan3A_260 : i32
      %scan3A_262 = arith.constant 1 : i32
      scf.for %scan3A_264 = %scan3A_259 to %scan3A_261 step %scan3A_262  : i32 {
        %mul3A_265 = arith.constant 16 : i32
        %mul3A_266 = arith.muli %scan3A_264, %mul3A_265 : i32
        %get3A = arith.index_cast %scan3A_258 : i32 to index
        %get3A_267 = arith.index_cast %mul3A_266 : i32 to index
        %get3A_268 = tpu.vector_load %arg10[%get3A, %get3A_267] {strides = array<i32>} : memref<79x128xi32, #tpu.memory_space<vmem>>, vector<1x16xi32>,
        %get3A_269 = vector.shape_cast %get3A_268 : vector<1x16xi32> to vector<16xi32>
        %add3A_270 = arith.constant 10000 : i32
        %add3A_271 = vector.broadcast %add3A_270 : i32 to vector<16xi32>
        %add3A_272 = arith.addi %get3A_269, %add3A_271 : vector<16xi32>
        %mul3A_273 = arith.constant 16 : i32
        %mul3A_274 = arith.muli %scan3A_264, %mul3A_273 : i32
        %swap3A = arith.index_cast %scan3A_258 : i32 to index
        %swap3A_275 = arith.index_cast %mul3A_274 : i32 to index
        %swap3A_276 = tpu.vector_load %arg14[%swap3A, %swap3A_275] {strides = array<i32>} : memref<79x128xi32, #tpu.memory_space<vmem>>, vector<1x16xi32>,
        %swap3A_277 = vector.shape_cast %swap3A_276 : vector<1x16xi32> to vector<16xi32>
        %swap3A_278 = vector.shape_cast %add3A_272 : vector<16xi32> to vector<1x16xi32>
        tpu.vector_store %arg14[%swap3A, %swap3A_275], %swap3A_278 {strides = array<i32>} : memref<79x128xi32, #tpu.memory_space<vmem>>, vector<1x16xi32>,
      }
      %scan3A_263 = arith.constant 8 : i32
    }
    %scan3A_38 = arith.constant 79 : i32
    %scan3A_39 = arith.constant 0 : i32
    %scan3A_40 = arith.constant 0 : i32
    %scan3A_41 = arith.constant 79 : i32
    %scan3A_42 = arith.addi %scan3A_40, %scan3A_41 : i32
    %scan3A_43 = arith.constant 1 : i32
    scf.for %scan3A_258 = %scan3A_40 to %scan3A_42 step %scan3A_43  : i32 {
      %dma_start3A = arith.constant 0 : i32
      %dma_start3A_259 = tpu.memref_slice %arg14[%scan3A_258, %dma_start3A] : memref<79x128xi32, #tpu.memory_space<vmem>> -> memref<1x128xi32, #tpu.memory_space<vmem>>
      %dma_start3A_260 = tpu.memref_squeeze %dma_start3A_259 : memref<1x128xi32, #tpu.memory_space<vmem>> -> memref<128xi32, #tpu.memory_space<vmem>>
      %dma_start3A_261 = arith.constant 0 : i32
      %dma_start3A_262 = arith.constant 0 : i32
      %dma_start3A_263 = tpu.memref_slice %arg2[%dma_start3A_261, %dma_start3A_262] : memref<80000x16xf32, #tpu.memory_space<hbm>> -> memref<80000x16xf32, #tpu.memory_space<hbm>>
      tpu.enqueue_indirect_dma source(%dma_start3A_263 : memref<80000x16xf32, #tpu.memory_space<hbm>>) target(%arg15 : memref<128x16xf32, #tpu.memory_space<vmem>>) offsets(%dma_start3A_260 : memref<128xi32, #tpu.memory_space<vmem>>) semaphore(%arg17 : memref<!tpu.dma_semaphore, #tpu.memory_space<semaphore_mem>>)
      %dma_wait3A = arith.constant 0 : i32
      %dma_wait3A_264 = tpu.memref_slice %arg14[%scan3A_258, %dma_wait3A] : memref<79x128xi32, #tpu.memory_space<vmem>> -> memref<1x128xi32, #tpu.memory_space<vmem>>
      %dma_wait3A_265 = tpu.memref_squeeze %dma_wait3A_264 : memref<1x128xi32, #tpu.memory_space<vmem>> -> memref<128xi32, #tpu.memory_space<vmem>>
      %dma_wait3A_266 = arith.constant 0 : i32
      %dma_wait3A_267 = arith.constant 0 : i32
      %dma_wait3A_268 = tpu.memref_slice %arg2[%dma_wait3A_266, %dma_wait3A_267] : memref<80000x16xf32, #tpu.memory_space<hbm>> -> memref<80000x16xf32, #tpu.memory_space<hbm>>
      tpu.wait_indirect_dma semaphore(%arg17 : memref<!tpu.dma_semaphore, #tpu.memory_space<semaphore_mem>>) src(%dma_wait3A_268 : memref<80000x16xf32, #tpu.memory_space<hbm>>) dst(%arg15 : memref<128x16xf32, #tpu.memory_space<vmem>>)
      "tpu.region"() ({
        %run_scoped3A = tpu.sem_alloc : memref<!tpu.dma_semaphore, #tpu.memory_space<semaphore_mem>>
        %dma_start3A_269 = arith.constant 0 : i32
        %dma_start3A_270 = tpu.memref_slice %arg13[%scan3A_258, %dma_start3A_269] : memref<79x128xi32, #tpu.memory_space<vmem>> -> memref<1x128xi32, #tpu.memory_space<vmem>>
        %dma_start3A_271 = tpu.memref_squeeze %dma_start3A_270 : memref<1x128xi32, #tpu.memory_space<vmem>> -> memref<128xi32, #tpu.memory_space<vmem>>
        %dma_start3A_272 = arith.constant 0 : i32
        %dma_start3A_273 = arith.constant 0 : i32
        %dma_start3A_274 = tpu.memref_slice %arg9[%dma_start3A_272, %dma_start3A_273] : memref<50016x16xf32, #tpu.memory_space<vmem_shared>> -> memref<50016x16xf32, #tpu.memory_space<vmem_shared>>
        tpu.enqueue_indirect_dma source(%arg15 : memref<128x16xf32, #tpu.memory_space<vmem>>) target(%dma_start3A_274 : memref<50016x16xf32, #tpu.memory_space<vmem_shared>>) offsets(%dma_start3A_271 : memref<128xi32, #tpu.memory_space<vmem>>) semaphore(%run_scoped3A : memref<!tpu.dma_semaphore, #tpu.memory_space<semaphore_mem>>) {add = true}
        %dma_wait3A_275 = arith.constant 0 : i32
        %dma_wait3A_276 = tpu.memref_slice %arg13[%scan3A_258, %dma_wait3A_275] : memref<79x128xi32, #tpu.memory_space<vmem>> -> memref<1x128xi32, #tpu.memory_space<vmem>>
        %dma_wait3A_277 = tpu.memref_squeeze %dma_wait3A_276 : memref<1x128xi32, #tpu.memory_space<vmem>> -> memref<128xi32, #tpu.memory_space<vmem>>
        %dma_wait3A_278 = arith.constant 0 : i32
        %dma_wait3A_279 = arith.constant 0 : i32
        %dma_wait3A_280 = tpu.memref_slice %arg9[%dma_wait3A_278, %dma_wait3A_279] : memref<50016x16xf32, #tpu.memory_space<vmem_shared>> -> memref<50016x16xf32, #tpu.memory_space<vmem_shared>>
        tpu.wait_indirect_dma semaphore(%run_scoped3A : memref<!tpu.dma_semaphore, #tpu.memory_space<semaphore_mem>>) src(%arg15 : memref<128x16xf32, #tpu.memory_space<vmem>>) dst(%dma_wait3A_280 : memref<50016x16xf32, #tpu.memory_space<vmem_shared>>)
        tpu.yield
      }) : () -> ()
    }
    %scan3A_44 = arith.constant 79 : i32
    %barrier3A_45 = arith.constant 0 : index
    tpu.barrier barrier_id(%barrier3A_45)
    %eq3A_46 = arith.constant 0 : i32
    %eq3A_47 = arith.cmpi eq, %arg1, %eq3A_46 : i32
    %convert_element_type3A_48 = arith.extui %eq3A_47 : i1 to i32
    %cond3A_49 = arith.constant 0 : i32
    %cond3A_50 = arith.cmpi ne, %convert_element_type3A_48, %cond3A_49 : i32
    scf.if %cond3A_50 {
      %run_scoped3A = arith.constant 1 : i32
      "tpu.region"() ({
        %run_scoped3A_258 = tpu.sem_alloc : memref<!tpu.dma_semaphore, #tpu.memory_space<semaphore_mem>>
        %dma_start3A = arith.constant 0 : i32
        %dma_start3A_259 = arith.constant 0 : i32
        %dma_start3A_260 = tpu.memref_slice %arg7[%arg0, %run_scoped3A, %dma_start3A, %dma_start3A_259] : memref<2x8x50000x16xf32, #tpu.memory_space<hbm>> -> memref<1x1x50000x16xf32, #tpu.memory_space<hbm>>
        %dma_start3A_261 = tpu.memref_squeeze %dma_start3A_260 : memref<1x1x50000x16xf32, #tpu.memory_space<hbm>> -> memref<50000x16xf32, #tpu.memory_space<hbm>>
        %dma_start3A_262 = arith.constant 0 : i32
        %dma_start3A_263 = arith.constant 0 : i32
        %dma_start3A_264 = tpu.memref_slice %arg9[%dma_start3A_262, %dma_start3A_263] : memref<50016x16xf32, #tpu.memory_space<vmem_shared>> -> memref<50000x16xf32, #tpu.memory_space<vmem_shared>>
        tpu.enqueue_dma source(%dma_start3A_264 : memref<50000x16xf32, #tpu.memory_space<vmem_shared>>) target(%dma_start3A_261 : memref<50000x16xf32, #tpu.memory_space<hbm>>) target_semaphore(%run_scoped3A_258 : memref<!tpu.dma_semaphore, #tpu.memory_space<semaphore_mem>>)
        %dma_wait3A = arith.constant 0 : i32
        %dma_wait3A_265 = arith.constant 0 : i32
        %dma_wait3A_266 = tpu.memref_slice %arg7[%arg0, %run_scoped3A, %dma_wait3A, %dma_wait3A_265] : memref<2x8x50000x16xf32, #tpu.memory_space<hbm>> -> memref<1x1x50000x16xf32, #tpu.memory_space<hbm>>
        %dma_wait3A_267 = tpu.memref_squeeze %dma_wait3A_266 : memref<1x1x50000x16xf32, #tpu.memory_space<hbm>> -> memref<50000x16xf32, #tpu.memory_space<hbm>>
        %dma_wait3A_268 = arith.constant 0 : i32
        %dma_wait3A_269 = arith.constant 0 : i32
        %dma_wait3A_270 = tpu.memref_slice %arg9[%dma_wait3A_268, %dma_wait3A_269] : memref<50016x16xf32, #tpu.memory_space<vmem_shared>> -> memref<50000x16xf32, #tpu.memory_space<vmem_shared>>
        tpu.wait_dma2 semaphore(%run_scoped3A_258 : memref<!tpu.dma_semaphore, #tpu.memory_space<semaphore_mem>>) src(%dma_wait3A_270 : memref<50000x16xf32, #tpu.memory_space<vmem_shared>>) dst(%dma_wait3A_267 : memref<50000x16xf32, #tpu.memory_space<hbm>>)
        tpu.yield
      }) : () -> ()
    } else {
    }
    %barrier3A_51 = arith.constant 0 : index
    tpu.barrier barrier_id(%barrier3A_51)
    %eq3A_52 = arith.constant 0 : i32
    %eq3A_53 = arith.cmpi eq, %arg1, %eq3A_52 : i32
    %convert_element_type3A_54 = arith.extui %eq3A_53 : i1 to i32
    %cond3A_55 = arith.constant 0 : i32
    %cond3A_56 = arith.cmpi ne, %convert_element_type3A_54, %cond3A_55 : i32
    scf.if %cond3A_56 {
      "tpu.region"() ({
        %run_scoped3A = tpu.sem_alloc : memref<!tpu.dma_semaphore, #tpu.memory_space<semaphore_mem>>
        %dma_start3A = arith.constant 0 : i32
        %dma_start3A_258 = arith.constant 0 : i32
        %dma_start3A_259 = tpu.memref_slice %arg9[%dma_start3A, %dma_start3A_258] : memref<50016x16xf32, #tpu.memory_space<vmem_shared>> -> memref<50016x16xf32, #tpu.memory_space<vmem_shared>>
        %dma_start3A_260 = arith.constant 0 : i32
        %dma_start3A_261 = arith.constant 0 : i32
        %dma_start3A_262 = tpu.memref_slice %arg6[%dma_start3A_260, %dma_start3A_261] : memref<50016x16xf32, #tpu.memory_space<hbm>> -> memref<50016x16xf32, #tpu.memory_space<hbm>>
        tpu.enqueue_dma source(%dma_start3A_262 : memref<50016x16xf32, #tpu.memory_space<hbm>>) target(%dma_start3A_259 : memref<50016x16xf32, #tpu.memory_space<vmem_shared>>) target_semaphore(%run_scoped3A : memref<!tpu.dma_semaphore, #tpu.memory_space<semaphore_mem>>)
        %dma_wait3A = arith.constant 0 : i32
        %dma_wait3A_263 = arith.constant 0 : i32
        %dma_wait3A_264 = tpu.memref_slice %arg9[%dma_wait3A, %dma_wait3A_263] : memref<50016x16xf32, #tpu.memory_space<vmem_shared>> -> memref<50016x16xf32, #tpu.memory_space<vmem_shared>>
        %dma_wait3A_265 = arith.constant 0 : i32
        %dma_wait3A_266 = arith.constant 0 : i32
        %dma_wait3A_267 = tpu.memref_slice %arg6[%dma_wait3A_265, %dma_wait3A_266] : memref<50016x16xf32, #tpu.memory_space<hbm>> -> memref<50016x16xf32, #tpu.memory_space<hbm>>
        tpu.wait_dma2 semaphore(%run_scoped3A : memref<!tpu.dma_semaphore, #tpu.memory_space<semaphore_mem>>) src(%dma_wait3A_267 : memref<50016x16xf32, #tpu.memory_space<hbm>>) dst(%dma_wait3A_264 : memref<50016x16xf32, #tpu.memory_space<vmem_shared>>)
        tpu.yield
      }) : () -> ()
    } else {
    }
    %barrier3A_57 = arith.constant 0 : index
    tpu.barrier barrier_id(%barrier3A_57)
    %scan3A_58 = arith.constant 0 : i32
    %scan3A_59 = arith.constant 0 : i32
    %scan3A_60 = arith.constant 79 : i32
    %scan3A_61 = arith.addi %scan3A_59, %scan3A_60 : i32
    %scan3A_62 = arith.constant 1 : i32
    scf.for %scan3A_258 = %scan3A_59 to %scan3A_61 step %scan3A_62  : i32 {
      %scan3A_259 = arith.constant 0 : i32
      %scan3A_260 = arith.constant 8 : i32
      %scan3A_261 = arith.addi %scan3A_259, %scan3A_260 : i32
      %scan3A_262 = arith.constant 1 : i32
      scf.for %scan3A_264 = %scan3A_259 to %scan3A_261 step %scan3A_262  : i32 {
        %mul3A_265 = arith.constant 16 : i32
        %mul3A_266 = arith.muli %scan3A_264, %mul3A_265 : i32
        %get3A = arith.index_cast %scan3A_258 : i32 to index
        %get3A_267 = arith.index_cast %mul3A_266 : i32 to index
        %get3A_268 = tpu.vector_load %arg10[%get3A, %get3A_267] {strides = array<i32>} : memref<79x128xi32, #tpu.memory_space<vmem>>, vector<1x16xi32>,
        %get3A_269 = vector.shape_cast %get3A_268 : vector<1x16xi32> to vector<16xi32>
        %add3A_270 = arith.constant 20000 : i32
        %add3A_271 = vector.broadcast %add3A_270 : i32 to vector<16xi32>
        %add3A_272 = arith.addi %get3A_269, %add3A_271 : vector<16xi32>
        %mul3A_273 = arith.constant 16 : i32
        %mul3A_274 = arith.muli %scan3A_264, %mul3A_273 : i32
        %swap3A = arith.index_cast %scan3A_258 : i32 to index
        %swap3A_275 = arith.index_cast %mul3A_274 : i32 to index
        %swap3A_276 = tpu.vector_load %arg14[%swap3A, %swap3A_275] {strides = array<i32>} : memref<79x128xi32, #tpu.memory_space<vmem>>, vector<1x16xi32>,
        %swap3A_277 = vector.shape_cast %swap3A_276 : vector<1x16xi32> to vector<16xi32>
        %swap3A_278 = vector.shape_cast %add3A_272 : vector<16xi32> to vector<1x16xi32>
        tpu.vector_store %arg14[%swap3A, %swap3A_275], %swap3A_278 {strides = array<i32>} : memref<79x128xi32, #tpu.memory_space<vmem>>, vector<1x16xi32>,
      }
      %scan3A_263 = arith.constant 8 : i32
    }
    %scan3A_63 = arith.constant 79 : i32
    %scan3A_64 = arith.constant 0 : i32
    %scan3A_65 = arith.constant 0 : i32
    %scan3A_66 = arith.constant 79 : i32
    %scan3A_67 = arith.addi %scan3A_65, %scan3A_66 : i32
    %scan3A_68 = arith.constant 1 : i32
    scf.for %scan3A_258 = %scan3A_65 to %scan3A_67 step %scan3A_68  : i32 {
      %dma_start3A = arith.constant 0 : i32
      %dma_start3A_259 = tpu.memref_slice %arg14[%scan3A_258, %dma_start3A] : memref<79x128xi32, #tpu.memory_space<vmem>> -> memref<1x128xi32, #tpu.memory_space<vmem>>
      %dma_start3A_260 = tpu.memref_squeeze %dma_start3A_259 : memref<1x128xi32, #tpu.memory_space<vmem>> -> memref<128xi32, #tpu.memory_space<vmem>>
      %dma_start3A_261 = arith.constant 0 : i32
      %dma_start3A_262 = arith.constant 0 : i32
      %dma_start3A_263 = tpu.memref_slice %arg2[%dma_start3A_261, %dma_start3A_262] : memref<80000x16xf32, #tpu.memory_space<hbm>> -> memref<80000x16xf32, #tpu.memory_space<hbm>>
      tpu.enqueue_indirect_dma source(%dma_start3A_263 : memref<80000x16xf32, #tpu.memory_space<hbm>>) target(%arg15 : memref<128x16xf32, #tpu.memory_space<vmem>>) offsets(%dma_start3A_260 : memref<128xi32, #tpu.memory_space<vmem>>) semaphore(%arg17 : memref<!tpu.dma_semaphore, #tpu.memory_space<semaphore_mem>>)
      %dma_wait3A = arith.constant 0 : i32
      %dma_wait3A_264 = tpu.memref_slice %arg14[%scan3A_258, %dma_wait3A] : memref<79x128xi32, #tpu.memory_space<vmem>> -> memref<1x128xi32, #tpu.memory_space<vmem>>
      %dma_wait3A_265 = tpu.memref_squeeze %dma_wait3A_264 : memref<1x128xi32, #tpu.memory_space<vmem>> -> memref<128xi32, #tpu.memory_space<vmem>>
      %dma_wait3A_266 = arith.constant 0 : i32
      %dma_wait3A_267 = arith.constant 0 : i32
      %dma_wait3A_268 = tpu.memref_slice %arg2[%dma_wait3A_266, %dma_wait3A_267] : memref<80000x16xf32, #tpu.memory_space<hbm>> -> memref<80000x16xf32, #tpu.memory_space<hbm>>
      tpu.wait_indirect_dma semaphore(%arg17 : memref<!tpu.dma_semaphore, #tpu.memory_space<semaphore_mem>>) src(%dma_wait3A_268 : memref<80000x16xf32, #tpu.memory_space<hbm>>) dst(%arg15 : memref<128x16xf32, #tpu.memory_space<vmem>>)
      "tpu.region"() ({
        %run_scoped3A = tpu.sem_alloc : memref<!tpu.dma_semaphore, #tpu.memory_space<semaphore_mem>>
        %dma_start3A_269 = arith.constant 0 : i32
        %dma_start3A_270 = tpu.memref_slice %arg13[%scan3A_258, %dma_start3A_269] : memref<79x128xi32, #tpu.memory_space<vmem>> -> memref<1x128xi32, #tpu.memory_space<vmem>>
        %dma_start3A_271 = tpu.memref_squeeze %dma_start3A_270 : memref<1x128xi32, #tpu.memory_space<vmem>> -> memref<128xi32, #tpu.memory_space<vmem>>
        %dma_start3A_272 = arith.constant 0 : i32
        %dma_start3A_273 = arith.constant 0 : i32
        %dma_start3A_274 = tpu.memref_slice %arg9[%dma_start3A_272, %dma_start3A_273] : memref<50016x16xf32, #tpu.memory_space<vmem_shared>> -> memref<50016x16xf32, #tpu.memory_space<vmem_shared>>
        tpu.enqueue_indirect_dma source(%arg15 : memref<128x16xf32, #tpu.memory_space<vmem>>) target(%dma_start3A_274 : memref<50016x16xf32, #tpu.memory_space<vmem_shared>>) offsets(%dma_start3A_271 : memref<128xi32, #tpu.memory_space<vmem>>) semaphore(%run_scoped3A : memref<!tpu.dma_semaphore, #tpu.memory_space<semaphore_mem>>) {add = true}
        %dma_wait3A_275 = arith.constant 0 : i32
        %dma_wait3A_276 = tpu.memref_slice %arg13[%scan3A_258, %dma_wait3A_275] : memref<79x128xi32, #tpu.memory_space<vmem>> -> memref<1x128xi32, #tpu.memory_space<vmem>>
        %dma_wait3A_277 = tpu.memref_squeeze %dma_wait3A_276 : memref<1x128xi32, #tpu.memory_space<vmem>> -> memref<128xi32, #tpu.memory_space<vmem>>
        %dma_wait3A_278 = arith.constant 0 : i32
        %dma_wait3A_279 = arith.constant 0 : i32
        %dma_wait3A_280 = tpu.memref_slice %arg9[%dma_wait3A_278, %dma_wait3A_279] : memref<50016x16xf32, #tpu.memory_space<vmem_shared>> -> memref<50016x16xf32, #tpu.memory_space<vmem_shared>>
        tpu.wait_indirect_dma semaphore(%run_scoped3A : memref<!tpu.dma_semaphore, #tpu.memory_space<semaphore_mem>>) src(%arg15 : memref<128x16xf32, #tpu.memory_space<vmem>>) dst(%dma_wait3A_280 : memref<50016x16xf32, #tpu.memory_space<vmem_shared>>)
        tpu.yield
      }) : () -> ()
    }
    %scan3A_69 = arith.constant 79 : i32
    %barrier3A_70 = arith.constant 0 : index
    tpu.barrier barrier_id(%barrier3A_70)
    %eq3A_71 = arith.constant 0 : i32
    %eq3A_72 = arith.cmpi eq, %arg1, %eq3A_71 : i32
    %convert_element_type3A_73 = arith.extui %eq3A_72 : i1 to i32
    %cond3A_74 = arith.constant 0 : i32
    %cond3A_75 = arith.cmpi ne, %convert_element_type3A_73, %cond3A_74 : i32
    scf.if %cond3A_75 {
      %run_scoped3A = arith.constant 2 : i32
      "tpu.region"() ({
        %run_scoped3A_258 = tpu.sem_alloc : memref<!tpu.dma_semaphore, #tpu.memory_space<semaphore_mem>>
        %dma_start3A = arith.constant 0 : i32
        %dma_start3A_259 = arith.constant 0 : i32
        %dma_start3A_260 = tpu.memref_slice %arg7[%arg0, %run_scoped3A, %dma_start3A, %dma_start3A_259] : memref<2x8x50000x16xf32, #tpu.memory_space<hbm>> -> memref<1x1x50000x16xf32, #tpu.memory_space<hbm>>
        %dma_start3A_261 = tpu.memref_squeeze %dma_start3A_260 : memref<1x1x50000x16xf32, #tpu.memory_space<hbm>> -> memref<50000x16xf32, #tpu.memory_space<hbm>>
        %dma_start3A_262 = arith.constant 0 : i32
        %dma_start3A_263 = arith.constant 0 : i32
        %dma_start3A_264 = tpu.memref_slice %arg9[%dma_start3A_262, %dma_start3A_263] : memref<50016x16xf32, #tpu.memory_space<vmem_shared>> -> memref<50000x16xf32, #tpu.memory_space<vmem_shared>>
        tpu.enqueue_dma source(%dma_start3A_264 : memref<50000x16xf32, #tpu.memory_space<vmem_shared>>) target(%dma_start3A_261 : memref<50000x16xf32, #tpu.memory_space<hbm>>) target_semaphore(%run_scoped3A_258 : memref<!tpu.dma_semaphore, #tpu.memory_space<semaphore_mem>>)
        %dma_wait3A = arith.constant 0 : i32
        %dma_wait3A_265 = arith.constant 0 : i32
        %dma_wait3A_266 = tpu.memref_slice %arg7[%arg0, %run_scoped3A, %dma_wait3A, %dma_wait3A_265] : memref<2x8x50000x16xf32, #tpu.memory_space<hbm>> -> memref<1x1x50000x16xf32, #tpu.memory_space<hbm>>
        %dma_wait3A_267 = tpu.memref_squeeze %dma_wait3A_266 : memref<1x1x50000x16xf32, #tpu.memory_space<hbm>> -> memref<50000x16xf32, #tpu.memory_space<hbm>>
        %dma_wait3A_268 = arith.constant 0 : i32
        %dma_wait3A_269 = arith.constant 0 : i32
        %dma_wait3A_270 = tpu.memref_slice %arg9[%dma_wait3A_268, %dma_wait3A_269] : memref<50016x16xf32, #tpu.memory_space<vmem_shared>> -> memref<50000x16xf32, #tpu.memory_space<vmem_shared>>
        tpu.wait_dma2 semaphore(%run_scoped3A_258 : memref<!tpu.dma_semaphore, #tpu.memory_space<semaphore_mem>>) src(%dma_wait3A_270 : memref<50000x16xf32, #tpu.memory_space<vmem_shared>>) dst(%dma_wait3A_267 : memref<50000x16xf32, #tpu.memory_space<hbm>>)
        tpu.yield
      }) : () -> ()
    } else {
    }
    %barrier3A_76 = arith.constant 0 : index
    tpu.barrier barrier_id(%barrier3A_76)
    %eq3A_77 = arith.constant 0 : i32
    %eq3A_78 = arith.cmpi eq, %arg1, %eq3A_77 : i32
    %convert_element_type3A_79 = arith.extui %eq3A_78 : i1 to i32
    %cond3A_80 = arith.constant 0 : i32
    %cond3A_81 = arith.cmpi ne, %convert_element_type3A_79, %cond3A_80 : i32
    scf.if %cond3A_81 {
      "tpu.region"() ({
        %run_scoped3A = tpu.sem_alloc : memref<!tpu.dma_semaphore, #tpu.memory_space<semaphore_mem>>
        %dma_start3A = arith.constant 0 : i32
        %dma_start3A_258 = arith.constant 0 : i32
        %dma_start3A_259 = tpu.memref_slice %arg9[%dma_start3A, %dma_start3A_258] : memref<50016x16xf32, #tpu.memory_space<vmem_shared>> -> memref<50016x16xf32, #tpu.memory_space<vmem_shared>>
        %dma_start3A_260 = arith.constant 0 : i32
        %dma_start3A_261 = arith.constant 0 : i32
        %dma_start3A_262 = tpu.memref_slice %arg6[%dma_start3A_260, %dma_start3A_261] : memref<50016x16xf32, #tpu.memory_space<hbm>> -> memref<50016x16xf32, #tpu.memory_space<hbm>>
        tpu.enqueue_dma source(%dma_start3A_262 : memref<50016x16xf32, #tpu.memory_space<hbm>>) target(%dma_start3A_259 : memref<50016x16xf32, #tpu.memory_space<vmem_shared>>) target_semaphore(%run_scoped3A : memref<!tpu.dma_semaphore, #tpu.memory_space<semaphore_mem>>)
        %dma_wait3A = arith.constant 0 : i32
        %dma_wait3A_263 = arith.constant 0 : i32
        %dma_wait3A_264 = tpu.memref_slice %arg9[%dma_wait3A, %dma_wait3A_263] : memref<50016x16xf32, #tpu.memory_space<vmem_shared>> -> memref<50016x16xf32, #tpu.memory_space<vmem_shared>>
        %dma_wait3A_265 = arith.constant 0 : i32
        %dma_wait3A_266 = arith.constant 0 : i32
        %dma_wait3A_267 = tpu.memref_slice %arg6[%dma_wait3A_265, %dma_wait3A_266] : memref<50016x16xf32, #tpu.memory_space<hbm>> -> memref<50016x16xf32, #tpu.memory_space<hbm>>
        tpu.wait_dma2 semaphore(%run_scoped3A : memref<!tpu.dma_semaphore, #tpu.memory_space<semaphore_mem>>) src(%dma_wait3A_267 : memref<50016x16xf32, #tpu.memory_space<hbm>>) dst(%dma_wait3A_264 : memref<50016x16xf32, #tpu.memory_space<vmem_shared>>)
        tpu.yield
      }) : () -> ()
    } else {
    }
    %barrier3A_82 = arith.constant 0 : index
    tpu.barrier barrier_id(%barrier3A_82)
    %scan3A_83 = arith.constant 0 : i32
    %scan3A_84 = arith.constant 0 : i32
    %scan3A_85 = arith.constant 79 : i32
    %scan3A_86 = arith.addi %scan3A_84, %scan3A_85 : i32
    %scan3A_87 = arith.constant 1 : i32
    scf.for %scan3A_258 = %scan3A_84 to %scan3A_86 step %scan3A_87  : i32 {
      %scan3A_259 = arith.constant 0 : i32
      %scan3A_260 = arith.constant 8 : i32
      %scan3A_261 = arith.addi %scan3A_259, %scan3A_260 : i32
      %scan3A_262 = arith.constant 1 : i32
      scf.for %scan3A_264 = %scan3A_259 to %scan3A_261 step %scan3A_262  : i32 {
        %mul3A_265 = arith.constant 16 : i32
        %mul3A_266 = arith.muli %scan3A_264, %mul3A_265 : i32
        %get3A = arith.index_cast %scan3A_258 : i32 to index
        %get3A_267 = arith.index_cast %mul3A_266 : i32 to index
        %get3A_268 = tpu.vector_load %arg10[%get3A, %get3A_267] {strides = array<i32>} : memref<79x128xi32, #tpu.memory_space<vmem>>, vector<1x16xi32>,
        %get3A_269 = vector.shape_cast %get3A_268 : vector<1x16xi32> to vector<16xi32>
        %add3A_270 = arith.constant 30000 : i32
        %add3A_271 = vector.broadcast %add3A_270 : i32 to vector<16xi32>
        %add3A_272 = arith.addi %get3A_269, %add3A_271 : vector<16xi32>
        %mul3A_273 = arith.constant 16 : i32
        %mul3A_274 = arith.muli %scan3A_264, %mul3A_273 : i32
        %swap3A = arith.index_cast %scan3A_258 : i32 to index
        %swap3A_275 = arith.index_cast %mul3A_274 : i32 to index
        %swap3A_276 = tpu.vector_load %arg14[%swap3A, %swap3A_275] {strides = array<i32>} : memref<79x128xi32, #tpu.memory_space<vmem>>, vector<1x16xi32>,
        %swap3A_277 = vector.shape_cast %swap3A_276 : vector<1x16xi32> to vector<16xi32>
        %swap3A_278 = vector.shape_cast %add3A_272 : vector<16xi32> to vector<1x16xi32>
        tpu.vector_store %arg14[%swap3A, %swap3A_275], %swap3A_278 {strides = array<i32>} : memref<79x128xi32, #tpu.memory_space<vmem>>, vector<1x16xi32>,
      }
      %scan3A_263 = arith.constant 8 : i32
    }
    %scan3A_88 = arith.constant 79 : i32
    %scan3A_89 = arith.constant 0 : i32
    %scan3A_90 = arith.constant 0 : i32
    %scan3A_91 = arith.constant 79 : i32
    %scan3A_92 = arith.addi %scan3A_90, %scan3A_91 : i32
    %scan3A_93 = arith.constant 1 : i32
    scf.for %scan3A_258 = %scan3A_90 to %scan3A_92 step %scan3A_93  : i32 {
      %dma_start3A = arith.constant 0 : i32
      %dma_start3A_259 = tpu.memref_slice %arg14[%scan3A_258, %dma_start3A] : memref<79x128xi32, #tpu.memory_space<vmem>> -> memref<1x128xi32, #tpu.memory_space<vmem>>
      %dma_start3A_260 = tpu.memref_squeeze %dma_start3A_259 : memref<1x128xi32, #tpu.memory_space<vmem>> -> memref<128xi32, #tpu.memory_space<vmem>>
      %dma_start3A_261 = arith.constant 0 : i32
      %dma_start3A_262 = arith.constant 0 : i32
      %dma_start3A_263 = tpu.memref_slice %arg2[%dma_start3A_261, %dma_start3A_262] : memref<80000x16xf32, #tpu.memory_space<hbm>> -> memref<80000x16xf32, #tpu.memory_space<hbm>>
      tpu.enqueue_indirect_dma source(%dma_start3A_263 : memref<80000x16xf32, #tpu.memory_space<hbm>>) target(%arg15 : memref<128x16xf32, #tpu.memory_space<vmem>>) offsets(%dma_start3A_260 : memref<128xi32, #tpu.memory_space<vmem>>) semaphore(%arg17 : memref<!tpu.dma_semaphore, #tpu.memory_space<semaphore_mem>>)
      %dma_wait3A = arith.constant 0 : i32
      %dma_wait3A_264 = tpu.memref_slice %arg14[%scan3A_258, %dma_wait3A] : memref<79x128xi32, #tpu.memory_space<vmem>> -> memref<1x128xi32, #tpu.memory_space<vmem>>
      %dma_wait3A_265 = tpu.memref_squeeze %dma_wait3A_264 : memref<1x128xi32, #tpu.memory_space<vmem>> -> memref<128xi32, #tpu.memory_space<vmem>>
      %dma_wait3A_266 = arith.constant 0 : i32
      %dma_wait3A_267 = arith.constant 0 : i32
      %dma_wait3A_268 = tpu.memref_slice %arg2[%dma_wait3A_266, %dma_wait3A_267] : memref<80000x16xf32, #tpu.memory_space<hbm>> -> memref<80000x16xf32, #tpu.memory_space<hbm>>
      tpu.wait_indirect_dma semaphore(%arg17 : memref<!tpu.dma_semaphore, #tpu.memory_space<semaphore_mem>>) src(%dma_wait3A_268 : memref<80000x16xf32, #tpu.memory_space<hbm>>) dst(%arg15 : memref<128x16xf32, #tpu.memory_space<vmem>>)
      "tpu.region"() ({
        %run_scoped3A = tpu.sem_alloc : memref<!tpu.dma_semaphore, #tpu.memory_space<semaphore_mem>>
        %dma_start3A_269 = arith.constant 0 : i32
        %dma_start3A_270 = tpu.memref_slice %arg13[%scan3A_258, %dma_start3A_269] : memref<79x128xi32, #tpu.memory_space<vmem>> -> memref<1x128xi32, #tpu.memory_space<vmem>>
        %dma_start3A_271 = tpu.memref_squeeze %dma_start3A_270 : memref<1x128xi32, #tpu.memory_space<vmem>> -> memref<128xi32, #tpu.memory_space<vmem>>
        %dma_start3A_272 = arith.constant 0 : i32
        %dma_start3A_273 = arith.constant 0 : i32
        %dma_start3A_274 = tpu.memref_slice %arg9[%dma_start3A_272, %dma_start3A_273] : memref<50016x16xf32, #tpu.memory_space<vmem_shared>> -> memref<50016x16xf32, #tpu.memory_space<vmem_shared>>
        tpu.enqueue_indirect_dma source(%arg15 : memref<128x16xf32, #tpu.memory_space<vmem>>) target(%dma_start3A_274 : memref<50016x16xf32, #tpu.memory_space<vmem_shared>>) offsets(%dma_start3A_271 : memref<128xi32, #tpu.memory_space<vmem>>) semaphore(%run_scoped3A : memref<!tpu.dma_semaphore, #tpu.memory_space<semaphore_mem>>) {add = true}
        %dma_wait3A_275 = arith.constant 0 : i32
        %dma_wait3A_276 = tpu.memref_slice %arg13[%scan3A_258, %dma_wait3A_275] : memref<79x128xi32, #tpu.memory_space<vmem>> -> memref<1x128xi32, #tpu.memory_space<vmem>>
        %dma_wait3A_277 = tpu.memref_squeeze %dma_wait3A_276 : memref<1x128xi32, #tpu.memory_space<vmem>> -> memref<128xi32, #tpu.memory_space<vmem>>
        %dma_wait3A_278 = arith.constant 0 : i32
        %dma_wait3A_279 = arith.constant 0 : i32
        %dma_wait3A_280 = tpu.memref_slice %arg9[%dma_wait3A_278, %dma_wait3A_279] : memref<50016x16xf32, #tpu.memory_space<vmem_shared>> -> memref<50016x16xf32, #tpu.memory_space<vmem_shared>>
        tpu.wait_indirect_dma semaphore(%run_scoped3A : memref<!tpu.dma_semaphore, #tpu.memory_space<semaphore_mem>>) src(%arg15 : memref<128x16xf32, #tpu.memory_space<vmem>>) dst(%dma_wait3A_280 : memref<50016x16xf32, #tpu.memory_space<vmem_shared>>)
        tpu.yield
      }) : () -> ()
    }
    %scan3A_94 = arith.constant 79 : i32
    %barrier3A_95 = arith.constant 0 : index
    tpu.barrier barrier_id(%barrier3A_95)
    %eq3A_96 = arith.constant 0 : i32
    %eq3A_97 = arith.cmpi eq, %arg1, %eq3A_96 : i32
    %convert_element_type3A_98 = arith.extui %eq3A_97 : i1 to i32
    %cond3A_99 = arith.constant 0 : i32
    %cond3A_100 = arith.cmpi ne, %convert_element_type3A_98, %cond3A_99 : i32
    scf.if %cond3A_100 {
      %run_scoped3A = arith.constant 3 : i32
      "tpu.region"() ({
        %run_scoped3A_258 = tpu.sem_alloc : memref<!tpu.dma_semaphore, #tpu.memory_space<semaphore_mem>>
        %dma_start3A = arith.constant 0 : i32
        %dma_start3A_259 = arith.constant 0 : i32
        %dma_start3A_260 = tpu.memref_slice %arg7[%arg0, %run_scoped3A, %dma_start3A, %dma_start3A_259] : memref<2x8x50000x16xf32, #tpu.memory_space<hbm>> -> memref<1x1x50000x16xf32, #tpu.memory_space<hbm>>
        %dma_start3A_261 = tpu.memref_squeeze %dma_start3A_260 : memref<1x1x50000x16xf32, #tpu.memory_space<hbm>> -> memref<50000x16xf32, #tpu.memory_space<hbm>>
        %dma_start3A_262 = arith.constant 0 : i32
        %dma_start3A_263 = arith.constant 0 : i32
        %dma_start3A_264 = tpu.memref_slice %arg9[%dma_start3A_262, %dma_start3A_263] : memref<50016x16xf32, #tpu.memory_space<vmem_shared>> -> memref<50000x16xf32, #tpu.memory_space<vmem_shared>>
        tpu.enqueue_dma source(%dma_start3A_264 : memref<50000x16xf32, #tpu.memory_space<vmem_shared>>) target(%dma_start3A_261 : memref<50000x16xf32, #tpu.memory_space<hbm>>) target_semaphore(%run_scoped3A_258 : memref<!tpu.dma_semaphore, #tpu.memory_space<semaphore_mem>>)
        %dma_wait3A = arith.constant 0 : i32
        %dma_wait3A_265 = arith.constant 0 : i32
        %dma_wait3A_266 = tpu.memref_slice %arg7[%arg0, %run_scoped3A, %dma_wait3A, %dma_wait3A_265] : memref<2x8x50000x16xf32, #tpu.memory_space<hbm>> -> memref<1x1x50000x16xf32, #tpu.memory_space<hbm>>
        %dma_wait3A_267 = tpu.memref_squeeze %dma_wait3A_266 : memref<1x1x50000x16xf32, #tpu.memory_space<hbm>> -> memref<50000x16xf32, #tpu.memory_space<hbm>>
        %dma_wait3A_268 = arith.constant 0 : i32
        %dma_wait3A_269 = arith.constant 0 : i32
        %dma_wait3A_270 = tpu.memref_slice %arg9[%dma_wait3A_268, %dma_wait3A_269] : memref<50016x16xf32, #tpu.memory_space<vmem_shared>> -> memref<50000x16xf32, #tpu.memory_space<vmem_shared>>
        tpu.wait_dma2 semaphore(%run_scoped3A_258 : memref<!tpu.dma_semaphore, #tpu.memory_space<semaphore_mem>>) src(%dma_wait3A_270 : memref<50000x16xf32, #tpu.memory_space<vmem_shared>>) dst(%dma_wait3A_267 : memref<50000x16xf32, #tpu.memory_space<hbm>>)
        tpu.yield
      }) : () -> ()
    } else {
    }
    %barrier3A_101 = arith.constant 0 : index
    tpu.barrier barrier_id(%barrier3A_101)
    %eq3A_102 = arith.constant 0 : i32
    %eq3A_103 = arith.cmpi eq, %arg1, %eq3A_102 : i32
    %convert_element_type3A_104 = arith.extui %eq3A_103 : i1 to i32
    %cond3A_105 = arith.constant 0 : i32
    %cond3A_106 = arith.cmpi ne, %convert_element_type3A_104, %cond3A_105 : i32
    scf.if %cond3A_106 {
      "tpu.region"() ({
        %run_scoped3A = tpu.sem_alloc : memref<!tpu.dma_semaphore, #tpu.memory_space<semaphore_mem>>
        %dma_start3A = arith.constant 0 : i32
        %dma_start3A_258 = arith.constant 0 : i32
        %dma_start3A_259 = tpu.memref_slice %arg9[%dma_start3A, %dma_start3A_258] : memref<50016x16xf32, #tpu.memory_space<vmem_shared>> -> memref<50016x16xf32, #tpu.memory_space<vmem_shared>>
        %dma_start3A_260 = arith.constant 0 : i32
        %dma_start3A_261 = arith.constant 0 : i32
        %dma_start3A_262 = tpu.memref_slice %arg6[%dma_start3A_260, %dma_start3A_261] : memref<50016x16xf32, #tpu.memory_space<hbm>> -> memref<50016x16xf32, #tpu.memory_space<hbm>>
        tpu.enqueue_dma source(%dma_start3A_262 : memref<50016x16xf32, #tpu.memory_space<hbm>>) target(%dma_start3A_259 : memref<50016x16xf32, #tpu.memory_space<vmem_shared>>) target_semaphore(%run_scoped3A : memref<!tpu.dma_semaphore, #tpu.memory_space<semaphore_mem>>)
        %dma_wait3A = arith.constant 0 : i32
        %dma_wait3A_263 = arith.constant 0 : i32
        %dma_wait3A_264 = tpu.memref_slice %arg9[%dma_wait3A, %dma_wait3A_263] : memref<50016x16xf32, #tpu.memory_space<vmem_shared>> -> memref<50016x16xf32, #tpu.memory_space<vmem_shared>>
        %dma_wait3A_265 = arith.constant 0 : i32
        %dma_wait3A_266 = arith.constant 0 : i32
        %dma_wait3A_267 = tpu.memref_slice %arg6[%dma_wait3A_265, %dma_wait3A_266] : memref<50016x16xf32, #tpu.memory_space<hbm>> -> memref<50016x16xf32, #tpu.memory_space<hbm>>
        tpu.wait_dma2 semaphore(%run_scoped3A : memref<!tpu.dma_semaphore, #tpu.memory_space<semaphore_mem>>) src(%dma_wait3A_267 : memref<50016x16xf32, #tpu.memory_space<hbm>>) dst(%dma_wait3A_264 : memref<50016x16xf32, #tpu.memory_space<vmem_shared>>)
        tpu.yield
      }) : () -> ()
    } else {
    }
    %barrier3A_107 = arith.constant 0 : index
    tpu.barrier barrier_id(%barrier3A_107)
    %scan3A_108 = arith.constant 0 : i32
    %scan3A_109 = arith.constant 0 : i32
    %scan3A_110 = arith.constant 79 : i32
    %scan3A_111 = arith.addi %scan3A_109, %scan3A_110 : i32
    %scan3A_112 = arith.constant 1 : i32
    scf.for %scan3A_258 = %scan3A_109 to %scan3A_111 step %scan3A_112  : i32 {
      %scan3A_259 = arith.constant 0 : i32
      %scan3A_260 = arith.constant 8 : i32
      %scan3A_261 = arith.addi %scan3A_259, %scan3A_260 : i32
      %scan3A_262 = arith.constant 1 : i32
      scf.for %scan3A_264 = %scan3A_259 to %scan3A_261 step %scan3A_262  : i32 {
        %mul3A_265 = arith.constant 16 : i32
        %mul3A_266 = arith.muli %scan3A_264, %mul3A_265 : i32
        %get3A = arith.index_cast %scan3A_258 : i32 to index
        %get3A_267 = arith.index_cast %mul3A_266 : i32 to index
        %get3A_268 = tpu.vector_load %arg10[%get3A, %get3A_267] {strides = array<i32>} : memref<79x128xi32, #tpu.memory_space<vmem>>, vector<1x16xi32>,
        %get3A_269 = vector.shape_cast %get3A_268 : vector<1x16xi32> to vector<16xi32>
        %add3A_270 = arith.constant 40000 : i32
        %add3A_271 = vector.broadcast %add3A_270 : i32 to vector<16xi32>
        %add3A_272 = arith.addi %get3A_269, %add3A_271 : vector<16xi32>
        %mul3A_273 = arith.constant 16 : i32
        %mul3A_274 = arith.muli %scan3A_264, %mul3A_273 : i32
        %swap3A = arith.index_cast %scan3A_258 : i32 to index
        %swap3A_275 = arith.index_cast %mul3A_274 : i32 to index
        %swap3A_276 = tpu.vector_load %arg14[%swap3A, %swap3A_275] {strides = array<i32>} : memref<79x128xi32, #tpu.memory_space<vmem>>, vector<1x16xi32>,
        %swap3A_277 = vector.shape_cast %swap3A_276 : vector<1x16xi32> to vector<16xi32>
        %swap3A_278 = vector.shape_cast %add3A_272 : vector<16xi32> to vector<1x16xi32>
        tpu.vector_store %arg14[%swap3A, %swap3A_275], %swap3A_278 {strides = array<i32>} : memref<79x128xi32, #tpu.memory_space<vmem>>, vector<1x16xi32>,
      }
      %scan3A_263 = arith.constant 8 : i32
    }
    %scan3A_113 = arith.constant 79 : i32
    %scan3A_114 = arith.constant 0 : i32
    %scan3A_115 = arith.constant 0 : i32
    %scan3A_116 = arith.constant 79 : i32
    %scan3A_117 = arith.addi %scan3A_115, %scan3A_116 : i32
    %scan3A_118 = arith.constant 1 : i32
    scf.for %scan3A_258 = %scan3A_115 to %scan3A_117 step %scan3A_118  : i32 {
      %dma_start3A = arith.constant 0 : i32
      %dma_start3A_259 = tpu.memref_slice %arg14[%scan3A_258, %dma_start3A] : memref<79x128xi32, #tpu.memory_space<vmem>> -> memref<1x128xi32, #tpu.memory_space<vmem>>
      %dma_start3A_260 = tpu.memref_squeeze %dma_start3A_259 : memref<1x128xi32, #tpu.memory_space<vmem>> -> memref<128xi32, #tpu.memory_space<vmem>>
      %dma_start3A_261 = arith.constant 0 : i32
      %dma_start3A_262 = arith.constant 0 : i32
      %dma_start3A_263 = tpu.memref_slice %arg2[%dma_start3A_261, %dma_start3A_262] : memref<80000x16xf32, #tpu.memory_space<hbm>> -> memref<80000x16xf32, #tpu.memory_space<hbm>>
      tpu.enqueue_indirect_dma source(%dma_start3A_263 : memref<80000x16xf32, #tpu.memory_space<hbm>>) target(%arg15 : memref<128x16xf32, #tpu.memory_space<vmem>>) offsets(%dma_start3A_260 : memref<128xi32, #tpu.memory_space<vmem>>) semaphore(%arg17 : memref<!tpu.dma_semaphore, #tpu.memory_space<semaphore_mem>>)
      %dma_wait3A = arith.constant 0 : i32
      %dma_wait3A_264 = tpu.memref_slice %arg14[%scan3A_258, %dma_wait3A] : memref<79x128xi32, #tpu.memory_space<vmem>> -> memref<1x128xi32, #tpu.memory_space<vmem>>
      %dma_wait3A_265 = tpu.memref_squeeze %dma_wait3A_264 : memref<1x128xi32, #tpu.memory_space<vmem>> -> memref<128xi32, #tpu.memory_space<vmem>>
      %dma_wait3A_266 = arith.constant 0 : i32
      %dma_wait3A_267 = arith.constant 0 : i32
      %dma_wait3A_268 = tpu.memref_slice %arg2[%dma_wait3A_266, %dma_wait3A_267] : memref<80000x16xf32, #tpu.memory_space<hbm>> -> memref<80000x16xf32, #tpu.memory_space<hbm>>
      tpu.wait_indirect_dma semaphore(%arg17 : memref<!tpu.dma_semaphore, #tpu.memory_space<semaphore_mem>>) src(%dma_wait3A_268 : memref<80000x16xf32, #tpu.memory_space<hbm>>) dst(%arg15 : memref<128x16xf32, #tpu.memory_space<vmem>>)
      "tpu.region"() ({
        %run_scoped3A = tpu.sem_alloc : memref<!tpu.dma_semaphore, #tpu.memory_space<semaphore_mem>>
        %dma_start3A_269 = arith.constant 0 : i32
        %dma_start3A_270 = tpu.memref_slice %arg13[%scan3A_258, %dma_start3A_269] : memref<79x128xi32, #tpu.memory_space<vmem>> -> memref<1x128xi32, #tpu.memory_space<vmem>>
        %dma_start3A_271 = tpu.memref_squeeze %dma_start3A_270 : memref<1x128xi32, #tpu.memory_space<vmem>> -> memref<128xi32, #tpu.memory_space<vmem>>
        %dma_start3A_272 = arith.constant 0 : i32
        %dma_start3A_273 = arith.constant 0 : i32
        %dma_start3A_274 = tpu.memref_slice %arg9[%dma_start3A_272, %dma_start3A_273] : memref<50016x16xf32, #tpu.memory_space<vmem_shared>> -> memref<50016x16xf32, #tpu.memory_space<vmem_shared>>
        tpu.enqueue_indirect_dma source(%arg15 : memref<128x16xf32, #tpu.memory_space<vmem>>) target(%dma_start3A_274 : memref<50016x16xf32, #tpu.memory_space<vmem_shared>>) offsets(%dma_start3A_271 : memref<128xi32, #tpu.memory_space<vmem>>) semaphore(%run_scoped3A : memref<!tpu.dma_semaphore, #tpu.memory_space<semaphore_mem>>) {add = true}
        %dma_wait3A_275 = arith.constant 0 : i32
        %dma_wait3A_276 = tpu.memref_slice %arg13[%scan3A_258, %dma_wait3A_275] : memref<79x128xi32, #tpu.memory_space<vmem>> -> memref<1x128xi32, #tpu.memory_space<vmem>>
        %dma_wait3A_277 = tpu.memref_squeeze %dma_wait3A_276 : memref<1x128xi32, #tpu.memory_space<vmem>> -> memref<128xi32, #tpu.memory_space<vmem>>
        %dma_wait3A_278 = arith.constant 0 : i32
        %dma_wait3A_279 = arith.constant 0 : i32
        %dma_wait3A_280 = tpu.memref_slice %arg9[%dma_wait3A_278, %dma_wait3A_279] : memref<50016x16xf32, #tpu.memory_space<vmem_shared>> -> memref<50016x16xf32, #tpu.memory_space<vmem_shared>>
        tpu.wait_indirect_dma semaphore(%run_scoped3A : memref<!tpu.dma_semaphore, #tpu.memory_space<semaphore_mem>>) src(%arg15 : memref<128x16xf32, #tpu.memory_space<vmem>>) dst(%dma_wait3A_280 : memref<50016x16xf32, #tpu.memory_space<vmem_shared>>)
        tpu.yield
      }) : () -> ()
    }
    %scan3A_119 = arith.constant 79 : i32
    %barrier3A_120 = arith.constant 0 : index
    tpu.barrier barrier_id(%barrier3A_120)
    %eq3A_121 = arith.constant 0 : i32
    %eq3A_122 = arith.cmpi eq, %arg1, %eq3A_121 : i32
    %convert_element_type3A_123 = arith.extui %eq3A_122 : i1 to i32
    %cond3A_124 = arith.constant 0 : i32
    %cond3A_125 = arith.cmpi ne, %convert_element_type3A_123, %cond3A_124 : i32
    scf.if %cond3A_125 {
      %run_scoped3A = arith.constant 4 : i32
      "tpu.region"() ({
        %run_scoped3A_258 = tpu.sem_alloc : memref<!tpu.dma_semaphore, #tpu.memory_space<semaphore_mem>>
        %dma_start3A = arith.constant 0 : i32
        %dma_start3A_259 = arith.constant 0 : i32
        %dma_start3A_260 = tpu.memref_slice %arg7[%arg0, %run_scoped3A, %dma_start3A, %dma_start3A_259] : memref<2x8x50000x16xf32, #tpu.memory_space<hbm>> -> memref<1x1x50000x16xf32, #tpu.memory_space<hbm>>
        %dma_start3A_261 = tpu.memref_squeeze %dma_start3A_260 : memref<1x1x50000x16xf32, #tpu.memory_space<hbm>> -> memref<50000x16xf32, #tpu.memory_space<hbm>>
        %dma_start3A_262 = arith.constant 0 : i32
        %dma_start3A_263 = arith.constant 0 : i32
        %dma_start3A_264 = tpu.memref_slice %arg9[%dma_start3A_262, %dma_start3A_263] : memref<50016x16xf32, #tpu.memory_space<vmem_shared>> -> memref<50000x16xf32, #tpu.memory_space<vmem_shared>>
        tpu.enqueue_dma source(%dma_start3A_264 : memref<50000x16xf32, #tpu.memory_space<vmem_shared>>) target(%dma_start3A_261 : memref<50000x16xf32, #tpu.memory_space<hbm>>) target_semaphore(%run_scoped3A_258 : memref<!tpu.dma_semaphore, #tpu.memory_space<semaphore_mem>>)
        %dma_wait3A = arith.constant 0 : i32
        %dma_wait3A_265 = arith.constant 0 : i32
        %dma_wait3A_266 = tpu.memref_slice %arg7[%arg0, %run_scoped3A, %dma_wait3A, %dma_wait3A_265] : memref<2x8x50000x16xf32, #tpu.memory_space<hbm>> -> memref<1x1x50000x16xf32, #tpu.memory_space<hbm>>
        %dma_wait3A_267 = tpu.memref_squeeze %dma_wait3A_266 : memref<1x1x50000x16xf32, #tpu.memory_space<hbm>> -> memref<50000x16xf32, #tpu.memory_space<hbm>>
        %dma_wait3A_268 = arith.constant 0 : i32
        %dma_wait3A_269 = arith.constant 0 : i32
        %dma_wait3A_270 = tpu.memref_slice %arg9[%dma_wait3A_268, %dma_wait3A_269] : memref<50016x16xf32, #tpu.memory_space<vmem_shared>> -> memref<50000x16xf32, #tpu.memory_space<vmem_shared>>
        tpu.wait_dma2 semaphore(%run_scoped3A_258 : memref<!tpu.dma_semaphore, #tpu.memory_space<semaphore_mem>>) src(%dma_wait3A_270 : memref<50000x16xf32, #tpu.memory_space<vmem_shared>>) dst(%dma_wait3A_267 : memref<50000x16xf32, #tpu.memory_space<hbm>>)
        tpu.yield
      }) : () -> ()
    } else {
    }
    %barrier3A_126 = arith.constant 0 : index
    tpu.barrier barrier_id(%barrier3A_126)
    %eq3A_127 = arith.constant 0 : i32
    %eq3A_128 = arith.cmpi eq, %arg1, %eq3A_127 : i32
    %convert_element_type3A_129 = arith.extui %eq3A_128 : i1 to i32
    %cond3A_130 = arith.constant 0 : i32
    %cond3A_131 = arith.cmpi ne, %convert_element_type3A_129, %cond3A_130 : i32
    scf.if %cond3A_131 {
      "tpu.region"() ({
        %run_scoped3A = tpu.sem_alloc : memref<!tpu.dma_semaphore, #tpu.memory_space<semaphore_mem>>
        %dma_start3A = arith.constant 0 : i32
        %dma_start3A_258 = arith.constant 0 : i32
        %dma_start3A_259 = tpu.memref_slice %arg9[%dma_start3A, %dma_start3A_258] : memref<50016x16xf32, #tpu.memory_space<vmem_shared>> -> memref<50016x16xf32, #tpu.memory_space<vmem_shared>>
        %dma_start3A_260 = arith.constant 0 : i32
        %dma_start3A_261 = arith.constant 0 : i32
        %dma_start3A_262 = tpu.memref_slice %arg6[%dma_start3A_260, %dma_start3A_261] : memref<50016x16xf32, #tpu.memory_space<hbm>> -> memref<50016x16xf32, #tpu.memory_space<hbm>>
        tpu.enqueue_dma source(%dma_start3A_262 : memref<50016x16xf32, #tpu.memory_space<hbm>>) target(%dma_start3A_259 : memref<50016x16xf32, #tpu.memory_space<vmem_shared>>) target_semaphore(%run_scoped3A : memref<!tpu.dma_semaphore, #tpu.memory_space<semaphore_mem>>)
        %dma_wait3A = arith.constant 0 : i32
        %dma_wait3A_263 = arith.constant 0 : i32
        %dma_wait3A_264 = tpu.memref_slice %arg9[%dma_wait3A, %dma_wait3A_263] : memref<50016x16xf32, #tpu.memory_space<vmem_shared>> -> memref<50016x16xf32, #tpu.memory_space<vmem_shared>>
        %dma_wait3A_265 = arith.constant 0 : i32
        %dma_wait3A_266 = arith.constant 0 : i32
        %dma_wait3A_267 = tpu.memref_slice %arg6[%dma_wait3A_265, %dma_wait3A_266] : memref<50016x16xf32, #tpu.memory_space<hbm>> -> memref<50016x16xf32, #tpu.memory_space<hbm>>
        tpu.wait_dma2 semaphore(%run_scoped3A : memref<!tpu.dma_semaphore, #tpu.memory_space<semaphore_mem>>) src(%dma_wait3A_267 : memref<50016x16xf32, #tpu.memory_space<hbm>>) dst(%dma_wait3A_264 : memref<50016x16xf32, #tpu.memory_space<vmem_shared>>)
        tpu.yield
      }) : () -> ()
    } else {
    }
    %barrier3A_132 = arith.constant 0 : index
    tpu.barrier barrier_id(%barrier3A_132)
    %scan3A_133 = arith.constant 0 : i32
    %scan3A_134 = arith.constant 0 : i32
    %scan3A_135 = arith.constant 79 : i32
    %scan3A_136 = arith.addi %scan3A_134, %scan3A_135 : i32
    %scan3A_137 = arith.constant 1 : i32
    scf.for %scan3A_258 = %scan3A_134 to %scan3A_136 step %scan3A_137  : i32 {
      %scan3A_259 = arith.constant 0 : i32
      %scan3A_260 = arith.constant 8 : i32
      %scan3A_261 = arith.addi %scan3A_259, %scan3A_260 : i32
      %scan3A_262 = arith.constant 1 : i32
      scf.for %scan3A_264 = %scan3A_259 to %scan3A_261 step %scan3A_262  : i32 {
        %mul3A_265 = arith.constant 16 : i32
        %mul3A_266 = arith.muli %scan3A_264, %mul3A_265 : i32
        %get3A = arith.index_cast %scan3A_258 : i32 to index
        %get3A_267 = arith.index_cast %mul3A_266 : i32 to index
        %get3A_268 = tpu.vector_load %arg10[%get3A, %get3A_267] {strides = array<i32>} : memref<79x128xi32, #tpu.memory_space<vmem>>, vector<1x16xi32>,
        %get3A_269 = vector.shape_cast %get3A_268 : vector<1x16xi32> to vector<16xi32>
        %add3A_270 = arith.constant 50000 : i32
        %add3A_271 = vector.broadcast %add3A_270 : i32 to vector<16xi32>
        %add3A_272 = arith.addi %get3A_269, %add3A_271 : vector<16xi32>
        %mul3A_273 = arith.constant 16 : i32
        %mul3A_274 = arith.muli %scan3A_264, %mul3A_273 : i32
        %swap3A = arith.index_cast %scan3A_258 : i32 to index
        %swap3A_275 = arith.index_cast %mul3A_274 : i32 to index
        %swap3A_276 = tpu.vector_load %arg14[%swap3A, %swap3A_275] {strides = array<i32>} : memref<79x128xi32, #tpu.memory_space<vmem>>, vector<1x16xi32>,
        %swap3A_277 = vector.shape_cast %swap3A_276 : vector<1x16xi32> to vector<16xi32>
        %swap3A_278 = vector.shape_cast %add3A_272 : vector<16xi32> to vector<1x16xi32>
        tpu.vector_store %arg14[%swap3A, %swap3A_275], %swap3A_278 {strides = array<i32>} : memref<79x128xi32, #tpu.memory_space<vmem>>, vector<1x16xi32>,
      }
      %scan3A_263 = arith.constant 8 : i32
    }
    %scan3A_138 = arith.constant 79 : i32
    %scan3A_139 = arith.constant 0 : i32
    %scan3A_140 = arith.constant 0 : i32
    %scan3A_141 = arith.constant 79 : i32
    %scan3A_142 = arith.addi %scan3A_140, %scan3A_141 : i32
    %scan3A_143 = arith.constant 1 : i32
    scf.for %scan3A_258 = %scan3A_140 to %scan3A_142 step %scan3A_143  : i32 {
      %dma_start3A = arith.constant 0 : i32
      %dma_start3A_259 = tpu.memref_slice %arg14[%scan3A_258, %dma_start3A] : memref<79x128xi32, #tpu.memory_space<vmem>> -> memref<1x128xi32, #tpu.memory_space<vmem>>
      %dma_start3A_260 = tpu.memref_squeeze %dma_start3A_259 : memref<1x128xi32, #tpu.memory_space<vmem>> -> memref<128xi32, #tpu.memory_space<vmem>>
      %dma_start3A_261 = arith.constant 0 : i32
      %dma_start3A_262 = arith.constant 0 : i32
      %dma_start3A_263 = tpu.memref_slice %arg2[%dma_start3A_261, %dma_start3A_262] : memref<80000x16xf32, #tpu.memory_space<hbm>> -> memref<80000x16xf32, #tpu.memory_space<hbm>>
      tpu.enqueue_indirect_dma source(%dma_start3A_263 : memref<80000x16xf32, #tpu.memory_space<hbm>>) target(%arg15 : memref<128x16xf32, #tpu.memory_space<vmem>>) offsets(%dma_start3A_260 : memref<128xi32, #tpu.memory_space<vmem>>) semaphore(%arg17 : memref<!tpu.dma_semaphore, #tpu.memory_space<semaphore_mem>>)
      %dma_wait3A = arith.constant 0 : i32
      %dma_wait3A_264 = tpu.memref_slice %arg14[%scan3A_258, %dma_wait3A] : memref<79x128xi32, #tpu.memory_space<vmem>> -> memref<1x128xi32, #tpu.memory_space<vmem>>
      %dma_wait3A_265 = tpu.memref_squeeze %dma_wait3A_264 : memref<1x128xi32, #tpu.memory_space<vmem>> -> memref<128xi32, #tpu.memory_space<vmem>>
      %dma_wait3A_266 = arith.constant 0 : i32
      %dma_wait3A_267 = arith.constant 0 : i32
      %dma_wait3A_268 = tpu.memref_slice %arg2[%dma_wait3A_266, %dma_wait3A_267] : memref<80000x16xf32, #tpu.memory_space<hbm>> -> memref<80000x16xf32, #tpu.memory_space<hbm>>
      tpu.wait_indirect_dma semaphore(%arg17 : memref<!tpu.dma_semaphore, #tpu.memory_space<semaphore_mem>>) src(%dma_wait3A_268 : memref<80000x16xf32, #tpu.memory_space<hbm>>) dst(%arg15 : memref<128x16xf32, #tpu.memory_space<vmem>>)
      "tpu.region"() ({
        %run_scoped3A = tpu.sem_alloc : memref<!tpu.dma_semaphore, #tpu.memory_space<semaphore_mem>>
        %dma_start3A_269 = arith.constant 0 : i32
        %dma_start3A_270 = tpu.memref_slice %arg13[%scan3A_258, %dma_start3A_269] : memref<79x128xi32, #tpu.memory_space<vmem>> -> memref<1x128xi32, #tpu.memory_space<vmem>>
        %dma_start3A_271 = tpu.memref_squeeze %dma_start3A_270 : memref<1x128xi32, #tpu.memory_space<vmem>> -> memref<128xi32, #tpu.memory_space<vmem>>
        %dma_start3A_272 = arith.constant 0 : i32
        %dma_start3A_273 = arith.constant 0 : i32
        %dma_start3A_274 = tpu.memref_slice %arg9[%dma_start3A_272, %dma_start3A_273] : memref<50016x16xf32, #tpu.memory_space<vmem_shared>> -> memref<50016x16xf32, #tpu.memory_space<vmem_shared>>
        tpu.enqueue_indirect_dma source(%arg15 : memref<128x16xf32, #tpu.memory_space<vmem>>) target(%dma_start3A_274 : memref<50016x16xf32, #tpu.memory_space<vmem_shared>>) offsets(%dma_start3A_271 : memref<128xi32, #tpu.memory_space<vmem>>) semaphore(%run_scoped3A : memref<!tpu.dma_semaphore, #tpu.memory_space<semaphore_mem>>) {add = true}
        %dma_wait3A_275 = arith.constant 0 : i32
        %dma_wait3A_276 = tpu.memref_slice %arg13[%scan3A_258, %dma_wait3A_275] : memref<79x128xi32, #tpu.memory_space<vmem>> -> memref<1x128xi32, #tpu.memory_space<vmem>>
        %dma_wait3A_277 = tpu.memref_squeeze %dma_wait3A_276 : memref<1x128xi32, #tpu.memory_space<vmem>> -> memref<128xi32, #tpu.memory_space<vmem>>
        %dma_wait3A_278 = arith.constant 0 : i32
        %dma_wait3A_279 = arith.constant 0 : i32
        %dma_wait3A_280 = tpu.memref_slice %arg9[%dma_wait3A_278, %dma_wait3A_279] : memref<50016x16xf32, #tpu.memory_space<vmem_shared>> -> memref<50016x16xf32, #tpu.memory_space<vmem_shared>>
        tpu.wait_indirect_dma semaphore(%run_scoped3A : memref<!tpu.dma_semaphore, #tpu.memory_space<semaphore_mem>>) src(%arg15 : memref<128x16xf32, #tpu.memory_space<vmem>>) dst(%dma_wait3A_280 : memref<50016x16xf32, #tpu.memory_space<vmem_shared>>)
        tpu.yield
      }) : () -> ()
    }
    %scan3A_144 = arith.constant 79 : i32
    %barrier3A_145 = arith.constant 0 : index
    tpu.barrier barrier_id(%barrier3A_145)
    %eq3A_146 = arith.constant 0 : i32
    %eq3A_147 = arith.cmpi eq, %arg1, %eq3A_146 : i32
    %convert_element_type3A_148 = arith.extui %eq3A_147 : i1 to i32
    %cond3A_149 = arith.constant 0 : i32
    %cond3A_150 = arith.cmpi ne, %convert_element_type3A_148, %cond3A_149 : i32
    scf.if %cond3A_150 {
      %run_scoped3A = arith.constant 5 : i32
      "tpu.region"() ({
        %run_scoped3A_258 = tpu.sem_alloc : memref<!tpu.dma_semaphore, #tpu.memory_space<semaphore_mem>>
        %dma_start3A = arith.constant 0 : i32
        %dma_start3A_259 = arith.constant 0 : i32
        %dma_start3A_260 = tpu.memref_slice %arg7[%arg0, %run_scoped3A, %dma_start3A, %dma_start3A_259] : memref<2x8x50000x16xf32, #tpu.memory_space<hbm>> -> memref<1x1x50000x16xf32, #tpu.memory_space<hbm>>
        %dma_start3A_261 = tpu.memref_squeeze %dma_start3A_260 : memref<1x1x50000x16xf32, #tpu.memory_space<hbm>> -> memref<50000x16xf32, #tpu.memory_space<hbm>>
        %dma_start3A_262 = arith.constant 0 : i32
        %dma_start3A_263 = arith.constant 0 : i32
        %dma_start3A_264 = tpu.memref_slice %arg9[%dma_start3A_262, %dma_start3A_263] : memref<50016x16xf32, #tpu.memory_space<vmem_shared>> -> memref<50000x16xf32, #tpu.memory_space<vmem_shared>>
        tpu.enqueue_dma source(%dma_start3A_264 : memref<50000x16xf32, #tpu.memory_space<vmem_shared>>) target(%dma_start3A_261 : memref<50000x16xf32, #tpu.memory_space<hbm>>) target_semaphore(%run_scoped3A_258 : memref<!tpu.dma_semaphore, #tpu.memory_space<semaphore_mem>>)
        %dma_wait3A = arith.constant 0 : i32
        %dma_wait3A_265 = arith.constant 0 : i32
        %dma_wait3A_266 = tpu.memref_slice %arg7[%arg0, %run_scoped3A, %dma_wait3A, %dma_wait3A_265] : memref<2x8x50000x16xf32, #tpu.memory_space<hbm>> -> memref<1x1x50000x16xf32, #tpu.memory_space<hbm>>
        %dma_wait3A_267 = tpu.memref_squeeze %dma_wait3A_266 : memref<1x1x50000x16xf32, #tpu.memory_space<hbm>> -> memref<50000x16xf32, #tpu.memory_space<hbm>>
        %dma_wait3A_268 = arith.constant 0 : i32
        %dma_wait3A_269 = arith.constant 0 : i32
        %dma_wait3A_270 = tpu.memref_slice %arg9[%dma_wait3A_268, %dma_wait3A_269] : memref<50016x16xf32, #tpu.memory_space<vmem_shared>> -> memref<50000x16xf32, #tpu.memory_space<vmem_shared>>
        tpu.wait_dma2 semaphore(%run_scoped3A_258 : memref<!tpu.dma_semaphore, #tpu.memory_space<semaphore_mem>>) src(%dma_wait3A_270 : memref<50000x16xf32, #tpu.memory_space<vmem_shared>>) dst(%dma_wait3A_267 : memref<50000x16xf32, #tpu.memory_space<hbm>>)
        tpu.yield
      }) : () -> ()
    } else {
    }
    %barrier3A_151 = arith.constant 0 : index
    tpu.barrier barrier_id(%barrier3A_151)
    %eq3A_152 = arith.constant 0 : i32
    %eq3A_153 = arith.cmpi eq, %arg1, %eq3A_152 : i32
    %convert_element_type3A_154 = arith.extui %eq3A_153 : i1 to i32
    %cond3A_155 = arith.constant 0 : i32
    %cond3A_156 = arith.cmpi ne, %convert_element_type3A_154, %cond3A_155 : i32
    scf.if %cond3A_156 {
      "tpu.region"() ({
        %run_scoped3A = tpu.sem_alloc : memref<!tpu.dma_semaphore, #tpu.memory_space<semaphore_mem>>
        %dma_start3A = arith.constant 0 : i32
        %dma_start3A_258 = arith.constant 0 : i32
        %dma_start3A_259 = tpu.memref_slice %arg9[%dma_start3A, %dma_start3A_258] : memref<50016x16xf32, #tpu.memory_space<vmem_shared>> -> memref<50016x16xf32, #tpu.memory_space<vmem_shared>>
        %dma_start3A_260 = arith.constant 0 : i32
        %dma_start3A_261 = arith.constant 0 : i32
        %dma_start3A_262 = tpu.memref_slice %arg6[%dma_start3A_260, %dma_start3A_261] : memref<50016x16xf32, #tpu.memory_space<hbm>> -> memref<50016x16xf32, #tpu.memory_space<hbm>>
        tpu.enqueue_dma source(%dma_start3A_262 : memref<50016x16xf32, #tpu.memory_space<hbm>>) target(%dma_start3A_259 : memref<50016x16xf32, #tpu.memory_space<vmem_shared>>) target_semaphore(%run_scoped3A : memref<!tpu.dma_semaphore, #tpu.memory_space<semaphore_mem>>)
        %dma_wait3A = arith.constant 0 : i32
        %dma_wait3A_263 = arith.constant 0 : i32
        %dma_wait3A_264 = tpu.memref_slice %arg9[%dma_wait3A, %dma_wait3A_263] : memref<50016x16xf32, #tpu.memory_space<vmem_shared>> -> memref<50016x16xf32, #tpu.memory_space<vmem_shared>>
        %dma_wait3A_265 = arith.constant 0 : i32
        %dma_wait3A_266 = arith.constant 0 : i32
        %dma_wait3A_267 = tpu.memref_slice %arg6[%dma_wait3A_265, %dma_wait3A_266] : memref<50016x16xf32, #tpu.memory_space<hbm>> -> memref<50016x16xf32, #tpu.memory_space<hbm>>
        tpu.wait_dma2 semaphore(%run_scoped3A : memref<!tpu.dma_semaphore, #tpu.memory_space<semaphore_mem>>) src(%dma_wait3A_267 : memref<50016x16xf32, #tpu.memory_space<hbm>>) dst(%dma_wait3A_264 : memref<50016x16xf32, #tpu.memory_space<vmem_shared>>)
        tpu.yield
      }) : () -> ()
    } else {
    }
    %barrier3A_157 = arith.constant 0 : index
    tpu.barrier barrier_id(%barrier3A_157)
    %scan3A_158 = arith.constant 0 : i32
    %scan3A_159 = arith.constant 0 : i32
    %scan3A_160 = arith.constant 79 : i32
    %scan3A_161 = arith.addi %scan3A_159, %scan3A_160 : i32
    %scan3A_162 = arith.constant 1 : i32
    scf.for %scan3A_258 = %scan3A_159 to %scan3A_161 step %scan3A_162  : i32 {
      %scan3A_259 = arith.constant 0 : i32
      %scan3A_260 = arith.constant 8 : i32
      %scan3A_261 = arith.addi %scan3A_259, %scan3A_260 : i32
      %scan3A_262 = arith.constant 1 : i32
      scf.for %scan3A_264 = %scan3A_259 to %scan3A_261 step %scan3A_262  : i32 {
        %mul3A_265 = arith.constant 16 : i32
        %mul3A_266 = arith.muli %scan3A_264, %mul3A_265 : i32
        %get3A = arith.index_cast %scan3A_258 : i32 to index
        %get3A_267 = arith.index_cast %mul3A_266 : i32 to index
        %get3A_268 = tpu.vector_load %arg10[%get3A, %get3A_267] {strides = array<i32>} : memref<79x128xi32, #tpu.memory_space<vmem>>, vector<1x16xi32>,
        %get3A_269 = vector.shape_cast %get3A_268 : vector<1x16xi32> to vector<16xi32>
        %add3A_270 = arith.constant 60000 : i32
        %add3A_271 = vector.broadcast %add3A_270 : i32 to vector<16xi32>
        %add3A_272 = arith.addi %get3A_269, %add3A_271 : vector<16xi32>
        %mul3A_273 = arith.constant 16 : i32
        %mul3A_274 = arith.muli %scan3A_264, %mul3A_273 : i32
        %swap3A = arith.index_cast %scan3A_258 : i32 to index
        %swap3A_275 = arith.index_cast %mul3A_274 : i32 to index
        %swap3A_276 = tpu.vector_load %arg14[%swap3A, %swap3A_275] {strides = array<i32>} : memref<79x128xi32, #tpu.memory_space<vmem>>, vector<1x16xi32>,
        %swap3A_277 = vector.shape_cast %swap3A_276 : vector<1x16xi32> to vector<16xi32>
        %swap3A_278 = vector.shape_cast %add3A_272 : vector<16xi32> to vector<1x16xi32>
        tpu.vector_store %arg14[%swap3A, %swap3A_275], %swap3A_278 {strides = array<i32>} : memref<79x128xi32, #tpu.memory_space<vmem>>, vector<1x16xi32>,
      }
      %scan3A_263 = arith.constant 8 : i32
    }
    %scan3A_163 = arith.constant 79 : i32
    %scan3A_164 = arith.constant 0 : i32
    %scan3A_165 = arith.constant 0 : i32
    %scan3A_166 = arith.constant 79 : i32
    %scan3A_167 = arith.addi %scan3A_165, %scan3A_166 : i32
    %scan3A_168 = arith.constant 1 : i32
    scf.for %scan3A_258 = %scan3A_165 to %scan3A_167 step %scan3A_168  : i32 {
      %dma_start3A = arith.constant 0 : i32
      %dma_start3A_259 = tpu.memref_slice %arg14[%scan3A_258, %dma_start3A] : memref<79x128xi32, #tpu.memory_space<vmem>> -> memref<1x128xi32, #tpu.memory_space<vmem>>
      %dma_start3A_260 = tpu.memref_squeeze %dma_start3A_259 : memref<1x128xi32, #tpu.memory_space<vmem>> -> memref<128xi32, #tpu.memory_space<vmem>>
      %dma_start3A_261 = arith.constant 0 : i32
      %dma_start3A_262 = arith.constant 0 : i32
      %dma_start3A_263 = tpu.memref_slice %arg2[%dma_start3A_261, %dma_start3A_262] : memref<80000x16xf32, #tpu.memory_space<hbm>> -> memref<80000x16xf32, #tpu.memory_space<hbm>>
      tpu.enqueue_indirect_dma source(%dma_start3A_263 : memref<80000x16xf32, #tpu.memory_space<hbm>>) target(%arg15 : memref<128x16xf32, #tpu.memory_space<vmem>>) offsets(%dma_start3A_260 : memref<128xi32, #tpu.memory_space<vmem>>) semaphore(%arg17 : memref<!tpu.dma_semaphore, #tpu.memory_space<semaphore_mem>>)
      %dma_wait3A = arith.constant 0 : i32
      %dma_wait3A_264 = tpu.memref_slice %arg14[%scan3A_258, %dma_wait3A] : memref<79x128xi32, #tpu.memory_space<vmem>> -> memref<1x128xi32, #tpu.memory_space<vmem>>
      %dma_wait3A_265 = tpu.memref_squeeze %dma_wait3A_264 : memref<1x128xi32, #tpu.memory_space<vmem>> -> memref<128xi32, #tpu.memory_space<vmem>>
      %dma_wait3A_266 = arith.constant 0 : i32
      %dma_wait3A_267 = arith.constant 0 : i32
      %dma_wait3A_268 = tpu.memref_slice %arg2[%dma_wait3A_266, %dma_wait3A_267] : memref<80000x16xf32, #tpu.memory_space<hbm>> -> memref<80000x16xf32, #tpu.memory_space<hbm>>
      tpu.wait_indirect_dma semaphore(%arg17 : memref<!tpu.dma_semaphore, #tpu.memory_space<semaphore_mem>>) src(%dma_wait3A_268 : memref<80000x16xf32, #tpu.memory_space<hbm>>) dst(%arg15 : memref<128x16xf32, #tpu.memory_space<vmem>>)
      "tpu.region"() ({
        %run_scoped3A = tpu.sem_alloc : memref<!tpu.dma_semaphore, #tpu.memory_space<semaphore_mem>>
        %dma_start3A_269 = arith.constant 0 : i32
        %dma_start3A_270 = tpu.memref_slice %arg13[%scan3A_258, %dma_start3A_269] : memref<79x128xi32, #tpu.memory_space<vmem>> -> memref<1x128xi32, #tpu.memory_space<vmem>>
        %dma_start3A_271 = tpu.memref_squeeze %dma_start3A_270 : memref<1x128xi32, #tpu.memory_space<vmem>> -> memref<128xi32, #tpu.memory_space<vmem>>
        %dma_start3A_272 = arith.constant 0 : i32
        %dma_start3A_273 = arith.constant 0 : i32
        %dma_start3A_274 = tpu.memref_slice %arg9[%dma_start3A_272, %dma_start3A_273] : memref<50016x16xf32, #tpu.memory_space<vmem_shared>> -> memref<50016x16xf32, #tpu.memory_space<vmem_shared>>
        tpu.enqueue_indirect_dma source(%arg15 : memref<128x16xf32, #tpu.memory_space<vmem>>) target(%dma_start3A_274 : memref<50016x16xf32, #tpu.memory_space<vmem_shared>>) offsets(%dma_start3A_271 : memref<128xi32, #tpu.memory_space<vmem>>) semaphore(%run_scoped3A : memref<!tpu.dma_semaphore, #tpu.memory_space<semaphore_mem>>) {add = true}
        %dma_wait3A_275 = arith.constant 0 : i32
        %dma_wait3A_276 = tpu.memref_slice %arg13[%scan3A_258, %dma_wait3A_275] : memref<79x128xi32, #tpu.memory_space<vmem>> -> memref<1x128xi32, #tpu.memory_space<vmem>>
        %dma_wait3A_277 = tpu.memref_squeeze %dma_wait3A_276 : memref<1x128xi32, #tpu.memory_space<vmem>> -> memref<128xi32, #tpu.memory_space<vmem>>
        %dma_wait3A_278 = arith.constant 0 : i32
        %dma_wait3A_279 = arith.constant 0 : i32
        %dma_wait3A_280 = tpu.memref_slice %arg9[%dma_wait3A_278, %dma_wait3A_279] : memref<50016x16xf32, #tpu.memory_space<vmem_shared>> -> memref<50016x16xf32, #tpu.memory_space<vmem_shared>>
        tpu.wait_indirect_dma semaphore(%run_scoped3A : memref<!tpu.dma_semaphore, #tpu.memory_space<semaphore_mem>>) src(%arg15 : memref<128x16xf32, #tpu.memory_space<vmem>>) dst(%dma_wait3A_280 : memref<50016x16xf32, #tpu.memory_space<vmem_shared>>)
        tpu.yield
      }) : () -> ()
    }
    %scan3A_169 = arith.constant 79 : i32
    %barrier3A_170 = arith.constant 0 : index
    tpu.barrier barrier_id(%barrier3A_170)
    %eq3A_171 = arith.constant 0 : i32
    %eq3A_172 = arith.cmpi eq, %arg1, %eq3A_171 : i32
    %convert_element_type3A_173 = arith.extui %eq3A_172 : i1 to i32
    %cond3A_174 = arith.constant 0 : i32
    %cond3A_175 = arith.cmpi ne, %convert_element_type3A_173, %cond3A_174 : i32
    scf.if %cond3A_175 {
      %run_scoped3A = arith.constant 6 : i32
      "tpu.region"() ({
        %run_scoped3A_258 = tpu.sem_alloc : memref<!tpu.dma_semaphore, #tpu.memory_space<semaphore_mem>>
        %dma_start3A = arith.constant 0 : i32
        %dma_start3A_259 = arith.constant 0 : i32
        %dma_start3A_260 = tpu.memref_slice %arg7[%arg0, %run_scoped3A, %dma_start3A, %dma_start3A_259] : memref<2x8x50000x16xf32, #tpu.memory_space<hbm>> -> memref<1x1x50000x16xf32, #tpu.memory_space<hbm>>
        %dma_start3A_261 = tpu.memref_squeeze %dma_start3A_260 : memref<1x1x50000x16xf32, #tpu.memory_space<hbm>> -> memref<50000x16xf32, #tpu.memory_space<hbm>>
        %dma_start3A_262 = arith.constant 0 : i32
        %dma_start3A_263 = arith.constant 0 : i32
        %dma_start3A_264 = tpu.memref_slice %arg9[%dma_start3A_262, %dma_start3A_263] : memref<50016x16xf32, #tpu.memory_space<vmem_shared>> -> memref<50000x16xf32, #tpu.memory_space<vmem_shared>>
        tpu.enqueue_dma source(%dma_start3A_264 : memref<50000x16xf32, #tpu.memory_space<vmem_shared>>) target(%dma_start3A_261 : memref<50000x16xf32, #tpu.memory_space<hbm>>) target_semaphore(%run_scoped3A_258 : memref<!tpu.dma_semaphore, #tpu.memory_space<semaphore_mem>>)
        %dma_wait3A = arith.constant 0 : i32
        %dma_wait3A_265 = arith.constant 0 : i32
        %dma_wait3A_266 = tpu.memref_slice %arg7[%arg0, %run_scoped3A, %dma_wait3A, %dma_wait3A_265] : memref<2x8x50000x16xf32, #tpu.memory_space<hbm>> -> memref<1x1x50000x16xf32, #tpu.memory_space<hbm>>
        %dma_wait3A_267 = tpu.memref_squeeze %dma_wait3A_266 : memref<1x1x50000x16xf32, #tpu.memory_space<hbm>> -> memref<50000x16xf32, #tpu.memory_space<hbm>>
        %dma_wait3A_268 = arith.constant 0 : i32
        %dma_wait3A_269 = arith.constant 0 : i32
        %dma_wait3A_270 = tpu.memref_slice %arg9[%dma_wait3A_268, %dma_wait3A_269] : memref<50016x16xf32, #tpu.memory_space<vmem_shared>> -> memref<50000x16xf32, #tpu.memory_space<vmem_shared>>
        tpu.wait_dma2 semaphore(%run_scoped3A_258 : memref<!tpu.dma_semaphore, #tpu.memory_space<semaphore_mem>>) src(%dma_wait3A_270 : memref<50000x16xf32, #tpu.memory_space<vmem_shared>>) dst(%dma_wait3A_267 : memref<50000x16xf32, #tpu.memory_space<hbm>>)
        tpu.yield
      }) : () -> ()
    } else {
    }
    %barrier3A_176 = arith.constant 0 : index
    tpu.barrier barrier_id(%barrier3A_176)
    %eq3A_177 = arith.constant 0 : i32
    %eq3A_178 = arith.cmpi eq, %arg1, %eq3A_177 : i32
    %convert_element_type3A_179 = arith.extui %eq3A_178 : i1 to i32
    %cond3A_180 = arith.constant 0 : i32
    %cond3A_181 = arith.cmpi ne, %convert_element_type3A_179, %cond3A_180 : i32
    scf.if %cond3A_181 {
      "tpu.region"() ({
        %run_scoped3A = tpu.sem_alloc : memref<!tpu.dma_semaphore, #tpu.memory_space<semaphore_mem>>
        %dma_start3A = arith.constant 0 : i32
        %dma_start3A_258 = arith.constant 0 : i32
        %dma_start3A_259 = tpu.memref_slice %arg9[%dma_start3A, %dma_start3A_258] : memref<50016x16xf32, #tpu.memory_space<vmem_shared>> -> memref<50016x16xf32, #tpu.memory_space<vmem_shared>>
        %dma_start3A_260 = arith.constant 0 : i32
        %dma_start3A_261 = arith.constant 0 : i32
        %dma_start3A_262 = tpu.memref_slice %arg6[%dma_start3A_260, %dma_start3A_261] : memref<50016x16xf32, #tpu.memory_space<hbm>> -> memref<50016x16xf32, #tpu.memory_space<hbm>>
        tpu.enqueue_dma source(%dma_start3A_262 : memref<50016x16xf32, #tpu.memory_space<hbm>>) target(%dma_start3A_259 : memref<50016x16xf32, #tpu.memory_space<vmem_shared>>) target_semaphore(%run_scoped3A : memref<!tpu.dma_semaphore, #tpu.memory_space<semaphore_mem>>)
        %dma_wait3A = arith.constant 0 : i32
        %dma_wait3A_263 = arith.constant 0 : i32
        %dma_wait3A_264 = tpu.memref_slice %arg9[%dma_wait3A, %dma_wait3A_263] : memref<50016x16xf32, #tpu.memory_space<vmem_shared>> -> memref<50016x16xf32, #tpu.memory_space<vmem_shared>>
        %dma_wait3A_265 = arith.constant 0 : i32
        %dma_wait3A_266 = arith.constant 0 : i32
        %dma_wait3A_267 = tpu.memref_slice %arg6[%dma_wait3A_265, %dma_wait3A_266] : memref<50016x16xf32, #tpu.memory_space<hbm>> -> memref<50016x16xf32, #tpu.memory_space<hbm>>
        tpu.wait_dma2 semaphore(%run_scoped3A : memref<!tpu.dma_semaphore, #tpu.memory_space<semaphore_mem>>) src(%dma_wait3A_267 : memref<50016x16xf32, #tpu.memory_space<hbm>>) dst(%dma_wait3A_264 : memref<50016x16xf32, #tpu.memory_space<vmem_shared>>)
        tpu.yield
      }) : () -> ()
    } else {
    }
    %barrier3A_182 = arith.constant 0 : index
    tpu.barrier barrier_id(%barrier3A_182)
    %scan3A_183 = arith.constant 0 : i32
    %scan3A_184 = arith.constant 0 : i32
    %scan3A_185 = arith.constant 79 : i32
    %scan3A_186 = arith.addi %scan3A_184, %scan3A_185 : i32
    %scan3A_187 = arith.constant 1 : i32
    scf.for %scan3A_258 = %scan3A_184 to %scan3A_186 step %scan3A_187  : i32 {
      %scan3A_259 = arith.constant 0 : i32
      %scan3A_260 = arith.constant 8 : i32
      %scan3A_261 = arith.addi %scan3A_259, %scan3A_260 : i32
      %scan3A_262 = arith.constant 1 : i32
      scf.for %scan3A_264 = %scan3A_259 to %scan3A_261 step %scan3A_262  : i32 {
        %mul3A_265 = arith.constant 16 : i32
        %mul3A_266 = arith.muli %scan3A_264, %mul3A_265 : i32
        %get3A = arith.index_cast %scan3A_258 : i32 to index
        %get3A_267 = arith.index_cast %mul3A_266 : i32 to index
        %get3A_268 = tpu.vector_load %arg10[%get3A, %get3A_267] {strides = array<i32>} : memref<79x128xi32, #tpu.memory_space<vmem>>, vector<1x16xi32>,
        %get3A_269 = vector.shape_cast %get3A_268 : vector<1x16xi32> to vector<16xi32>
        %add3A_270 = arith.constant 70000 : i32
        %add3A_271 = vector.broadcast %add3A_270 : i32 to vector<16xi32>
        %add3A_272 = arith.addi %get3A_269, %add3A_271 : vector<16xi32>
        %mul3A_273 = arith.constant 16 : i32
        %mul3A_274 = arith.muli %scan3A_264, %mul3A_273 : i32
        %swap3A = arith.index_cast %scan3A_258 : i32 to index
        %swap3A_275 = arith.index_cast %mul3A_274 : i32 to index
        %swap3A_276 = tpu.vector_load %arg14[%swap3A, %swap3A_275] {strides = array<i32>} : memref<79x128xi32, #tpu.memory_space<vmem>>, vector<1x16xi32>,
        %swap3A_277 = vector.shape_cast %swap3A_276 : vector<1x16xi32> to vector<16xi32>
        %swap3A_278 = vector.shape_cast %add3A_272 : vector<16xi32> to vector<1x16xi32>
        tpu.vector_store %arg14[%swap3A, %swap3A_275], %swap3A_278 {strides = array<i32>} : memref<79x128xi32, #tpu.memory_space<vmem>>, vector<1x16xi32>,
      }
      %scan3A_263 = arith.constant 8 : i32
    }
    %scan3A_188 = arith.constant 79 : i32
    %scan3A_189 = arith.constant 0 : i32
    %scan3A_190 = arith.constant 0 : i32
    %scan3A_191 = arith.constant 79 : i32
    %scan3A_192 = arith.addi %scan3A_190, %scan3A_191 : i32
    %scan3A_193 = arith.constant 1 : i32
    scf.for %scan3A_258 = %scan3A_190 to %scan3A_192 step %scan3A_193  : i32 {
      %dma_start3A = arith.constant 0 : i32
      %dma_start3A_259 = tpu.memref_slice %arg14[%scan3A_258, %dma_start3A] : memref<79x128xi32, #tpu.memory_space<vmem>> -> memref<1x128xi32, #tpu.memory_space<vmem>>
      %dma_start3A_260 = tpu.memref_squeeze %dma_start3A_259 : memref<1x128xi32, #tpu.memory_space<vmem>> -> memref<128xi32, #tpu.memory_space<vmem>>
      %dma_start3A_261 = arith.constant 0 : i32
      %dma_start3A_262 = arith.constant 0 : i32
      %dma_start3A_263 = tpu.memref_slice %arg2[%dma_start3A_261, %dma_start3A_262] : memref<80000x16xf32, #tpu.memory_space<hbm>> -> memref<80000x16xf32, #tpu.memory_space<hbm>>
      tpu.enqueue_indirect_dma source(%dma_start3A_263 : memref<80000x16xf32, #tpu.memory_space<hbm>>) target(%arg15 : memref<128x16xf32, #tpu.memory_space<vmem>>) offsets(%dma_start3A_260 : memref<128xi32, #tpu.memory_space<vmem>>) semaphore(%arg17 : memref<!tpu.dma_semaphore, #tpu.memory_space<semaphore_mem>>)
      %dma_wait3A = arith.constant 0 : i32
      %dma_wait3A_264 = tpu.memref_slice %arg14[%scan3A_258, %dma_wait3A] : memref<79x128xi32, #tpu.memory_space<vmem>> -> memref<1x128xi32, #tpu.memory_space<vmem>>
      %dma_wait3A_265 = tpu.memref_squeeze %dma_wait3A_264 : memref<1x128xi32, #tpu.memory_space<vmem>> -> memref<128xi32, #tpu.memory_space<vmem>>
      %dma_wait3A_266 = arith.constant 0 : i32
      %dma_wait3A_267 = arith.constant 0 : i32
      %dma_wait3A_268 = tpu.memref_slice %arg2[%dma_wait3A_266, %dma_wait3A_267] : memref<80000x16xf32, #tpu.memory_space<hbm>> -> memref<80000x16xf32, #tpu.memory_space<hbm>>
      tpu.wait_indirect_dma semaphore(%arg17 : memref<!tpu.dma_semaphore, #tpu.memory_space<semaphore_mem>>) src(%dma_wait3A_268 : memref<80000x16xf32, #tpu.memory_space<hbm>>) dst(%arg15 : memref<128x16xf32, #tpu.memory_space<vmem>>)
      "tpu.region"() ({
        %run_scoped3A = tpu.sem_alloc : memref<!tpu.dma_semaphore, #tpu.memory_space<semaphore_mem>>
        %dma_start3A_269 = arith.constant 0 : i32
        %dma_start3A_270 = tpu.memref_slice %arg13[%scan3A_258, %dma_start3A_269] : memref<79x128xi32, #tpu.memory_space<vmem>> -> memref<1x128xi32, #tpu.memory_space<vmem>>
        %dma_start3A_271 = tpu.memref_squeeze %dma_start3A_270 : memref<1x128xi32, #tpu.memory_space<vmem>> -> memref<128xi32, #tpu.memory_space<vmem>>
        %dma_start3A_272 = arith.constant 0 : i32
        %dma_start3A_273 = arith.constant 0 : i32
        %dma_start3A_274 = tpu.memref_slice %arg9[%dma_start3A_272, %dma_start3A_273] : memref<50016x16xf32, #tpu.memory_space<vmem_shared>> -> memref<50016x16xf32, #tpu.memory_space<vmem_shared>>
        tpu.enqueue_indirect_dma source(%arg15 : memref<128x16xf32, #tpu.memory_space<vmem>>) target(%dma_start3A_274 : memref<50016x16xf32, #tpu.memory_space<vmem_shared>>) offsets(%dma_start3A_271 : memref<128xi32, #tpu.memory_space<vmem>>) semaphore(%run_scoped3A : memref<!tpu.dma_semaphore, #tpu.memory_space<semaphore_mem>>) {add = true}
        %dma_wait3A_275 = arith.constant 0 : i32
        %dma_wait3A_276 = tpu.memref_slice %arg13[%scan3A_258, %dma_wait3A_275] : memref<79x128xi32, #tpu.memory_space<vmem>> -> memref<1x128xi32, #tpu.memory_space<vmem>>
        %dma_wait3A_277 = tpu.memref_squeeze %dma_wait3A_276 : memref<1x128xi32, #tpu.memory_space<vmem>> -> memref<128xi32, #tpu.memory_space<vmem>>
        %dma_wait3A_278 = arith.constant 0 : i32
        %dma_wait3A_279 = arith.constant 0 : i32
        %dma_wait3A_280 = tpu.memref_slice %arg9[%dma_wait3A_278, %dma_wait3A_279] : memref<50016x16xf32, #tpu.memory_space<vmem_shared>> -> memref<50016x16xf32, #tpu.memory_space<vmem_shared>>
        tpu.wait_indirect_dma semaphore(%run_scoped3A : memref<!tpu.dma_semaphore, #tpu.memory_space<semaphore_mem>>) src(%arg15 : memref<128x16xf32, #tpu.memory_space<vmem>>) dst(%dma_wait3A_280 : memref<50016x16xf32, #tpu.memory_space<vmem_shared>>)
        tpu.yield
      }) : () -> ()
    }
    %scan3A_194 = arith.constant 79 : i32
    %barrier3A_195 = arith.constant 0 : index
    tpu.barrier barrier_id(%barrier3A_195)
    %eq3A_196 = arith.constant 0 : i32
    %eq3A_197 = arith.cmpi eq, %arg1, %eq3A_196 : i32
    %convert_element_type3A_198 = arith.extui %eq3A_197 : i1 to i32
    %cond3A_199 = arith.constant 0 : i32
    %cond3A_200 = arith.cmpi ne, %convert_element_type3A_198, %cond3A_199 : i32
    scf.if %cond3A_200 {
      %run_scoped3A = arith.constant 7 : i32
      "tpu.region"() ({
        %run_scoped3A_258 = tpu.sem_alloc : memref<!tpu.dma_semaphore, #tpu.memory_space<semaphore_mem>>
        %dma_start3A = arith.constant 0 : i32
        %dma_start3A_259 = arith.constant 0 : i32
        %dma_start3A_260 = tpu.memref_slice %arg7[%arg0, %run_scoped3A, %dma_start3A, %dma_start3A_259] : memref<2x8x50000x16xf32, #tpu.memory_space<hbm>> -> memref<1x1x50000x16xf32, #tpu.memory_space<hbm>>
        %dma_start3A_261 = tpu.memref_squeeze %dma_start3A_260 : memref<1x1x50000x16xf32, #tpu.memory_space<hbm>> -> memref<50000x16xf32, #tpu.memory_space<hbm>>
        %dma_start3A_262 = arith.constant 0 : i32
        %dma_start3A_263 = arith.constant 0 : i32
        %dma_start3A_264 = tpu.memref_slice %arg9[%dma_start3A_262, %dma_start3A_263] : memref<50016x16xf32, #tpu.memory_space<vmem_shared>> -> memref<50000x16xf32, #tpu.memory_space<vmem_shared>>
        tpu.enqueue_dma source(%dma_start3A_264 : memref<50000x16xf32, #tpu.memory_space<vmem_shared>>) target(%dma_start3A_261 : memref<50000x16xf32, #tpu.memory_space<hbm>>) target_semaphore(%run_scoped3A_258 : memref<!tpu.dma_semaphore, #tpu.memory_space<semaphore_mem>>)
        %dma_wait3A = arith.constant 0 : i32
        %dma_wait3A_265 = arith.constant 0 : i32
        %dma_wait3A_266 = tpu.memref_slice %arg7[%arg0, %run_scoped3A, %dma_wait3A, %dma_wait3A_265] : memref<2x8x50000x16xf32, #tpu.memory_space<hbm>> -> memref<1x1x50000x16xf32, #tpu.memory_space<hbm>>
        %dma_wait3A_267 = tpu.memref_squeeze %dma_wait3A_266 : memref<1x1x50000x16xf32, #tpu.memory_space<hbm>> -> memref<50000x16xf32, #tpu.memory_space<hbm>>
        %dma_wait3A_268 = arith.constant 0 : i32
        %dma_wait3A_269 = arith.constant 0 : i32
        %dma_wait3A_270 = tpu.memref_slice %arg9[%dma_wait3A_268, %dma_wait3A_269] : memref<50016x16xf32, #tpu.memory_space<vmem_shared>> -> memref<50000x16xf32, #tpu.memory_space<vmem_shared>>
        tpu.wait_dma2 semaphore(%run_scoped3A_258 : memref<!tpu.dma_semaphore, #tpu.memory_space<semaphore_mem>>) src(%dma_wait3A_270 : memref<50000x16xf32, #tpu.memory_space<vmem_shared>>) dst(%dma_wait3A_267 : memref<50000x16xf32, #tpu.memory_space<hbm>>)
        tpu.yield
      }) : () -> ()
    } else {
    }
    %barrier3A_201 = arith.constant 0 : index
    tpu.barrier barrier_id(%barrier3A_201)
    %scan3A_202 = arith.constant 0 : i32
    %scan3A_203 = arith.constant 0 : i32
    %scan3A_204 = arith.constant 128 : i32
    %scan3A_205 = arith.addi %scan3A_203, %scan3A_204 : i32
    %scan3A_206 = arith.constant 1 : i32
    scf.for %scan3A_258 = %scan3A_203 to %scan3A_205 step %scan3A_206  : i32 {
      %broadcast_in_dim3A = arith.constant 1.000000e+00 : f32
      %broadcast_in_dim3A_259 = vector.broadcast %broadcast_in_dim3A : f32 to vector<16xf32>
      %swap3A = arith.index_cast %scan3A_258 : i32 to index
      %swap3A_260 = arith.constant 0 : index
      %swap3A_261 = tpu.vector_load %arg16[%swap3A, %swap3A_260] {strides = array<i32>} : memref<128x16xf32, #tpu.memory_space<vmem>>, vector<1x16xf32>,
      %swap3A_262 = vector.shape_cast %swap3A_261 : vector<1x16xf32> to vector<16xf32>
      %swap3A_263 = vector.shape_cast %broadcast_in_dim3A_259 : vector<16xf32> to vector<1x16xf32>
      tpu.vector_store %arg16[%swap3A, %swap3A_260], %swap3A_263 {strides = array<i32>} : memref<128x16xf32, #tpu.memory_space<vmem>>, vector<1x16xf32>,
    }
    %scan3A_207 = arith.constant 128 : i32
    %eq3A_208 = arith.constant 0 : i32
    %eq3A_209 = arith.cmpi eq, %arg1, %eq3A_208 : i32
    %convert_element_type3A_210 = arith.extui %eq3A_209 : i1 to i32
    %cond3A_211 = arith.constant 0 : i32
    %cond3A_212 = arith.cmpi ne, %convert_element_type3A_210, %cond3A_211 : i32
    scf.if %cond3A_212 {
      "tpu.region"() ({
        %run_scoped3A = tpu.sem_alloc : memref<!tpu.dma_semaphore, #tpu.memory_space<semaphore_mem>>
        %dma_start3A = arith.constant 0 : i32
        %dma_start3A_258 = arith.constant 0 : i32
        %dma_start3A_259 = tpu.memref_slice %arg9[%dma_start3A, %dma_start3A_258] : memref<50016x16xf32, #tpu.memory_space<vmem_shared>> -> memref<40008x16xf32, #tpu.memory_space<vmem_shared>>
        %dma_start3A_260 = arith.constant 0 : i32
        %dma_start3A_261 = arith.constant 0 : i32
        %dma_start3A_262 = tpu.memref_slice %arg6[%dma_start3A_260, %dma_start3A_261] : memref<50016x16xf32, #tpu.memory_space<hbm>> -> memref<40008x16xf32, #tpu.memory_space<hbm>>
        tpu.enqueue_dma source(%dma_start3A_262 : memref<40008x16xf32, #tpu.memory_space<hbm>>) target(%dma_start3A_259 : memref<40008x16xf32, #tpu.memory_space<vmem_shared>>) target_semaphore(%run_scoped3A : memref<!tpu.dma_semaphore, #tpu.memory_space<semaphore_mem>>)
        %dma_wait3A = arith.constant 0 : i32
        %dma_wait3A_263 = arith.constant 0 : i32
        %dma_wait3A_264 = tpu.memref_slice %arg9[%dma_wait3A, %dma_wait3A_263] : memref<50016x16xf32, #tpu.memory_space<vmem_shared>> -> memref<40008x16xf32, #tpu.memory_space<vmem_shared>>
        %dma_wait3A_265 = arith.constant 0 : i32
        %dma_wait3A_266 = arith.constant 0 : i32
        %dma_wait3A_267 = tpu.memref_slice %arg6[%dma_wait3A_265, %dma_wait3A_266] : memref<50016x16xf32, #tpu.memory_space<hbm>> -> memref<40008x16xf32, #tpu.memory_space<hbm>>
        tpu.wait_dma2 semaphore(%run_scoped3A : memref<!tpu.dma_semaphore, #tpu.memory_space<semaphore_mem>>) src(%dma_wait3A_267 : memref<40008x16xf32, #tpu.memory_space<hbm>>) dst(%dma_wait3A_264 : memref<40008x16xf32, #tpu.memory_space<vmem_shared>>)
        tpu.yield
      }) : () -> ()
    } else {
    }
    %barrier3A_213 = arith.constant 0 : index
    tpu.barrier barrier_id(%barrier3A_213)
    %scan3A_214 = arith.constant 0 : i32
    %scan3A_215 = arith.constant 0 : i32
    %scan3A_216 = arith.constant 79 : i32
    %scan3A_217 = arith.addi %scan3A_215, %scan3A_216 : i32
    %scan3A_218 = arith.constant 1 : i32
    scf.for %scan3A_258 = %scan3A_215 to %scan3A_217 step %scan3A_218  : i32 {
      %scan3A_259 = arith.constant 0 : i32
      %scan3A_260 = arith.constant 8 : i32
      %scan3A_261 = arith.addi %scan3A_259, %scan3A_260 : i32
      %scan3A_262 = arith.constant 1 : i32
      scf.for %scan3A_264 = %scan3A_259 to %scan3A_261 step %scan3A_262  : i32 {
        %mul3A_265 = arith.constant 16 : i32
        %mul3A_266 = arith.muli %scan3A_264, %mul3A_265 : i32
        %get3A = arith.index_cast %scan3A_258 : i32 to index
        %get3A_267 = arith.index_cast %mul3A_266 : i32 to index
        %get3A_268 = tpu.vector_load %arg11[%get3A, %get3A_267] {strides = array<i32>} : memref<79x128xi32, #tpu.memory_space<vmem>>, vector<1x16xi32>,
        %get3A_269 = vector.shape_cast %get3A_268 : vector<1x16xi32> to vector<16xi32>
        %mul3A_270 = arith.constant 16 : i32
        %mul3A_271 = arith.muli %scan3A_264, %mul3A_270 : i32
        %get3A_272 = arith.index_cast %scan3A_258 : i32 to index
        %get3A_273 = arith.index_cast %mul3A_271 : i32 to index
        %get3A_274 = tpu.vector_load %arg12[%get3A_272, %get3A_273] {strides = array<i32>} : memref<79x128xi32, #tpu.memory_space<vmem>>, vector<1x16xi32>,
        %get3A_275 = vector.shape_cast %get3A_274 : vector<1x16xi32> to vector<16xi32>
        %mul3A_276 = arith.constant 8 : i32
        %mul3A_277 = vector.broadcast %mul3A_276 : i32 to vector<16xi32>
        %mul3A_278 = arith.muli %get3A_269, %mul3A_277 : vector<16xi32>
        %add3A_279 = arith.addi %mul3A_278, %get3A_275 : vector<16xi32>
        %sub3A = arith.constant 0 : i32
        %sub3A_280 = vector.broadcast %sub3A : i32 to vector<16xi32>
        %sub3A_281 = arith.subi %add3A_279, %sub3A_280 : vector<16xi32>
        %lt3A = arith.constant 8 : i32
        %lt3A_282 = vector.broadcast %lt3A : i32 to vector<16xi32>
        %lt3A_283 = arith.cmpi slt, %get3A_275, %lt3A_282 : vector<16xi32>
        %ge3A = arith.constant 0 : i32
        %ge3A_284 = vector.broadcast %ge3A : i32 to vector<16xi32>
        %ge3A_285 = arith.cmpi sge, %sub3A_281, %ge3A_284 : vector<16xi32>
        %and3A = arith.andi %lt3A_283, %ge3A_285 : vector<16xi1>
        %lt3A_286 = arith.constant 40000 : i32
        %lt3A_287 = vector.broadcast %lt3A_286 : i32 to vector<16xi32>
        %lt3A_288 = arith.cmpi slt, %sub3A_281, %lt3A_287 : vector<16xi32>
        %and3A_289 = arith.andi %and3A, %lt3A_288 : vector<16xi1>
        %jit3A = arith.constant 40000 : i32
        %broadcast_in_dim3A = vector.broadcast %jit3A : i32 to vector<16xi32>
        %select_n3A = arith.select %and3A_289, %sub3A_281, %broadcast_in_dim3A : vector<16xi1>, vector<16xi32>
        %mul3A_290 = arith.constant 16 : i32
        %mul3A_291 = arith.muli %scan3A_264, %mul3A_290 : i32
        %swap3A = arith.index_cast %scan3A_258 : i32 to index
        %swap3A_292 = arith.index_cast %mul3A_291 : i32 to index
        %swap3A_293 = tpu.vector_load %arg14[%swap3A, %swap3A_292] {strides = array<i32>} : memref<79x128xi32, #tpu.memory_space<vmem>>, vector<1x16xi32>,
        %swap3A_294 = vector.shape_cast %swap3A_293 : vector<1x16xi32> to vector<16xi32>
        %swap3A_295 = vector.shape_cast %select_n3A : vector<16xi32> to vector<1x16xi32>
        tpu.vector_store %arg14[%swap3A, %swap3A_292], %swap3A_295 {strides = array<i32>} : memref<79x128xi32, #tpu.memory_space<vmem>>, vector<1x16xi32>,
      }
      %scan3A_263 = arith.constant 8 : i32
    }
    %scan3A_219 = arith.constant 79 : i32
    %scan3A_220 = arith.constant 0 : i32
    %scan3A_221 = arith.constant 0 : i32
    %scan3A_222 = arith.constant 79 : i32
    %scan3A_223 = arith.addi %scan3A_221, %scan3A_222 : i32
    %scan3A_224 = arith.constant 1 : i32
    scf.for %scan3A_258 = %scan3A_221 to %scan3A_223 step %scan3A_224  : i32 {
      "tpu.region"() ({
        %run_scoped3A = tpu.sem_alloc : memref<!tpu.dma_semaphore, #tpu.memory_space<semaphore_mem>>
        %dma_start3A = arith.constant 0 : i32
        %dma_start3A_259 = tpu.memref_slice %arg14[%scan3A_258, %dma_start3A] : memref<79x128xi32, #tpu.memory_space<vmem>> -> memref<1x128xi32, #tpu.memory_space<vmem>>
        %dma_start3A_260 = tpu.memref_squeeze %dma_start3A_259 : memref<1x128xi32, #tpu.memory_space<vmem>> -> memref<128xi32, #tpu.memory_space<vmem>>
        %dma_start3A_261 = arith.constant 0 : i32
        %dma_start3A_262 = arith.constant 0 : i32
        %dma_start3A_263 = tpu.memref_slice %arg9[%dma_start3A_261, %dma_start3A_262] : memref<50016x16xf32, #tpu.memory_space<vmem_shared>> -> memref<50016x16xf32, #tpu.memory_space<vmem_shared>>
        tpu.enqueue_indirect_dma source(%arg16 : memref<128x16xf32, #tpu.memory_space<vmem>>) target(%dma_start3A_263 : memref<50016x16xf32, #tpu.memory_space<vmem_shared>>) offsets(%dma_start3A_260 : memref<128xi32, #tpu.memory_space<vmem>>) semaphore(%run_scoped3A : memref<!tpu.dma_semaphore, #tpu.memory_space<semaphore_mem>>) {add = true}
        %dma_wait3A = arith.constant 0 : i32
        %dma_wait3A_264 = tpu.memref_slice %arg14[%scan3A_258, %dma_wait3A] : memref<79x128xi32, #tpu.memory_space<vmem>> -> memref<1x128xi32, #tpu.memory_space<vmem>>
        %dma_wait3A_265 = tpu.memref_squeeze %dma_wait3A_264 : memref<1x128xi32, #tpu.memory_space<vmem>> -> memref<128xi32, #tpu.memory_space<vmem>>
        %dma_wait3A_266 = arith.constant 0 : i32
        %dma_wait3A_267 = arith.constant 0 : i32
        %dma_wait3A_268 = tpu.memref_slice %arg9[%dma_wait3A_266, %dma_wait3A_267] : memref<50016x16xf32, #tpu.memory_space<vmem_shared>> -> memref<50016x16xf32, #tpu.memory_space<vmem_shared>>
        tpu.wait_indirect_dma semaphore(%run_scoped3A : memref<!tpu.dma_semaphore, #tpu.memory_space<semaphore_mem>>) src(%arg16 : memref<128x16xf32, #tpu.memory_space<vmem>>) dst(%dma_wait3A_268 : memref<50016x16xf32, #tpu.memory_space<vmem_shared>>)
        tpu.yield
      }) : () -> ()
    }
    %scan3A_225 = arith.constant 79 : i32
    %barrier3A_226 = arith.constant 0 : index
    tpu.barrier barrier_id(%barrier3A_226)
    %eq3A_227 = arith.constant 0 : i32
    %eq3A_228 = arith.cmpi eq, %arg1, %eq3A_227 : i32
    %convert_element_type3A_229 = arith.extui %eq3A_228 : i1 to i32
    %cond3A_230 = arith.constant 0 : i32
    %cond3A_231 = arith.cmpi ne, %convert_element_type3A_229, %cond3A_230 : i32
    scf.if %cond3A_231 {
      %run_scoped3A = arith.constant 0 : i32
      "tpu.region"() ({
        %run_scoped3A_258 = tpu.sem_alloc : memref<!tpu.dma_semaphore, #tpu.memory_space<semaphore_mem>>
        %dma_start3A = arith.constant 0 : i32
        %dma_start3A_259 = arith.constant 0 : i32
        %dma_start3A_260 = tpu.memref_slice %arg8[%arg0, %run_scoped3A, %dma_start3A, %dma_start3A_259] : memref<2x2x40000x16xf32, #tpu.memory_space<hbm>> -> memref<1x1x40000x16xf32, #tpu.memory_space<hbm>>
        %dma_start3A_261 = tpu.memref_squeeze %dma_start3A_260 : memref<1x1x40000x16xf32, #tpu.memory_space<hbm>> -> memref<40000x16xf32, #tpu.memory_space<hbm>>
        %dma_start3A_262 = arith.constant 0 : i32
        %dma_start3A_263 = arith.constant 0 : i32
        %dma_start3A_264 = tpu.memref_slice %arg9[%dma_start3A_262, %dma_start3A_263] : memref<50016x16xf32, #tpu.memory_space<vmem_shared>> -> memref<40000x16xf32, #tpu.memory_space<vmem_shared>>
        tpu.enqueue_dma source(%dma_start3A_264 : memref<40000x16xf32, #tpu.memory_space<vmem_shared>>) target(%dma_start3A_261 : memref<40000x16xf32, #tpu.memory_space<hbm>>) target_semaphore(%run_scoped3A_258 : memref<!tpu.dma_semaphore, #tpu.memory_space<semaphore_mem>>)
        %dma_wait3A = arith.constant 0 : i32
        %dma_wait3A_265 = arith.constant 0 : i32
        %dma_wait3A_266 = tpu.memref_slice %arg8[%arg0, %run_scoped3A, %dma_wait3A, %dma_wait3A_265] : memref<2x2x40000x16xf32, #tpu.memory_space<hbm>> -> memref<1x1x40000x16xf32, #tpu.memory_space<hbm>>
        %dma_wait3A_267 = tpu.memref_squeeze %dma_wait3A_266 : memref<1x1x40000x16xf32, #tpu.memory_space<hbm>> -> memref<40000x16xf32, #tpu.memory_space<hbm>>
        %dma_wait3A_268 = arith.constant 0 : i32
        %dma_wait3A_269 = arith.constant 0 : i32
        %dma_wait3A_270 = tpu.memref_slice %arg9[%dma_wait3A_268, %dma_wait3A_269] : memref<50016x16xf32, #tpu.memory_space<vmem_shared>> -> memref<40000x16xf32, #tpu.memory_space<vmem_shared>>
        tpu.wait_dma2 semaphore(%run_scoped3A_258 : memref<!tpu.dma_semaphore, #tpu.memory_space<semaphore_mem>>) src(%dma_wait3A_270 : memref<40000x16xf32, #tpu.memory_space<vmem_shared>>) dst(%dma_wait3A_267 : memref<40000x16xf32, #tpu.memory_space<hbm>>)
        tpu.yield
      }) : () -> ()
    } else {
    }
    %barrier3A_232 = arith.constant 0 : index
    tpu.barrier barrier_id(%barrier3A_232)
    %eq3A_233 = arith.constant 0 : i32
    %eq3A_234 = arith.cmpi eq, %arg1, %eq3A_233 : i32
    %convert_element_type3A_235 = arith.extui %eq3A_234 : i1 to i32
    %cond3A_236 = arith.constant 0 : i32
    %cond3A_237 = arith.cmpi ne, %convert_element_type3A_235, %cond3A_236 : i32
    scf.if %cond3A_237 {
      "tpu.region"() ({
        %run_scoped3A = tpu.sem_alloc : memref<!tpu.dma_semaphore, #tpu.memory_space<semaphore_mem>>
        %dma_start3A = arith.constant 0 : i32
        %dma_start3A_258 = arith.constant 0 : i32
        %dma_start3A_259 = tpu.memref_slice %arg9[%dma_start3A, %dma_start3A_258] : memref<50016x16xf32, #tpu.memory_space<vmem_shared>> -> memref<40008x16xf32, #tpu.memory_space<vmem_shared>>
        %dma_start3A_260 = arith.constant 0 : i32
        %dma_start3A_261 = arith.constant 0 : i32
        %dma_start3A_262 = tpu.memref_slice %arg6[%dma_start3A_260, %dma_start3A_261] : memref<50016x16xf32, #tpu.memory_space<hbm>> -> memref<40008x16xf32, #tpu.memory_space<hbm>>
        tpu.enqueue_dma source(%dma_start3A_262 : memref<40008x16xf32, #tpu.memory_space<hbm>>) target(%dma_start3A_259 : memref<40008x16xf32, #tpu.memory_space<vmem_shared>>) target_semaphore(%run_scoped3A : memref<!tpu.dma_semaphore, #tpu.memory_space<semaphore_mem>>)
        %dma_wait3A = arith.constant 0 : i32
        %dma_wait3A_263 = arith.constant 0 : i32
        %dma_wait3A_264 = tpu.memref_slice %arg9[%dma_wait3A, %dma_wait3A_263] : memref<50016x16xf32, #tpu.memory_space<vmem_shared>> -> memref<40008x16xf32, #tpu.memory_space<vmem_shared>>
        %dma_wait3A_265 = arith.constant 0 : i32
        %dma_wait3A_266 = arith.constant 0 : i32
        %dma_wait3A_267 = tpu.memref_slice %arg6[%dma_wait3A_265, %dma_wait3A_266] : memref<50016x16xf32, #tpu.memory_space<hbm>> -> memref<40008x16xf32, #tpu.memory_space<hbm>>
        tpu.wait_dma2 semaphore(%run_scoped3A : memref<!tpu.dma_semaphore, #tpu.memory_space<semaphore_mem>>) src(%dma_wait3A_267 : memref<40008x16xf32, #tpu.memory_space<hbm>>) dst(%dma_wait3A_264 : memref<40008x16xf32, #tpu.memory_space<vmem_shared>>)
        tpu.yield
      }) : () -> ()
    } else {
    }
    %barrier3A_238 = arith.constant 0 : index
    tpu.barrier barrier_id(%barrier3A_238)
    %scan3A_239 = arith.constant 0 : i32
    %scan3A_240 = arith.constant 0 : i32
    %scan3A_241 = arith.constant 79 : i32
    %scan3A_242 = arith.addi %scan3A_240, %scan3A_241 : i32
    %scan3A_243 = arith.constant 1 : i32
    scf.for %scan3A_258 = %scan3A_240 to %scan3A_242 step %scan3A_243  : i32 {
      %scan3A_259 = arith.constant 0 : i32
      %scan3A_260 = arith.constant 8 : i32
      %scan3A_261 = arith.addi %scan3A_259, %scan3A_260 : i32
      %scan3A_262 = arith.constant 1 : i32
      scf.for %scan3A_264 = %scan3A_259 to %scan3A_261 step %scan3A_262  : i32 {
        %mul3A_265 = arith.constant 16 : i32
        %mul3A_266 = arith.muli %scan3A_264, %mul3A_265 : i32
        %get3A = arith.index_cast %scan3A_258 : i32 to index
        %get3A_267 = arith.index_cast %mul3A_266 : i32 to index
        %get3A_268 = tpu.vector_load %arg11[%get3A, %get3A_267] {strides = array<i32>} : memref<79x128xi32, #tpu.memory_space<vmem>>, vector<1x16xi32>,
        %get3A_269 = vector.shape_cast %get3A_268 : vector<1x16xi32> to vector<16xi32>
        %mul3A_270 = arith.constant 16 : i32
        %mul3A_271 = arith.muli %scan3A_264, %mul3A_270 : i32
        %get3A_272 = arith.index_cast %scan3A_258 : i32 to index
        %get3A_273 = arith.index_cast %mul3A_271 : i32 to index
        %get3A_274 = tpu.vector_load %arg12[%get3A_272, %get3A_273] {strides = array<i32>} : memref<79x128xi32, #tpu.memory_space<vmem>>, vector<1x16xi32>,
        %get3A_275 = vector.shape_cast %get3A_274 : vector<1x16xi32> to vector<16xi32>
        %mul3A_276 = arith.constant 8 : i32
        %mul3A_277 = vector.broadcast %mul3A_276 : i32 to vector<16xi32>
        %mul3A_278 = arith.muli %get3A_269, %mul3A_277 : vector<16xi32>
        %add3A_279 = arith.addi %mul3A_278, %get3A_275 : vector<16xi32>
        %sub3A = arith.constant 40000 : i32
        %sub3A_280 = vector.broadcast %sub3A : i32 to vector<16xi32>
        %sub3A_281 = arith.subi %add3A_279, %sub3A_280 : vector<16xi32>
        %lt3A = arith.constant 8 : i32
        %lt3A_282 = vector.broadcast %lt3A : i32 to vector<16xi32>
        %lt3A_283 = arith.cmpi slt, %get3A_275, %lt3A_282 : vector<16xi32>
        %ge3A = arith.constant 0 : i32
        %ge3A_284 = vector.broadcast %ge3A : i32 to vector<16xi32>
        %ge3A_285 = arith.cmpi sge, %sub3A_281, %ge3A_284 : vector<16xi32>
        %and3A = arith.andi %lt3A_283, %ge3A_285 : vector<16xi1>
        %lt3A_286 = arith.constant 40000 : i32
        %lt3A_287 = vector.broadcast %lt3A_286 : i32 to vector<16xi32>
        %lt3A_288 = arith.cmpi slt, %sub3A_281, %lt3A_287 : vector<16xi32>
        %and3A_289 = arith.andi %and3A, %lt3A_288 : vector<16xi1>
        %jit3A = arith.constant 40000 : i32
        %broadcast_in_dim3A = vector.broadcast %jit3A : i32 to vector<16xi32>
        %select_n3A = arith.select %and3A_289, %sub3A_281, %broadcast_in_dim3A : vector<16xi1>, vector<16xi32>
        %mul3A_290 = arith.constant 16 : i32
        %mul3A_291 = arith.muli %scan3A_264, %mul3A_290 : i32
        %swap3A = arith.index_cast %scan3A_258 : i32 to index
        %swap3A_292 = arith.index_cast %mul3A_291 : i32 to index
        %swap3A_293 = tpu.vector_load %arg14[%swap3A, %swap3A_292] {strides = array<i32>} : memref<79x128xi32, #tpu.memory_space<vmem>>, vector<1x16xi32>,
        %swap3A_294 = vector.shape_cast %swap3A_293 : vector<1x16xi32> to vector<16xi32>
        %swap3A_295 = vector.shape_cast %select_n3A : vector<16xi32> to vector<1x16xi32>
        tpu.vector_store %arg14[%swap3A, %swap3A_292], %swap3A_295 {strides = array<i32>} : memref<79x128xi32, #tpu.memory_space<vmem>>, vector<1x16xi32>,
      }
      %scan3A_263 = arith.constant 8 : i32
    }
    %scan3A_244 = arith.constant 79 : i32
    %scan3A_245 = arith.constant 0 : i32
    %scan3A_246 = arith.constant 0 : i32
    %scan3A_247 = arith.constant 79 : i32
    %scan3A_248 = arith.addi %scan3A_246, %scan3A_247 : i32
    %scan3A_249 = arith.constant 1 : i32
    scf.for %scan3A_258 = %scan3A_246 to %scan3A_248 step %scan3A_249  : i32 {
      "tpu.region"() ({
        %run_scoped3A = tpu.sem_alloc : memref<!tpu.dma_semaphore, #tpu.memory_space<semaphore_mem>>
        %dma_start3A = arith.constant 0 : i32
        %dma_start3A_259 = tpu.memref_slice %arg14[%scan3A_258, %dma_start3A] : memref<79x128xi32, #tpu.memory_space<vmem>> -> memref<1x128xi32, #tpu.memory_space<vmem>>
        %dma_start3A_260 = tpu.memref_squeeze %dma_start3A_259 : memref<1x128xi32, #tpu.memory_space<vmem>> -> memref<128xi32, #tpu.memory_space<vmem>>
        %dma_start3A_261 = arith.constant 0 : i32
        %dma_start3A_262 = arith.constant 0 : i32
        %dma_start3A_263 = tpu.memref_slice %arg9[%dma_start3A_261, %dma_start3A_262] : memref<50016x16xf32, #tpu.memory_space<vmem_shared>> -> memref<50016x16xf32, #tpu.memory_space<vmem_shared>>
        tpu.enqueue_indirect_dma source(%arg16 : memref<128x16xf32, #tpu.memory_space<vmem>>) target(%dma_start3A_263 : memref<50016x16xf32, #tpu.memory_space<vmem_shared>>) offsets(%dma_start3A_260 : memref<128xi32, #tpu.memory_space<vmem>>) semaphore(%run_scoped3A : memref<!tpu.dma_semaphore, #tpu.memory_space<semaphore_mem>>) {add = true}
        %dma_wait3A = arith.constant 0 : i32
        %dma_wait3A_264 = tpu.memref_slice %arg14[%scan3A_258, %dma_wait3A] : memref<79x128xi32, #tpu.memory_space<vmem>> -> memref<1x128xi32, #tpu.memory_space<vmem>>
        %dma_wait3A_265 = tpu.memref_squeeze %dma_wait3A_264 : memref<1x128xi32, #tpu.memory_space<vmem>> -> memref<128xi32, #tpu.memory_space<vmem>>
        %dma_wait3A_266 = arith.constant 0 : i32
        %dma_wait3A_267 = arith.constant 0 : i32
        %dma_wait3A_268 = tpu.memref_slice %arg9[%dma_wait3A_266, %dma_wait3A_267] : memref<50016x16xf32, #tpu.memory_space<vmem_shared>> -> memref<50016x16xf32, #tpu.memory_space<vmem_shared>>
        tpu.wait_indirect_dma semaphore(%run_scoped3A : memref<!tpu.dma_semaphore, #tpu.memory_space<semaphore_mem>>) src(%arg16 : memref<128x16xf32, #tpu.memory_space<vmem>>) dst(%dma_wait3A_268 : memref<50016x16xf32, #tpu.memory_space<vmem_shared>>)
        tpu.yield
      }) : () -> ()
    }
    %scan3A_250 = arith.constant 79 : i32
    %barrier3A_251 = arith.constant 0 : index
    tpu.barrier barrier_id(%barrier3A_251)
    %eq3A_252 = arith.constant 0 : i32
    %eq3A_253 = arith.cmpi eq, %arg1, %eq3A_252 : i32
    %convert_element_type3A_254 = arith.extui %eq3A_253 : i1 to i32
    %cond3A_255 = arith.constant 0 : i32
    %cond3A_256 = arith.cmpi ne, %convert_element_type3A_254, %cond3A_255 : i32
    scf.if %cond3A_256 {
      %run_scoped3A = arith.constant 1 : i32
      "tpu.region"() ({
        %run_scoped3A_258 = tpu.sem_alloc : memref<!tpu.dma_semaphore, #tpu.memory_space<semaphore_mem>>
        %dma_start3A = arith.constant 0 : i32
        %dma_start3A_259 = arith.constant 0 : i32
        %dma_start3A_260 = tpu.memref_slice %arg8[%arg0, %run_scoped3A, %dma_start3A, %dma_start3A_259] : memref<2x2x40000x16xf32, #tpu.memory_space<hbm>> -> memref<1x1x40000x16xf32, #tpu.memory_space<hbm>>
        %dma_start3A_261 = tpu.memref_squeeze %dma_start3A_260 : memref<1x1x40000x16xf32, #tpu.memory_space<hbm>> -> memref<40000x16xf32, #tpu.memory_space<hbm>>
        %dma_start3A_262 = arith.constant 0 : i32
        %dma_start3A_263 = arith.constant 0 : i32
        %dma_start3A_264 = tpu.memref_slice %arg9[%dma_start3A_262, %dma_start3A_263] : memref<50016x16xf32, #tpu.memory_space<vmem_shared>> -> memref<40000x16xf32, #tpu.memory_space<vmem_shared>>
        tpu.enqueue_dma source(%dma_start3A_264 : memref<40000x16xf32, #tpu.memory_space<vmem_shared>>) target(%dma_start3A_261 : memref<40000x16xf32, #tpu.memory_space<hbm>>) target_semaphore(%run_scoped3A_258 : memref<!tpu.dma_semaphore, #tpu.memory_space<semaphore_mem>>)
        %dma_wait3A = arith.constant 0 : i32
        %dma_wait3A_265 = arith.constant 0 : i32
        %dma_wait3A_266 = tpu.memref_slice %arg8[%arg0, %run_scoped3A, %dma_wait3A, %dma_wait3A_265] : memref<2x2x40000x16xf32, #tpu.memory_space<hbm>> -> memref<1x1x40000x16xf32, #tpu.memory_space<hbm>>
        %dma_wait3A_267 = tpu.memref_squeeze %dma_wait3A_266 : memref<1x1x40000x16xf32, #tpu.memory_space<hbm>> -> memref<40000x16xf32, #tpu.memory_space<hbm>>
        %dma_wait3A_268 = arith.constant 0 : i32
        %dma_wait3A_269 = arith.constant 0 : i32
        %dma_wait3A_270 = tpu.memref_slice %arg9[%dma_wait3A_268, %dma_wait3A_269] : memref<50016x16xf32, #tpu.memory_space<vmem_shared>> -> memref<40000x16xf32, #tpu.memory_space<vmem_shared>>
        tpu.wait_dma2 semaphore(%run_scoped3A_258 : memref<!tpu.dma_semaphore, #tpu.memory_space<semaphore_mem>>) src(%dma_wait3A_270 : memref<40000x16xf32, #tpu.memory_space<vmem_shared>>) dst(%dma_wait3A_267 : memref<40000x16xf32, #tpu.memory_space<hbm>>)
        tpu.yield
      }) : () -> ()
    } else {
    }
    %barrier3A_257 = arith.constant 0 : index
    tpu.barrier barrier_id(%barrier3A_257)
    return
  }
}

module attributes {stable_mosaic.version = 14 : i64} {
  func.func @_k1_body(%arg0: i32, %arg1: memref<1000x128xf32, #tpu.memory_space<vmem>>, %arg2: memref<8x128x128xf32, #tpu.memory_space<vmem>>, %arg3: memref<128x128xf32, #tpu.memory_space<vmem>>, %arg4: memref<1x128xf32, #tpu.memory_space<vmem>>, %arg5: memref<3x1000x128xf32, #tpu.memory_space<vmem>>) attributes {dimension_semantics = [#tpu.dimension_semantics<arbitrary>], iteration_bounds = array<i64: 10>, scalar_prefetch = 0 : i64, scratch_operands = 0 : i64, tpu.core_type = #tpu.core_type<tc>, window_params = [{transform_indices = @transform_0, window_bounds = array<i64: 1000, 128>}, {pipeline_mode = #tpu.pipeline_mode<synchronous>, transform_indices = @transform_1, window_bounds = array<i64: 8, 128, 128>}, {pipeline_mode = #tpu.pipeline_mode<synchronous>, transform_indices = @transform_2, window_bounds = array<i64: 128, 128>}, {pipeline_mode = #tpu.pipeline_mode<synchronous>, transform_indices = @transform_3, window_bounds = array<i64: 1, 128>}, {transform_indices = @transform_4, window_bounds = array<i64: 3, 1000, 128>}]} {
    %get3A = arith.constant 0 : index
    %get3A_0 = arith.constant 0 : index
    %get3A_1 = vector.load %arg1[%get3A, %get3A_0] : memref<1000x128xf32, #tpu.memory_space<vmem>>, vector<1000x128xf32>
    %get3A_2 = arith.constant 0 : index
    %get3A_3 = arith.constant 0 : index
    %get3A_4 = arith.constant 0 : index
    %get3A_5 = vector.load %arg2[%get3A_2, %get3A_3, %get3A_4] : memref<8x128x128xf32, #tpu.memory_space<vmem>>, vector<1x128x128xf32>
    %get3A_6 = vector.shape_cast %get3A_5 : vector<1x128x128xf32> to vector<128x128xf32>
    %dot_general3A = arith.constant dense<0.000000e+00> : vector<1000x128xf32>
    %dot_general3A_7 = tpu.matmul %get3A_1, %get3A_6, %dot_general3A {dimension_numbers = #tpu.dot_dimension_numbers<[1], [1], [0], [0], [0, 0, 1, 0], [], []>, transpose_lhs_hint = false} : vector<1000x128xf32>, vector<128x128xf32>, vector<1000x128xf32> -> vector<1000x128xf32>
    %get3A_8 = arith.constant 0 : index
    %get3A_9 = arith.constant 0 : index
    %get3A_10 = vector.load %arg3[%get3A_8, %get3A_9] : memref<128x128xf32, #tpu.memory_space<vmem>>, vector<128x128xf32>
    %dot_general3A_11 = arith.constant dense<0.000000e+00> : vector<1000x128xf32>
    %dot_general3A_12 = tpu.matmul %dot_general3A_7, %get3A_10, %dot_general3A_11 {dimension_numbers = #tpu.dot_dimension_numbers<[1], [1], [0], [0], [0, 0, 1, 0], [], []>, transpose_lhs_hint = false} : vector<1000x128xf32>, vector<128x128xf32>, vector<1000x128xf32> -> vector<1000x128xf32>
    %get3A_13 = arith.constant 0 : index
    %get3A_14 = arith.constant 0 : index
    %get3A_15 = vector.load %arg4[%get3A_13, %get3A_14] : memref<1x128xf32, #tpu.memory_space<vmem>>, vector<1x128xf32>
    %add3A = vector.broadcast %get3A_15 : vector<1x128xf32> to vector<1000x128xf32>
    %add3A_16 = arith.addf %dot_general3A_12, %add3A : vector<1000x128xf32>
    %logistic3A = arith.negf %add3A_16 : vector<1000x128xf32>
    %logistic3A_17 = math.exp %logistic3A : vector<1000x128xf32>
    %logistic3A_18 = arith.constant 1.000000e+00 : f32
    %logistic3A_19 = vector.broadcast %logistic3A_18 : f32 to vector<1000x128xf32>
    %logistic3A_20 = arith.addf %logistic3A_19, %logistic3A_17 : vector<1000x128xf32>
    %logistic3A_21 = arith.divf %logistic3A_19, %logistic3A_20 : vector<1000x128xf32>
    %mul3A = arith.mulf %dot_general3A_7, %logistic3A_21 : vector<1000x128xf32>
    %swap3A = arith.constant 0 : index
    %swap3A_22 = arith.constant 0 : index
    %swap3A_23 = arith.constant 0 : index
    %swap3A_24 = vector.load %arg5[%swap3A, %swap3A_22, %swap3A_23] : memref<3x1000x128xf32, #tpu.memory_space<vmem>>, vector<1x1000x128xf32>
    %swap3A_25 = vector.shape_cast %swap3A_24 : vector<1x1000x128xf32> to vector<1000x128xf32>
    %swap3A_26 = vector.shape_cast %mul3A : vector<1000x128xf32> to vector<1x1000x128xf32>
    tpu.vector_store %arg5[%swap3A, %swap3A_22, %swap3A_23], %swap3A_26 {strides = array<i32>} : memref<3x1000x128xf32, #tpu.memory_space<vmem>>, vector<1x1000x128xf32>,
    %get3A_27 = arith.constant 1 : index
    %get3A_28 = arith.constant 0 : index
    %get3A_29 = arith.constant 0 : index
    %get3A_30 = vector.load %arg2[%get3A_27, %get3A_28, %get3A_29] : memref<8x128x128xf32, #tpu.memory_space<vmem>>, vector<1x128x128xf32>
    %get3A_31 = vector.shape_cast %get3A_30 : vector<1x128x128xf32> to vector<128x128xf32>
    %dot_general3A_32 = arith.constant dense<0.000000e+00> : vector<1000x128xf32>
    %dot_general3A_33 = tpu.matmul %get3A_1, %get3A_31, %dot_general3A_32 {dimension_numbers = #tpu.dot_dimension_numbers<[1], [1], [0], [0], [0, 0, 1, 0], [], []>, transpose_lhs_hint = false} : vector<1000x128xf32>, vector<128x128xf32>, vector<1000x128xf32> -> vector<1000x128xf32>
    %get3A_34 = arith.constant 0 : index
    %get3A_35 = arith.constant 0 : index
    %get3A_36 = vector.load %arg3[%get3A_34, %get3A_35] : memref<128x128xf32, #tpu.memory_space<vmem>>, vector<128x128xf32>
    %dot_general3A_37 = arith.constant dense<0.000000e+00> : vector<1000x128xf32>
    %dot_general3A_38 = tpu.matmul %dot_general3A_33, %get3A_36, %dot_general3A_37 {dimension_numbers = #tpu.dot_dimension_numbers<[1], [1], [0], [0], [0, 0, 1, 0], [], []>, transpose_lhs_hint = false} : vector<1000x128xf32>, vector<128x128xf32>, vector<1000x128xf32> -> vector<1000x128xf32>
    %get3A_39 = arith.constant 0 : index
    %get3A_40 = arith.constant 0 : index
    %get3A_41 = vector.load %arg4[%get3A_39, %get3A_40] : memref<1x128xf32, #tpu.memory_space<vmem>>, vector<1x128xf32>
    %add3A_42 = vector.broadcast %get3A_41 : vector<1x128xf32> to vector<1000x128xf32>
    %add3A_43 = arith.addf %dot_general3A_38, %add3A_42 : vector<1000x128xf32>
    %logistic3A_44 = arith.negf %add3A_43 : vector<1000x128xf32>
    %logistic3A_45 = math.exp %logistic3A_44 : vector<1000x128xf32>
    %logistic3A_46 = arith.constant 1.000000e+00 : f32
    %logistic3A_47 = vector.broadcast %logistic3A_46 : f32 to vector<1000x128xf32>
    %logistic3A_48 = arith.addf %logistic3A_47, %logistic3A_45 : vector<1000x128xf32>
    %logistic3A_49 = arith.divf %logistic3A_47, %logistic3A_48 : vector<1000x128xf32>
    %mul3A_50 = arith.mulf %dot_general3A_33, %logistic3A_49 : vector<1000x128xf32>
    %swap3A_51 = arith.constant 1 : index
    %swap3A_52 = arith.constant 0 : index
    %swap3A_53 = arith.constant 0 : index
    %swap3A_54 = vector.load %arg5[%swap3A_51, %swap3A_52, %swap3A_53] : memref<3x1000x128xf32, #tpu.memory_space<vmem>>, vector<1x1000x128xf32>
    %swap3A_55 = vector.shape_cast %swap3A_54 : vector<1x1000x128xf32> to vector<1000x128xf32>
    %swap3A_56 = vector.shape_cast %mul3A_50 : vector<1000x128xf32> to vector<1x1000x128xf32>
    tpu.vector_store %arg5[%swap3A_51, %swap3A_52, %swap3A_53], %swap3A_56 {strides = array<i32>} : memref<3x1000x128xf32, #tpu.memory_space<vmem>>, vector<1x1000x128xf32>,
    %get3A_57 = arith.constant 2 : index
    %get3A_58 = arith.constant 0 : index
    %get3A_59 = arith.constant 0 : index
    %get3A_60 = vector.load %arg2[%get3A_57, %get3A_58, %get3A_59] : memref<8x128x128xf32, #tpu.memory_space<vmem>>, vector<1x128x128xf32>
    %get3A_61 = vector.shape_cast %get3A_60 : vector<1x128x128xf32> to vector<128x128xf32>
    %dot_general3A_62 = arith.constant dense<0.000000e+00> : vector<1000x128xf32>
    %dot_general3A_63 = tpu.matmul %get3A_1, %get3A_61, %dot_general3A_62 {dimension_numbers = #tpu.dot_dimension_numbers<[1], [1], [0], [0], [0, 0, 1, 0], [], []>, transpose_lhs_hint = false} : vector<1000x128xf32>, vector<128x128xf32>, vector<1000x128xf32> -> vector<1000x128xf32>
    %get3A_64 = arith.constant 0 : index
    %get3A_65 = arith.constant 0 : index
    %get3A_66 = vector.load %arg3[%get3A_64, %get3A_65] : memref<128x128xf32, #tpu.memory_space<vmem>>, vector<128x128xf32>
    %dot_general3A_67 = arith.constant dense<0.000000e+00> : vector<1000x128xf32>
    %dot_general3A_68 = tpu.matmul %dot_general3A_63, %get3A_66, %dot_general3A_67 {dimension_numbers = #tpu.dot_dimension_numbers<[1], [1], [0], [0], [0, 0, 1, 0], [], []>, transpose_lhs_hint = false} : vector<1000x128xf32>, vector<128x128xf32>, vector<1000x128xf32> -> vector<1000x128xf32>
    %get3A_69 = arith.constant 0 : index
    %get3A_70 = arith.constant 0 : index
    %get3A_71 = vector.load %arg4[%get3A_69, %get3A_70] : memref<1x128xf32, #tpu.memory_space<vmem>>, vector<1x128xf32>
    %add3A_72 = vector.broadcast %get3A_71 : vector<1x128xf32> to vector<1000x128xf32>
    %add3A_73 = arith.addf %dot_general3A_68, %add3A_72 : vector<1000x128xf32>
    %logistic3A_74 = arith.negf %add3A_73 : vector<1000x128xf32>
    %logistic3A_75 = math.exp %logistic3A_74 : vector<1000x128xf32>
    %logistic3A_76 = arith.constant 1.000000e+00 : f32
    %logistic3A_77 = vector.broadcast %logistic3A_76 : f32 to vector<1000x128xf32>
    %logistic3A_78 = arith.addf %logistic3A_77, %logistic3A_75 : vector<1000x128xf32>
    %logistic3A_79 = arith.divf %logistic3A_77, %logistic3A_78 : vector<1000x128xf32>
    %mul3A_80 = arith.mulf %dot_general3A_63, %logistic3A_79 : vector<1000x128xf32>
    %swap3A_81 = arith.constant 2 : index
    %swap3A_82 = arith.constant 0 : index
    %swap3A_83 = arith.constant 0 : index
    %swap3A_84 = vector.load %arg5[%swap3A_81, %swap3A_82, %swap3A_83] : memref<3x1000x128xf32, #tpu.memory_space<vmem>>, vector<1x1000x128xf32>
    %swap3A_85 = vector.shape_cast %swap3A_84 : vector<1x1000x128xf32> to vector<1000x128xf32>
    %swap3A_86 = vector.shape_cast %mul3A_80 : vector<1000x128xf32> to vector<1x1000x128xf32>
    tpu.vector_store %arg5[%swap3A_81, %swap3A_82, %swap3A_83], %swap3A_86 {strides = array<i32>} : memref<3x1000x128xf32, #tpu.memory_space<vmem>>, vector<1x1000x128xf32>,
    return
  }
  func.func @transform_0(%arg0: i32) -> (i32, i32) {
    %c0_i32 = arith.constant 0 : i32
    %c0_i32_0 = arith.constant 0 : i32
    return %arg0, %c0_i32 : i32, i32
  }
  func.func @transform_1(%arg0: i32) -> (i32, i32, i32) {
    %c0_i32 = arith.constant 0 : i32
    %c0_i32_0 = arith.constant 0 : i32
    %c0_i32_1 = arith.constant 0 : i32
    %c0_i32_2 = arith.constant 0 : i32
    return %c0_i32, %c0_i32_0, %c0_i32_1 : i32, i32, i32
  }
  func.func @transform_2(%arg0: i32) -> (i32, i32) {
    %c0_i32 = arith.constant 0 : i32
    %c0_i32_0 = arith.constant 0 : i32
    %c0_i32_1 = arith.constant 0 : i32
    return %c0_i32, %c0_i32_0 : i32, i32
  }
  func.func @transform_3(%arg0: i32) -> (i32, i32) {
    %c0_i32 = arith.constant 0 : i32
    %c0_i32_0 = arith.constant 0 : i32
    %c0_i32_1 = arith.constant 0 : i32
    return %c0_i32, %c0_i32_0 : i32, i32
  }
  func.func @transform_4(%arg0: i32) -> (i32, i32, i32) {
    %c0_i32 = arith.constant 0 : i32
    %c0_i32_0 = arith.constant 0 : i32
    %c0_i32_1 = arith.constant 0 : i32
    return %c0_i32, %arg0, %c0_i32_0 : i32, i32, i32
  }
}

module attributes {stable_mosaic.version = 14 : i64} {
  func.func @_k3_body(%arg0: i32, %arg1: memref<30000x128xf32, #tpu.memory_space<vmem>>, %arg2: memref<1x1x10000xi32, #tpu.memory_space<smem>>, %arg3: memref<1x1x10000xi32, #tpu.memory_space<smem>>, %arg4: memref<1x1x10000xi32, #tpu.memory_space<smem>>, %arg5: memref<1x1x10000xf32, #tpu.memory_space<smem>>, %arg6: memref<30000x128xf32, #tpu.memory_space<vmem>>) attributes {dimension_semantics = [#tpu.dimension_semantics<arbitrary>], iteration_bounds = array<i64: 32>, scalar_prefetch = 0 : i64, scratch_operands = 0 : i64, tpu.core_type = #tpu.core_type<tc>, window_params = [{pipeline_mode = #tpu.pipeline_mode<synchronous>, transform_indices = @transform_0, window_bounds = array<i64: 30000, 128>}, {transform_indices = @transform_1, window_bounds = array<i64: 1, 1, 10000>}, {transform_indices = @transform_2, window_bounds = array<i64: 1, 1, 10000>}, {transform_indices = @transform_3, window_bounds = array<i64: 1, 1, 10000>}, {transform_indices = @transform_4, window_bounds = array<i64: 1, 1, 10000>}, {pipeline_mode = #tpu.pipeline_mode<synchronous>, transform_indices = @transform_5, window_bounds = array<i64: 30000, 128>}]} {
    %eq3A = arith.constant 0 : i32
    %eq3A_0 = arith.cmpi eq, %arg0, %eq3A : i32
    %convert_element_type3A = arith.extui %eq3A_0 : i1 to i32
    %cond3A = arith.constant 0 : i32
    %cond3A_1 = arith.cmpi ne, %convert_element_type3A, %cond3A : i32
    scf.if %cond3A_1 {
      %broadcast_in_dim3A = arith.constant 3.000000e+38 : f32
      %broadcast_in_dim3A_7 = vector.broadcast %broadcast_in_dim3A : f32 to vector<30000x128xf32>
      %swap3A = arith.constant 0 : index
      %swap3A_8 = arith.constant 0 : index
      %swap3A_9 = vector.load %arg6[%swap3A, %swap3A_8] : memref<30000x128xf32, #tpu.memory_space<vmem>>, vector<30000x128xf32>
      tpu.vector_store %arg6[%swap3A, %swap3A_8], %broadcast_in_dim3A_7 {strides = array<i32>} : memref<30000x128xf32, #tpu.memory_space<vmem>>, vector<30000x128xf32>,
    } else {
    }
    %mul3A = arith.constant 10000 : i32
    %mul3A_2 = arith.muli %arg0, %mul3A : i32
    %scan3A = arith.constant 0 : i32
    %scan3A_3 = arith.constant 10000 : i32
    %scan3A_4 = arith.addi %scan3A, %scan3A_3 : i32
    %scan3A_5 = arith.constant 1 : i32
    scf.for %scan3A_7 = %scan3A to %scan3A_4 step %scan3A_5  : i32 {
      %get3A = arith.constant 0 : index
      %get3A_8 = arith.constant 0 : index
      %get3A_9 = arith.index_cast %scan3A_7 : i32 to index
      %get3A_10 = memref.load %arg4[%get3A, %get3A_8, %get3A_9] : memref<1x1x10000xi32, #tpu.memory_space<smem>>
      %add3A = arith.addi %mul3A_2, %scan3A_7 : i32
      %lt3A = arith.constant 320000 : i32
      %lt3A_11 = arith.cmpi slt, %add3A, %lt3A : i32
      %lt3A_12 = arith.constant 3 : i32
      %lt3A_13 = arith.cmpi slt, %get3A_10, %lt3A_12 : i32
      %and3A = arith.andi %lt3A_11, %lt3A_13 : i1
      %convert_element_type3A_14 = arith.extui %and3A : i1 to i32
      %cond3A_15 = arith.constant 0 : i32
      %cond3A_16 = arith.cmpi ne, %convert_element_type3A_14, %cond3A_15 : i32
      scf.if %cond3A_16 {
        %get3A_17 = arith.constant 0 : index
        %get3A_18 = arith.constant 0 : index
        %get3A_19 = arith.index_cast %scan3A_7 : i32 to index
        %get3A_20 = memref.load %arg2[%get3A_17, %get3A_18, %get3A_19] : memref<1x1x10000xi32, #tpu.memory_space<smem>>
        %get3A_21 = arith.constant 0 : index
        %get3A_22 = arith.constant 0 : index
        %get3A_23 = arith.index_cast %scan3A_7 : i32 to index
        %get3A_24 = memref.load %arg3[%get3A_21, %get3A_22, %get3A_23] : memref<1x1x10000xi32, #tpu.memory_space<smem>>
        %get3A_25 = arith.constant 0 : index
        %get3A_26 = arith.constant 0 : index
        %get3A_27 = arith.index_cast %scan3A_7 : i32 to index
        %get3A_28 = memref.load %arg5[%get3A_25, %get3A_26, %get3A_27] : memref<1x1x10000xf32, #tpu.memory_space<smem>>
        %mul3A_29 = arith.constant 10000 : i32
        %mul3A_30 = arith.muli %get3A_10, %mul3A_29 : i32
        %add3A_31 = arith.addi %mul3A_30, %get3A_20 : i32
        %get3A_32 = arith.index_cast %add3A_31 : i32 to index
        %get3A_33 = arith.constant 0 : index
        %get3A_34 = vector.load %arg1[%get3A_32, %get3A_33] : memref<30000x128xf32, #tpu.memory_space<vmem>>, vector<1x128xf32>
        %mul3A_35 = vector.broadcast %get3A_28 : f32 to vector<1x128xf32>
        %mul3A_36 = arith.mulf %get3A_34, %mul3A_35 : vector<1x128xf32>
        %mul3A_37 = arith.constant 3 : i32
        %mul3A_38 = arith.muli %get3A_24, %mul3A_37 : i32
        %add3A_39 = arith.addi %mul3A_38, %get3A_10 : i32
        %get3A_40 = arith.index_cast %add3A_39 : i32 to index
        %get3A_41 = arith.constant 0 : index
        %get3A_42 = vector.load %arg6[%get3A_40, %get3A_41] : memref<30000x128xf32, #tpu.memory_space<vmem>>, vector<1x128xf32>
        %min3A = arith.minimumf %get3A_42, %mul3A_36 : vector<1x128xf32>
        %swap3A = arith.index_cast %add3A_39 : i32 to index
        %swap3A_43 = arith.constant 0 : index
        %swap3A_44 = vector.load %arg6[%swap3A, %swap3A_43] : memref<30000x128xf32, #tpu.memory_space<vmem>>, vector<1x128xf32>
        tpu.vector_store %arg6[%swap3A, %swap3A_43], %min3A {strides = array<i32>} : memref<30000x128xf32, #tpu.memory_space<vmem>>, vector<1x128xf32>,
      } else {
      }
    }
    %scan3A_6 = arith.constant 10000 : i32
    return
  }
  func.func @transform_0(%arg0: i32) -> (i32, i32) {
    %c0_i32 = arith.constant 0 : i32
    %c0_i32_0 = arith.constant 0 : i32
    %c0_i32_1 = arith.constant 0 : i32
    return %c0_i32, %c0_i32_0 : i32, i32
  }
  func.func @transform_1(%arg0: i32) -> (i32, i32, i32) {
    %c0_i32 = arith.constant 0 : i32
    %c0_i32_0 = arith.constant 0 : i32
    %c0_i32_1 = arith.constant 0 : i32
    return %arg0, %c0_i32, %c0_i32_0 : i32, i32, i32
  }
  func.func @transform_2(%arg0: i32) -> (i32, i32, i32) {
    %c0_i32 = arith.constant 0 : i32
    %c0_i32_0 = arith.constant 0 : i32
    %c0_i32_1 = arith.constant 0 : i32
    return %arg0, %c0_i32, %c0_i32_0 : i32, i32, i32
  }
  func.func @transform_3(%arg0: i32) -> (i32, i32, i32) {
    %c0_i32 = arith.constant 0 : i32
    %c0_i32_0 = arith.constant 0 : i32
    %c0_i32_1 = arith.constant 0 : i32
    return %arg0, %c0_i32, %c0_i32_0 : i32, i32, i32
  }
  func.func @transform_4(%arg0: i32) -> (i32, i32, i32) {
    %c0_i32 = arith.constant 0 : i32
    %c0_i32_0 = arith.constant 0 : i32
    %c0_i32_1 = arith.constant 0 : i32
    return %arg0, %c0_i32, %c0_i32_0 : i32, i32, i32
  }
  func.func @transform_5(%arg0: i32) -> (i32, i32) {
    %c0_i32 = arith.constant 0 : i32
    %c0_i32_0 = arith.constant 0 : i32
    %c0_i32_1 = arith.constant 0 : i32
    return %c0_i32, %c0_i32_0 : i32, i32
  }
}

module attributes {stable_mosaic.version = 14 : i64} {
  func.func @_k4_body(%arg0: i32, %arg1: memref<1000x128xf32, #tpu.memory_space<vmem>>, %arg2: memref<1000x5x128xf32, #tpu.memory_space<vmem>>, %arg3: memref<1000x5x128xf32, #tpu.memory_space<vmem>>, %arg4: memref<1000x8xf32, #tpu.memory_space<vmem>>, %arg5: memref<1000x8xf32, #tpu.memory_space<vmem>>, %arg6: memref<1000x3x128xf32, #tpu.memory_space<vmem>>, %arg7: memref<1000x16xf32, #tpu.memory_space<vmem>>, %arg8: memref<128x128xf32, #tpu.memory_space<vmem>>, %arg9: memref<8x128x128xf32, #tpu.memory_space<vmem>>, %arg10: memref<128x128xf32, #tpu.memory_space<vmem>>, %arg11: memref<128x128xf32, #tpu.memory_space<vmem>>, %arg12: memref<128x16xf32, #tpu.memory_space<vmem>>, %arg13: memref<1x128xf32, #tpu.memory_space<vmem>>, %arg14: memref<1x128xf32, #tpu.memory_space<vmem>>, %arg15: memref<1x128xf32, #tpu.memory_space<vmem>>, %arg16: memref<1000x128xf32, #tpu.memory_space<vmem>>) attributes {dimension_semantics = [#tpu.dimension_semantics<arbitrary>], iteration_bounds = array<i64: 10>, scalar_prefetch = 0 : i64, scratch_operands = 0 : i64, tpu.core_type = #tpu.core_type<tc>, window_params = [{transform_indices = @transform_0, window_bounds = array<i64: 1000, 128>}, {transform_indices = @transform_1, window_bounds = array<i64: 1000, 5, 128>}, {transform_indices = @transform_2, window_bounds = array<i64: 1000, 5, 128>}, {transform_indices = @transform_3, window_bounds = array<i64: 1000, 8>}, {transform_indices = @transform_4, window_bounds = array<i64: 1000, 8>}, {transform_indices = @transform_5, window_bounds = array<i64: 1000, 3, 128>}, {transform_indices = @transform_6, window_bounds = array<i64: 1000, 16>}, {pipeline_mode = #tpu.pipeline_mode<synchronous>, transform_indices = @transform_7, window_bounds = array<i64: 128, 128>}, {pipeline_mode = #tpu.pipeline_mode<synchronous>, transform_indices = @transform_8, window_bounds = array<i64: 8, 128, 128>}, {pipeline_mode = #tpu.pipeline_mode<synchronous>, transform_indices = @transform_9, window_bounds = array<i64: 128, 128>}, {pipeline_mode = #tpu.pipeline_mode<synchronous>, transform_indices = @transform_10, window_bounds = array<i64: 128, 128>}, {pipeline_mode = #tpu.pipeline_mode<synchronous>, transform_indices = @transform_11, window_bounds = array<i64: 128, 16>}, {pipeline_mode = #tpu.pipeline_mode<synchronous>, transform_indices = @transform_12, window_bounds = array<i64: 1, 128>}, {pipeline_mode = #tpu.pipeline_mode<synchronous>, transform_indices = @transform_13, window_bounds = array<i64: 1, 128>}, {pipeline_mode = #tpu.pipeline_mode<synchronous>, transform_indices = @transform_14, window_bounds = array<i64: 1, 128>}, {transform_indices = @transform_15, window_bounds = array<i64: 1000, 128>}]} {
    %get3A = arith.constant 0 : index
    %get3A_0 = arith.constant 0 : index
    %get3A_1 = vector.load %arg1[%get3A, %get3A_0] : memref<1000x128xf32, #tpu.memory_space<vmem>>, vector<1000x128xf32>
    %get3A_2 = arith.constant 0 : index
    %get3A_3 = arith.constant 0 : index
    %get3A_4 = vector.load %arg8[%get3A_2, %get3A_3] : memref<128x128xf32, #tpu.memory_space<vmem>>, vector<128x128xf32>
    %dot_general3A = arith.constant dense<0.000000e+00> : vector<1000x128xf32>
    %dot_general3A_5 = tpu.matmul %get3A_1, %get3A_4, %dot_general3A {dimension_numbers = #tpu.dot_dimension_numbers<[1], [1], [0], [0], [0, 0, 1, 0], [], []>, transpose_lhs_hint = false} : vector<1000x128xf32>, vector<128x128xf32>, vector<1000x128xf32> -> vector<1000x128xf32>
    %get3A_6 = arith.constant 0 : index
    %get3A_7 = arith.constant 0 : index
    %get3A_8 = vector.load %arg4[%get3A_6, %get3A_7] : memref<1000x8xf32, #tpu.memory_space<vmem>>, vector<1000x8xf32>
    %get3A_9 = arith.constant 0 : index
    %get3A_10 = arith.constant 0 : index
    %get3A_11 = vector.load %arg5[%get3A_9, %get3A_10] : memref<1000x8xf32, #tpu.memory_space<vmem>>, vector<1000x8xf32>
    %add3A = arith.addf %get3A_8, %get3A_11 : vector<1000x8xf32>
    %gt3A = arith.constant 0.000000e+00 : f32
    %gt3A_12 = vector.broadcast %gt3A : f32 to vector<1000x8xf32>
    %gt3A_13 = arith.cmpf ogt, %add3A, %gt3A_12 : vector<1000x8xf32>
    %max3A = arith.constant 1.000000e+00 : f32
    %max3A_14 = vector.broadcast %max3A : f32 to vector<1000x8xf32>
    %max3A_15 = arith.maximumf %add3A, %max3A_14 : vector<1000x8xf32>
    %slice3A = vector.extract_strided_slice %gt3A_13 {offsets = [0, 0], sizes = [1000, 1], strides = [1, 1]} : vector<1000x8xi1> to vector<1000x1xi1>
    %get3A_16 = arith.constant 0 : index
    %get3A_17 = arith.constant 0 : index
    %get3A_18 = arith.constant 0 : index
    %get3A_19 = vector.load %arg6[%get3A_16, %get3A_17, %get3A_18] : memref<1000x3x128xf32, #tpu.memory_space<vmem>>, vector<1000x1x128xf32>
    %get3A_20 = vector.shape_cast %get3A_19 : vector<1000x1x128xf32> to vector<1000x128xf32>
    %jit3A = arith.constant 0.000000e+00 : f32
    %broadcast_in_dim3A = vector.shape_cast %slice3A : vector<1000x1xi1> to vector<1000x1xi1>
    %broadcast_in_dim3A_21 = vector.broadcast %broadcast_in_dim3A : vector<1000x1xi1> to vector<1000x128xi1>
    %broadcast_in_dim3A_22 = vector.broadcast %jit3A : f32 to vector<1000x128xf32>
    %select_n3A = arith.select %broadcast_in_dim3A_21, %get3A_20, %broadcast_in_dim3A_22 : vector<1000x128xi1>, vector<1000x128xf32>
    %add3A_23 = arith.addf %dot_general3A_5, %select_n3A : vector<1000x128xf32>
    %slice3A_24 = vector.extract_strided_slice %gt3A_13 {offsets = [0, 1], sizes = [1000, 1], strides = [1, 1]} : vector<1000x8xi1> to vector<1000x1xi1>
    %get3A_25 = arith.constant 0 : index
    %get3A_26 = arith.constant 1 : index
    %get3A_27 = arith.constant 0 : index
    %get3A_28 = vector.load %arg6[%get3A_25, %get3A_26, %get3A_27] : memref<1000x3x128xf32, #tpu.memory_space<vmem>>, vector<1000x1x128xf32>
    %get3A_29 = vector.shape_cast %get3A_28 : vector<1000x1x128xf32> to vector<1000x128xf32>
    %jit3A_30 = arith.constant 0.000000e+00 : f32
    %broadcast_in_dim3A_31 = vector.shape_cast %slice3A_24 : vector<1000x1xi1> to vector<1000x1xi1>
    %broadcast_in_dim3A_32 = vector.broadcast %broadcast_in_dim3A_31 : vector<1000x1xi1> to vector<1000x128xi1>
    %broadcast_in_dim3A_33 = vector.broadcast %jit3A_30 : f32 to vector<1000x128xf32>
    %select_n3A_34 = arith.select %broadcast_in_dim3A_32, %get3A_29, %broadcast_in_dim3A_33 : vector<1000x128xi1>, vector<1000x128xf32>
    %add3A_35 = arith.addf %add3A_23, %select_n3A_34 : vector<1000x128xf32>
    %slice3A_36 = vector.extract_strided_slice %gt3A_13 {offsets = [0, 2], sizes = [1000, 1], strides = [1, 1]} : vector<1000x8xi1> to vector<1000x1xi1>
    %get3A_37 = arith.constant 0 : index
    %get3A_38 = arith.constant 2 : index
    %get3A_39 = arith.constant 0 : index
    %get3A_40 = vector.load %arg6[%get3A_37, %get3A_38, %get3A_39] : memref<1000x3x128xf32, #tpu.memory_space<vmem>>, vector<1000x1x128xf32>
    %get3A_41 = vector.shape_cast %get3A_40 : vector<1000x1x128xf32> to vector<1000x128xf32>
    %jit3A_42 = arith.constant 0.000000e+00 : f32
    %broadcast_in_dim3A_43 = vector.shape_cast %slice3A_36 : vector<1000x1xi1> to vector<1000x1xi1>
    %broadcast_in_dim3A_44 = vector.broadcast %broadcast_in_dim3A_43 : vector<1000x1xi1> to vector<1000x128xi1>
    %broadcast_in_dim3A_45 = vector.broadcast %jit3A_42 : f32 to vector<1000x128xf32>
    %select_n3A_46 = arith.select %broadcast_in_dim3A_44, %get3A_41, %broadcast_in_dim3A_45 : vector<1000x128xi1>, vector<1000x128xf32>
    %add3A_47 = arith.addf %add3A_35, %select_n3A_46 : vector<1000x128xf32>
    %get3A_48 = arith.constant 0 : index
    %get3A_49 = arith.constant 0 : index
    %get3A_50 = vector.load %arg10[%get3A_48, %get3A_49] : memref<128x128xf32, #tpu.memory_space<vmem>>, vector<128x128xf32>
    %get3A_51 = arith.constant 0 : index
    %get3A_52 = arith.constant 0 : index
    %get3A_53 = vector.load %arg11[%get3A_51, %get3A_52] : memref<128x128xf32, #tpu.memory_space<vmem>>, vector<128x128xf32>
    %dot_general3A_54 = arith.constant dense<0.000000e+00> : vector<128x128xf32>
    %dot_general3A_55 = tpu.matmul %get3A_50, %get3A_53, %dot_general3A_54 {dimension_numbers = #tpu.dot_dimension_numbers<[0], [0], [1], [1], [0, 1, 1, 1], [], []>, transpose_lhs_hint = false} : vector<128x128xf32>, vector<128x128xf32>, vector<128x128xf32> -> vector<128x128xf32>
    %get3A_56 = arith.constant 0 : index
    %get3A_57 = arith.constant 0 : index
    %get3A_58 = vector.load %arg7[%get3A_56, %get3A_57] : memref<1000x16xf32, #tpu.memory_space<vmem>>, vector<1000x16xf32>
    %get3A_59 = arith.constant 0 : index
    %get3A_60 = arith.constant 0 : index
    %get3A_61 = vector.load %arg12[%get3A_59, %get3A_60] : memref<128x16xf32, #tpu.memory_space<vmem>>, vector<128x16xf32>
    %dot_general3A_62 = arith.constant dense<0.000000e+00> : vector<1000x128xf32>
    %dot_general3A_63 = tpu.matmul %get3A_58, %get3A_61, %dot_general3A_62 {dimension_numbers = #tpu.dot_dimension_numbers<[1], [1], [0], [0], [0, 0, 1, 0], [], []>, transpose_lhs_hint = false} : vector<1000x16xf32>, vector<128x16xf32>, vector<1000x128xf32> -> vector<1000x128xf32>
    %get3A_64 = arith.constant 0 : index
    %get3A_65 = arith.constant 0 : index
    %get3A_66 = vector.load %arg13[%get3A_64, %get3A_65] : memref<1x128xf32, #tpu.memory_space<vmem>>, vector<1x128xf32>
    %add3A_67 = vector.broadcast %get3A_66 : vector<1x128xf32> to vector<1000x128xf32>
    %add3A_68 = arith.addf %dot_general3A_63, %add3A_67 : vector<1000x128xf32>
    %logistic3A = arith.negf %add3A_68 : vector<1000x128xf32>
    %logistic3A_69 = math.exp %logistic3A : vector<1000x128xf32>
    %logistic3A_70 = arith.constant 1.000000e+00 : f32
    %logistic3A_71 = vector.broadcast %logistic3A_70 : f32 to vector<1000x128xf32>
    %logistic3A_72 = arith.addf %logistic3A_71, %logistic3A_69 : vector<1000x128xf32>
    %logistic3A_73 = arith.divf %logistic3A_71, %logistic3A_72 : vector<1000x128xf32>
    %get3A_74 = arith.constant 0 : index
    %get3A_75 = arith.constant 0 : index
    %get3A_76 = arith.constant 0 : index
    %get3A_77 = vector.load %arg2[%get3A_74, %get3A_75, %get3A_76] : memref<1000x5x128xf32, #tpu.memory_space<vmem>>, vector<1000x1x128xf32>
    %get3A_78 = vector.shape_cast %get3A_77 : vector<1000x1x128xf32> to vector<1000x128xf32>
    %get3A_79 = arith.constant 0 : index
    %get3A_80 = arith.constant 0 : index
    %get3A_81 = arith.constant 0 : index
    %get3A_82 = vector.load %arg3[%get3A_79, %get3A_80, %get3A_81] : memref<1000x5x128xf32, #tpu.memory_space<vmem>>, vector<1000x1x128xf32>
    %get3A_83 = vector.shape_cast %get3A_82 : vector<1000x1x128xf32> to vector<1000x128xf32>
    %add3A_84 = arith.addf %get3A_78, %get3A_83 : vector<1000x128xf32>
    %get3A_85 = arith.constant 3 : index
    %get3A_86 = arith.constant 0 : index
    %get3A_87 = arith.constant 0 : index
    %get3A_88 = vector.load %arg9[%get3A_85, %get3A_86, %get3A_87] : memref<8x128x128xf32, #tpu.memory_space<vmem>>, vector<1x128x128xf32>
    %get3A_89 = vector.shape_cast %get3A_88 : vector<1x128x128xf32> to vector<128x128xf32>
    %dot_general3A_90 = arith.constant dense<0.000000e+00> : vector<1000x128xf32>
    %dot_general3A_91 = tpu.matmul %add3A_84, %get3A_89, %dot_general3A_90 {dimension_numbers = #tpu.dot_dimension_numbers<[1], [1], [0], [0], [0, 0, 1, 0], [], []>, transpose_lhs_hint = false} : vector<1000x128xf32>, vector<128x128xf32>, vector<1000x128xf32> -> vector<1000x128xf32>
    %slice3A_92 = vector.extract_strided_slice %max3A_15 {offsets = [0, 3], sizes = [1000, 1], strides = [1, 1]} : vector<1000x8xf32> to vector<1000x1xf32>
    %div3A = vector.broadcast %slice3A_92 : vector<1000x1xf32> to vector<1000x128xf32>
    %div3A_93 = arith.divf %dot_general3A_91, %div3A : vector<1000x128xf32>
    %get3A_94 = arith.constant 3 : index
    %get3A_95 = arith.constant 0 : index
    %get3A_96 = arith.constant 0 : index
    %get3A_97 = vector.load %arg9[%get3A_94, %get3A_95, %get3A_96] : memref<8x128x128xf32, #tpu.memory_space<vmem>>, vector<1x128x128xf32>
    %get3A_98 = vector.shape_cast %get3A_97 : vector<1x128x128xf32> to vector<128x128xf32>
    %dot_general3A_99 = arith.constant dense<0.000000e+00> : vector<1000x128xf32>
    %dot_general3A_100 = tpu.matmul %get3A_1, %get3A_98, %dot_general3A_99 {dimension_numbers = #tpu.dot_dimension_numbers<[1], [1], [0], [0], [0, 0, 1, 0], [], []>, transpose_lhs_hint = false} : vector<1000x128xf32>, vector<128x128xf32>, vector<1000x128xf32> -> vector<1000x128xf32>
    %dot_general3A_101 = arith.constant dense<0.000000e+00> : vector<1000x128xf32>
    %dot_general3A_102 = tpu.matmul %div3A_93, %dot_general3A_55, %dot_general3A_101 {dimension_numbers = #tpu.dot_dimension_numbers<[1], [0], [0], [1], [0, 0, 1, 1], [], []>, transpose_lhs_hint = false} : vector<1000x128xf32>, vector<128x128xf32>, vector<1000x128xf32> -> vector<1000x128xf32>
    %mul3A = arith.mulf %dot_general3A_102, %dot_general3A_100 : vector<1000x128xf32>
    %reduce_sum3A = arith.constant dense<0.000000e+00> : vector<1000xf32>
    %reduce_sum3A_103 = vector.multi_reduction <add>, %mul3A, %reduce_sum3A [1] : vector<1000x128xf32> to vector<1000xf32>
    %broadcast_in_dim3A_104 = vector.shape_cast %reduce_sum3A_103 : vector<1000xf32> to vector<1000x1xf32>
    %mul3A_105 = arith.constant 0.0883883461 : f32
    %mul3A_106 = vector.broadcast %mul3A_105 : f32 to vector<1000x1xf32>
    %mul3A_107 = arith.mulf %broadcast_in_dim3A_104, %mul3A_106 : vector<1000x1xf32>
    %logistic3A_108 = arith.negf %mul3A_107 : vector<1000x1xf32>
    %logistic3A_109 = math.exp %logistic3A_108 : vector<1000x1xf32>
    %logistic3A_110 = arith.constant 1.000000e+00 : f32
    %logistic3A_111 = vector.broadcast %logistic3A_110 : f32 to vector<1000x1xf32>
    %logistic3A_112 = arith.addf %logistic3A_111, %logistic3A_109 : vector<1000x1xf32>
    %logistic3A_113 = arith.divf %logistic3A_111, %logistic3A_112 : vector<1000x1xf32>
    %mul3A_114 = vector.broadcast %logistic3A_113 : vector<1000x1xf32> to vector<1000x128xf32>
    %mul3A_115 = arith.mulf %dot_general3A_100, %mul3A_114 : vector<1000x128xf32>
    %sub3A = arith.constant 1.000000e+00 : f32
    %sub3A_116 = vector.broadcast %sub3A : f32 to vector<1000x1xf32>
    %sub3A_117 = arith.subf %sub3A_116, %logistic3A_113 : vector<1000x1xf32>
    %mul3A_118 = vector.broadcast %sub3A_117 : vector<1000x1xf32> to vector<1000x128xf32>
    %mul3A_119 = arith.mulf %div3A_93, %mul3A_118 : vector<1000x128xf32>
    %add3A_120 = arith.addf %mul3A_115, %mul3A_119 : vector<1000x128xf32>
    %slice3A_121 = vector.extract_strided_slice %gt3A_13 {offsets = [0, 3], sizes = [1000, 1], strides = [1, 1]} : vector<1000x8xi1> to vector<1000x1xi1>
    %jit3A_122 = arith.constant 0.000000e+00 : f32
    %broadcast_in_dim3A_123 = vector.shape_cast %slice3A_121 : vector<1000x1xi1> to vector<1000x1xi1>
    %broadcast_in_dim3A_124 = vector.broadcast %broadcast_in_dim3A_123 : vector<1000x1xi1> to vector<1000x128xi1>
    %broadcast_in_dim3A_125 = vector.broadcast %jit3A_122 : f32 to vector<1000x128xf32>
    %select_n3A_126 = arith.select %broadcast_in_dim3A_124, %add3A_120, %broadcast_in_dim3A_125 : vector<1000x128xi1>, vector<1000x128xf32>
    %add3A_127 = arith.addf %add3A_47, %select_n3A_126 : vector<1000x128xf32>
    %get3A_128 = arith.constant 0 : index
    %get3A_129 = arith.constant 1 : index
    %get3A_130 = arith.constant 0 : index
    %get3A_131 = vector.load %arg2[%get3A_128, %get3A_129, %get3A_130] : memref<1000x5x128xf32, #tpu.memory_space<vmem>>, vector<1000x1x128xf32>
    %get3A_132 = vector.shape_cast %get3A_131 : vector<1000x1x128xf32> to vector<1000x128xf32>
    %get3A_133 = arith.constant 0 : index
    %get3A_134 = arith.constant 1 : index
    %get3A_135 = arith.constant 0 : index
    %get3A_136 = vector.load %arg3[%get3A_133, %get3A_134, %get3A_135] : memref<1000x5x128xf32, #tpu.memory_space<vmem>>, vector<1000x1x128xf32>
    %get3A_137 = vector.shape_cast %get3A_136 : vector<1000x1x128xf32> to vector<1000x128xf32>
    %add3A_138 = arith.addf %get3A_132, %get3A_137 : vector<1000x128xf32>
    %get3A_139 = arith.constant 4 : index
    %get3A_140 = arith.constant 0 : index
    %get3A_141 = arith.constant 0 : index
    %get3A_142 = vector.load %arg9[%get3A_139, %get3A_140, %get3A_141] : memref<8x128x128xf32, #tpu.memory_space<vmem>>, vector<1x128x128xf32>
    %get3A_143 = vector.shape_cast %get3A_142 : vector<1x128x128xf32> to vector<128x128xf32>
    %dot_general3A_144 = arith.constant dense<0.000000e+00> : vector<1000x128xf32>
    %dot_general3A_145 = tpu.matmul %add3A_138, %get3A_143, %dot_general3A_144 {dimension_numbers = #tpu.dot_dimension_numbers<[1], [1], [0], [0], [0, 0, 1, 0], [], []>, transpose_lhs_hint = false} : vector<1000x128xf32>, vector<128x128xf32>, vector<1000x128xf32> -> vector<1000x128xf32>
    %slice3A_146 = vector.extract_strided_slice %max3A_15 {offsets = [0, 4], sizes = [1000, 1], strides = [1, 1]} : vector<1000x8xf32> to vector<1000x1xf32>
    %div3A_147 = vector.broadcast %slice3A_146 : vector<1000x1xf32> to vector<1000x128xf32>
    %div3A_148 = arith.divf %dot_general3A_145, %div3A_147 : vector<1000x128xf32>
    %get3A_149 = arith.constant 4 : index
    %get3A_150 = arith.constant 0 : index
    %get3A_151 = arith.constant 0 : index
    %get3A_152 = vector.load %arg9[%get3A_149, %get3A_150, %get3A_151] : memref<8x128x128xf32, #tpu.memory_space<vmem>>, vector<1x128x128xf32>
    %get3A_153 = vector.shape_cast %get3A_152 : vector<1x128x128xf32> to vector<128x128xf32>
    %dot_general3A_154 = arith.constant dense<0.000000e+00> : vector<1000x128xf32>
    %dot_general3A_155 = tpu.matmul %get3A_1, %get3A_153, %dot_general3A_154 {dimension_numbers = #tpu.dot_dimension_numbers<[1], [1], [0], [0], [0, 0, 1, 0], [], []>, transpose_lhs_hint = false} : vector<1000x128xf32>, vector<128x128xf32>, vector<1000x128xf32> -> vector<1000x128xf32>
    %dot_general3A_156 = arith.constant dense<0.000000e+00> : vector<1000x128xf32>
    %dot_general3A_157 = tpu.matmul %div3A_148, %dot_general3A_55, %dot_general3A_156 {dimension_numbers = #tpu.dot_dimension_numbers<[1], [0], [0], [1], [0, 0, 1, 1], [], []>, transpose_lhs_hint = false} : vector<1000x128xf32>, vector<128x128xf32>, vector<1000x128xf32> -> vector<1000x128xf32>
    %mul3A_158 = arith.mulf %dot_general3A_157, %dot_general3A_155 : vector<1000x128xf32>
    %reduce_sum3A_159 = arith.constant dense<0.000000e+00> : vector<1000xf32>
    %reduce_sum3A_160 = vector.multi_reduction <add>, %mul3A_158, %reduce_sum3A_159 [1] : vector<1000x128xf32> to vector<1000xf32>
    %broadcast_in_dim3A_161 = vector.shape_cast %reduce_sum3A_160 : vector<1000xf32> to vector<1000x1xf32>
    %mul3A_162 = arith.constant 0.0883883461 : f32
    %mul3A_163 = vector.broadcast %mul3A_162 : f32 to vector<1000x1xf32>
    %mul3A_164 = arith.mulf %broadcast_in_dim3A_161, %mul3A_163 : vector<1000x1xf32>
    %logistic3A_165 = arith.negf %mul3A_164 : vector<1000x1xf32>
    %logistic3A_166 = math.exp %logistic3A_165 : vector<1000x1xf32>
    %logistic3A_167 = arith.constant 1.000000e+00 : f32
    %logistic3A_168 = vector.broadcast %logistic3A_167 : f32 to vector<1000x1xf32>
    %logistic3A_169 = arith.addf %logistic3A_168, %logistic3A_166 : vector<1000x1xf32>
    %logistic3A_170 = arith.divf %logistic3A_168, %logistic3A_169 : vector<1000x1xf32>
    %mul3A_171 = vector.broadcast %logistic3A_170 : vector<1000x1xf32> to vector<1000x128xf32>
    %mul3A_172 = arith.mulf %dot_general3A_155, %mul3A_171 : vector<1000x128xf32>
    %sub3A_173 = arith.constant 1.000000e+00 : f32
    %sub3A_174 = vector.broadcast %sub3A_173 : f32 to vector<1000x1xf32>
    %sub3A_175 = arith.subf %sub3A_174, %logistic3A_170 : vector<1000x1xf32>
    %mul3A_176 = vector.broadcast %sub3A_175 : vector<1000x1xf32> to vector<1000x128xf32>
    %mul3A_177 = arith.mulf %div3A_148, %mul3A_176 : vector<1000x128xf32>
    %add3A_178 = arith.addf %mul3A_172, %mul3A_177 : vector<1000x128xf32>
    %slice3A_179 = vector.extract_strided_slice %gt3A_13 {offsets = [0, 4], sizes = [1000, 1], strides = [1, 1]} : vector<1000x8xi1> to vector<1000x1xi1>
    %jit3A_180 = arith.constant 0.000000e+00 : f32
    %broadcast_in_dim3A_181 = vector.shape_cast %slice3A_179 : vector<1000x1xi1> to vector<1000x1xi1>
    %broadcast_in_dim3A_182 = vector.broadcast %broadcast_in_dim3A_181 : vector<1000x1xi1> to vector<1000x128xi1>
    %broadcast_in_dim3A_183 = vector.broadcast %jit3A_180 : f32 to vector<1000x128xf32>
    %select_n3A_184 = arith.select %broadcast_in_dim3A_182, %add3A_178, %broadcast_in_dim3A_183 : vector<1000x128xi1>, vector<1000x128xf32>
    %add3A_185 = arith.addf %add3A_127, %select_n3A_184 : vector<1000x128xf32>
    %get3A_186 = arith.constant 0 : index
    %get3A_187 = arith.constant 2 : index
    %get3A_188 = arith.constant 0 : index
    %get3A_189 = vector.load %arg2[%get3A_186, %get3A_187, %get3A_188] : memref<1000x5x128xf32, #tpu.memory_space<vmem>>, vector<1000x1x128xf32>
    %get3A_190 = vector.shape_cast %get3A_189 : vector<1000x1x128xf32> to vector<1000x128xf32>
    %get3A_191 = arith.constant 0 : index
    %get3A_192 = arith.constant 2 : index
    %get3A_193 = arith.constant 0 : index
    %get3A_194 = vector.load %arg3[%get3A_191, %get3A_192, %get3A_193] : memref<1000x5x128xf32, #tpu.memory_space<vmem>>, vector<1000x1x128xf32>
    %get3A_195 = vector.shape_cast %get3A_194 : vector<1000x1x128xf32> to vector<1000x128xf32>
    %add3A_196 = arith.addf %get3A_190, %get3A_195 : vector<1000x128xf32>
    %get3A_197 = arith.constant 5 : index
    %get3A_198 = arith.constant 0 : index
    %get3A_199 = arith.constant 0 : index
    %get3A_200 = vector.load %arg9[%get3A_197, %get3A_198, %get3A_199] : memref<8x128x128xf32, #tpu.memory_space<vmem>>, vector<1x128x128xf32>
    %get3A_201 = vector.shape_cast %get3A_200 : vector<1x128x128xf32> to vector<128x128xf32>
    %dot_general3A_202 = arith.constant dense<0.000000e+00> : vector<1000x128xf32>
    %dot_general3A_203 = tpu.matmul %add3A_196, %get3A_201, %dot_general3A_202 {dimension_numbers = #tpu.dot_dimension_numbers<[1], [1], [0], [0], [0, 0, 1, 0], [], []>, transpose_lhs_hint = false} : vector<1000x128xf32>, vector<128x128xf32>, vector<1000x128xf32> -> vector<1000x128xf32>
    %slice3A_204 = vector.extract_strided_slice %max3A_15 {offsets = [0, 5], sizes = [1000, 1], strides = [1, 1]} : vector<1000x8xf32> to vector<1000x1xf32>
    %div3A_205 = vector.broadcast %slice3A_204 : vector<1000x1xf32> to vector<1000x128xf32>
    %div3A_206 = arith.divf %dot_general3A_203, %div3A_205 : vector<1000x128xf32>
    %mul3A_207 = arith.mulf %div3A_206, %logistic3A_73 : vector<1000x128xf32>
    %slice3A_208 = vector.extract_strided_slice %gt3A_13 {offsets = [0, 5], sizes = [1000, 1], strides = [1, 1]} : vector<1000x8xi1> to vector<1000x1xi1>
    %jit3A_209 = arith.constant 0.000000e+00 : f32
    %broadcast_in_dim3A_210 = vector.shape_cast %slice3A_208 : vector<1000x1xi1> to vector<1000x1xi1>
    %broadcast_in_dim3A_211 = vector.broadcast %broadcast_in_dim3A_210 : vector<1000x1xi1> to vector<1000x128xi1>
    %broadcast_in_dim3A_212 = vector.broadcast %jit3A_209 : f32 to vector<1000x128xf32>
    %select_n3A_213 = arith.select %broadcast_in_dim3A_211, %mul3A_207, %broadcast_in_dim3A_212 : vector<1000x128xi1>, vector<1000x128xf32>
    %add3A_214 = arith.addf %add3A_185, %select_n3A_213 : vector<1000x128xf32>
    %get3A_215 = arith.constant 0 : index
    %get3A_216 = arith.constant 3 : index
    %get3A_217 = arith.constant 0 : index
    %get3A_218 = vector.load %arg2[%get3A_215, %get3A_216, %get3A_217] : memref<1000x5x128xf32, #tpu.memory_space<vmem>>, vector<1000x1x128xf32>
    %get3A_219 = vector.shape_cast %get3A_218 : vector<1000x1x128xf32> to vector<1000x128xf32>
    %get3A_220 = arith.constant 0 : index
    %get3A_221 = arith.constant 3 : index
    %get3A_222 = arith.constant 0 : index
    %get3A_223 = vector.load %arg3[%get3A_220, %get3A_221, %get3A_222] : memref<1000x5x128xf32, #tpu.memory_space<vmem>>, vector<1000x1x128xf32>
    %get3A_224 = vector.shape_cast %get3A_223 : vector<1000x1x128xf32> to vector<1000x128xf32>
    %add3A_225 = arith.addf %get3A_219, %get3A_224 : vector<1000x128xf32>
    %get3A_226 = arith.constant 6 : index
    %get3A_227 = arith.constant 0 : index
    %get3A_228 = arith.constant 0 : index
    %get3A_229 = vector.load %arg9[%get3A_226, %get3A_227, %get3A_228] : memref<8x128x128xf32, #tpu.memory_space<vmem>>, vector<1x128x128xf32>
    %get3A_230 = vector.shape_cast %get3A_229 : vector<1x128x128xf32> to vector<128x128xf32>
    %dot_general3A_231 = arith.constant dense<0.000000e+00> : vector<1000x128xf32>
    %dot_general3A_232 = tpu.matmul %add3A_225, %get3A_230, %dot_general3A_231 {dimension_numbers = #tpu.dot_dimension_numbers<[1], [1], [0], [0], [0, 0, 1, 0], [], []>, transpose_lhs_hint = false} : vector<1000x128xf32>, vector<128x128xf32>, vector<1000x128xf32> -> vector<1000x128xf32>
    %slice3A_233 = vector.extract_strided_slice %max3A_15 {offsets = [0, 6], sizes = [1000, 1], strides = [1, 1]} : vector<1000x8xf32> to vector<1000x1xf32>
    %div3A_234 = vector.broadcast %slice3A_233 : vector<1000x1xf32> to vector<1000x128xf32>
    %div3A_235 = arith.divf %dot_general3A_232, %div3A_234 : vector<1000x128xf32>
    %slice3A_236 = vector.extract_strided_slice %gt3A_13 {offsets = [0, 6], sizes = [1000, 1], strides = [1, 1]} : vector<1000x8xi1> to vector<1000x1xi1>
    %jit3A_237 = arith.constant 0.000000e+00 : f32
    %broadcast_in_dim3A_238 = vector.shape_cast %slice3A_236 : vector<1000x1xi1> to vector<1000x1xi1>
    %broadcast_in_dim3A_239 = vector.broadcast %broadcast_in_dim3A_238 : vector<1000x1xi1> to vector<1000x128xi1>
    %broadcast_in_dim3A_240 = vector.broadcast %jit3A_237 : f32 to vector<1000x128xf32>
    %select_n3A_241 = arith.select %broadcast_in_dim3A_239, %div3A_235, %broadcast_in_dim3A_240 : vector<1000x128xi1>, vector<1000x128xf32>
    %add3A_242 = arith.addf %add3A_214, %select_n3A_241 : vector<1000x128xf32>
    %get3A_243 = arith.constant 0 : index
    %get3A_244 = arith.constant 4 : index
    %get3A_245 = arith.constant 0 : index
    %get3A_246 = vector.load %arg2[%get3A_243, %get3A_244, %get3A_245] : memref<1000x5x128xf32, #tpu.memory_space<vmem>>, vector<1000x1x128xf32>
    %get3A_247 = vector.shape_cast %get3A_246 : vector<1000x1x128xf32> to vector<1000x128xf32>
    %get3A_248 = arith.constant 0 : index
    %get3A_249 = arith.constant 4 : index
    %get3A_250 = arith.constant 0 : index
    %get3A_251 = vector.load %arg3[%get3A_248, %get3A_249, %get3A_250] : memref<1000x5x128xf32, #tpu.memory_space<vmem>>, vector<1000x1x128xf32>
    %get3A_252 = vector.shape_cast %get3A_251 : vector<1000x1x128xf32> to vector<1000x128xf32>
    %add3A_253 = arith.addf %get3A_247, %get3A_252 : vector<1000x128xf32>
    %get3A_254 = arith.constant 7 : index
    %get3A_255 = arith.constant 0 : index
    %get3A_256 = arith.constant 0 : index
    %get3A_257 = vector.load %arg9[%get3A_254, %get3A_255, %get3A_256] : memref<8x128x128xf32, #tpu.memory_space<vmem>>, vector<1x128x128xf32>
    %get3A_258 = vector.shape_cast %get3A_257 : vector<1x128x128xf32> to vector<128x128xf32>
    %dot_general3A_259 = arith.constant dense<0.000000e+00> : vector<1000x128xf32>
    %dot_general3A_260 = tpu.matmul %add3A_253, %get3A_258, %dot_general3A_259 {dimension_numbers = #tpu.dot_dimension_numbers<[1], [1], [0], [0], [0, 0, 1, 0], [], []>, transpose_lhs_hint = false} : vector<1000x128xf32>, vector<128x128xf32>, vector<1000x128xf32> -> vector<1000x128xf32>
    %slice3A_261 = vector.extract_strided_slice %max3A_15 {offsets = [0, 7], sizes = [1000, 1], strides = [1, 1]} : vector<1000x8xf32> to vector<1000x1xf32>
    %div3A_262 = vector.broadcast %slice3A_261 : vector<1000x1xf32> to vector<1000x128xf32>
    %div3A_263 = arith.divf %dot_general3A_260, %div3A_262 : vector<1000x128xf32>
    %slice3A_264 = vector.extract_strided_slice %gt3A_13 {offsets = [0, 7], sizes = [1000, 1], strides = [1, 1]} : vector<1000x8xi1> to vector<1000x1xi1>
    %jit3A_265 = arith.constant 0.000000e+00 : f32
    %broadcast_in_dim3A_266 = vector.shape_cast %slice3A_264 : vector<1000x1xi1> to vector<1000x1xi1>
    %broadcast_in_dim3A_267 = vector.broadcast %broadcast_in_dim3A_266 : vector<1000x1xi1> to vector<1000x128xi1>
    %broadcast_in_dim3A_268 = vector.broadcast %jit3A_265 : f32 to vector<1000x128xf32>
    %select_n3A_269 = arith.select %broadcast_in_dim3A_267, %div3A_263, %broadcast_in_dim3A_268 : vector<1000x128xi1>, vector<1000x128xf32>
    %add3A_270 = arith.addf %add3A_242, %select_n3A_269 : vector<1000x128xf32>
    %max3A_271 = arith.constant 0.000000e+00 : f32
    %max3A_272 = vector.broadcast %max3A_271 : f32 to vector<1000x128xf32>
    %max3A_273 = arith.maximumf %add3A_270, %max3A_272 : vector<1000x128xf32>
    %reduce_sum3A_274 = arith.constant dense<0.000000e+00> : vector<1000xf32>
    %reduce_sum3A_275 = vector.multi_reduction <add>, %max3A_273, %reduce_sum3A_274 [1] : vector<1000x128xf32> to vector<1000xf32>
    %broadcast_in_dim3A_276 = vector.shape_cast %reduce_sum3A_275 : vector<1000xf32> to vector<1000x1xf32>
    %div3A_277 = arith.constant 1.280000e+02 : f32
    %div3A_278 = vector.broadcast %div3A_277 : f32 to vector<1000x1xf32>
    %div3A_279 = arith.divf %broadcast_in_dim3A_276, %div3A_278 : vector<1000x1xf32>
    %sub3A_280 = vector.broadcast %div3A_279 : vector<1000x1xf32> to vector<1000x128xf32>
    %sub3A_281 = arith.subf %max3A_273, %sub3A_280 : vector<1000x128xf32>
    %integer_pow3A = arith.mulf %sub3A_281, %sub3A_281 : vector<1000x128xf32>
    %reduce_sum3A_282 = arith.constant dense<0.000000e+00> : vector<1000xf32>
    %reduce_sum3A_283 = vector.multi_reduction <add>, %integer_pow3A, %reduce_sum3A_282 [1] : vector<1000x128xf32> to vector<1000xf32>
    %broadcast_in_dim3A_284 = vector.shape_cast %reduce_sum3A_283 : vector<1000xf32> to vector<1000x1xf32>
    %div3A_285 = arith.constant 1.280000e+02 : f32
    %div3A_286 = vector.broadcast %div3A_285 : f32 to vector<1000x1xf32>
    %div3A_287 = arith.divf %broadcast_in_dim3A_284, %div3A_286 : vector<1000x1xf32>
    %sub3A_288 = vector.broadcast %div3A_279 : vector<1000x1xf32> to vector<1000x128xf32>
    %sub3A_289 = arith.subf %max3A_273, %sub3A_288 : vector<1000x128xf32>
    %add3A_290 = arith.constant 9.99999974E-6 : f32
    %add3A_291 = vector.broadcast %add3A_290 : f32 to vector<1000x1xf32>
    %add3A_292 = arith.addf %div3A_287, %add3A_291 : vector<1000x1xf32>
    %rsqrt3A = math.rsqrt %add3A_292 : vector<1000x1xf32>
    %mul3A_293 = vector.broadcast %rsqrt3A : vector<1000x1xf32> to vector<1000x128xf32>
    %mul3A_294 = arith.mulf %sub3A_289, %mul3A_293 : vector<1000x128xf32>
    %get3A_295 = arith.constant 0 : index
    %get3A_296 = arith.constant 0 : index
    %get3A_297 = vector.load %arg14[%get3A_295, %get3A_296] : memref<1x128xf32, #tpu.memory_space<vmem>>, vector<1x128xf32>
    %mul3A_298 = vector.broadcast %get3A_297 : vector<1x128xf32> to vector<1000x128xf32>
    %mul3A_299 = arith.mulf %mul3A_294, %mul3A_298 : vector<1000x128xf32>
    %get3A_300 = arith.constant 0 : index
    %get3A_301 = arith.constant 0 : index
    %get3A_302 = vector.load %arg15[%get3A_300, %get3A_301] : memref<1x128xf32, #tpu.memory_space<vmem>>, vector<1x128xf32>
    %add3A_303 = vector.broadcast %get3A_302 : vector<1x128xf32> to vector<1000x128xf32>
    %add3A_304 = arith.addf %mul3A_299, %add3A_303 : vector<1000x128xf32>
    %swap3A = arith.constant 0 : index
    %swap3A_305 = arith.constant 0 : index
    %swap3A_306 = vector.load %arg16[%swap3A, %swap3A_305] : memref<1000x128xf32, #tpu.memory_space<vmem>>, vector<1000x128xf32>
    tpu.vector_store %arg16[%swap3A, %swap3A_305], %add3A_304 {strides = array<i32>} : memref<1000x128xf32, #tpu.memory_space<vmem>>, vector<1000x128xf32>,
    return
  }
  func.func @transform_0(%arg0: i32) -> (i32, i32) {
    %c0_i32 = arith.constant 0 : i32
    %c0_i32_0 = arith.constant 0 : i32
    return %arg0, %c0_i32 : i32, i32
  }
  func.func @transform_1(%arg0: i32) -> (i32, i32, i32) {
    %c0_i32 = arith.constant 0 : i32
    %c0_i32_0 = arith.constant 0 : i32
    %c0_i32_1 = arith.constant 0 : i32
    return %arg0, %c0_i32, %c0_i32_0 : i32, i32, i32
  }
  func.func @transform_2(%arg0: i32) -> (i32, i32, i32) {
    %c0_i32 = arith.constant 0 : i32
    %c0_i32_0 = arith.constant 0 : i32
    %c0_i32_1 = arith.constant 0 : i32
    return %arg0, %c0_i32, %c0_i32_0 : i32, i32, i32
  }
  func.func @transform_3(%arg0: i32) -> (i32, i32) {
    %c0_i32 = arith.constant 0 : i32
    %c0_i32_0 = arith.constant 0 : i32
    return %arg0, %c0_i32 : i32, i32
  }
  func.func @transform_4(%arg0: i32) -> (i32, i32) {
    %c0_i32 = arith.constant 0 : i32
    %c0_i32_0 = arith.constant 0 : i32
    return %arg0, %c0_i32 : i32, i32
  }
  func.func @transform_5(%arg0: i32) -> (i32, i32, i32) {
    %c0_i32 = arith.constant 0 : i32
    %c0_i32_0 = arith.constant 0 : i32
    %c0_i32_1 = arith.constant 0 : i32
    return %arg0, %c0_i32, %c0_i32_0 : i32, i32, i32
  }
  func.func @transform_6(%arg0: i32) -> (i32, i32) {
    %c0_i32 = arith.constant 0 : i32
    %c0_i32_0 = arith.constant 0 : i32
    return %arg0, %c0_i32 : i32, i32
  }
  func.func @transform_7(%arg0: i32) -> (i32, i32) {
    %c0_i32 = arith.constant 0 : i32
    %c0_i32_0 = arith.constant 0 : i32
    %c0_i32_1 = arith.constant 0 : i32
    return %c0_i32, %c0_i32_0 : i32, i32
  }
  func.func @transform_8(%arg0: i32) -> (i32, i32, i32) {
    %c0_i32 = arith.constant 0 : i32
    %c0_i32_0 = arith.constant 0 : i32
    %c0_i32_1 = arith.constant 0 : i32
    %c0_i32_2 = arith.constant 0 : i32
    return %c0_i32, %c0_i32_0, %c0_i32_1 : i32, i32, i32
  }
  func.func @transform_9(%arg0: i32) -> (i32, i32) {
    %c0_i32 = arith.constant 0 : i32
    %c0_i32_0 = arith.constant 0 : i32
    %c0_i32_1 = arith.constant 0 : i32
    return %c0_i32, %c0_i32_0 : i32, i32
  }
  func.func @transform_10(%arg0: i32) -> (i32, i32) {
    %c0_i32 = arith.constant 0 : i32
    %c0_i32_0 = arith.constant 0 : i32
    %c0_i32_1 = arith.constant 0 : i32
    return %c0_i32, %c0_i32_0 : i32, i32
  }
  func.func @transform_11(%arg0: i32) -> (i32, i32) {
    %c0_i32 = arith.constant 0 : i32
    %c0_i32_0 = arith.constant 0 : i32
    %c0_i32_1 = arith.constant 0 : i32
    return %c0_i32, %c0_i32_0 : i32, i32
  }
  func.func @transform_12(%arg0: i32) -> (i32, i32) {
    %c0_i32 = arith.constant 0 : i32
    %c0_i32_0 = arith.constant 0 : i32
    %c0_i32_1 = arith.constant 0 : i32
    return %c0_i32, %c0_i32_0 : i32, i32
  }
  func.func @transform_13(%arg0: i32) -> (i32, i32) {
    %c0_i32 = arith.constant 0 : i32
    %c0_i32_0 = arith.constant 0 : i32
    %c0_i32_1 = arith.constant 0 : i32
    return %c0_i32, %c0_i32_0 : i32, i32
  }
  func.func @transform_14(%arg0: i32) -> (i32, i32) {
    %c0_i32 = arith.constant 0 : i32
    %c0_i32_0 = arith.constant 0 : i32
    %c0_i32_1 = arith.constant 0 : i32
    return %c0_i32, %c0_i32_0 : i32, i32
  }
  func.func @transform_15(%arg0: i32) -> (i32, i32) {
    %c0_i32 = arith.constant 0 : i32
    %c0_i32_0 = arith.constant 0 : i32
    return %arg0, %c0_i32 : i32, i32
  }
}

</mosaic_0001>

<sc_bundles>
// kernel: kernel.6.cloned.1.call-start
scs
__scs_entry_jumppad:
0x0: {  	(pc) =	sbr.rel $0x88, $3  }
0x1: {  	(tag) =	ssettag $0x0;
	lr =	simm.s32 $0x1  }
0x2: {  	[smem:$0x3F92] =	sst lr;
	_ =	strace $0xD0000000  }
0x3: {  	_ = 	snop  }
0x4: {  	_ = 	snop  }
0x5: {  	_ = 	snop  }
0x6: {  	_ = 	snop  }
0x7: {  	_ = 	snop  }
__scs_overlays_trampoline_lowered:
0x8: {  	[smem:$0x3FA1] =	sst s0  }
0x9: {  	[smem:$0x3FA2] =	sst s1  }
0xa: {  	[smem:$0x3FA3] =	sst s2  }
0xb: {  	[smem:$0x3FA4] =	sst s3  }
0xc: {  	[smem:$0x3FA5] =	sst s4  }
0xd: {  	[smem:$0x3FA6] =	sst s5  }
0xe: {  	[smem:$0x3FA7] =	sst s6  }
0xf: {  	[smem:$0x3FA8] =	sst s7  }
0x10: {  	[smem:$0x3FA9] =	sst s8  }
0x11: {  	[smem:$0x3FAA] =	sst s9;
	s0 =	simm.s32 @!p0 $0x0  }
0x12: {  	s1 =	sld [smem:$0x3F90];
	s0 =	simm.s32 @p0 $0x1  }
0x13: {  	[smem:$0x3FAB] =	sst s0;
	s0 =	simm.s32 @!p1 $0x0  }
0x14: {  	s2 =	sld [smem:$0x3F8F];
	s0 =	simm.s32 @p1 $0x1  }
0x15: {  	[smem:$0x3FAC] =	sst s0;
	s0 =	simm.s32 @!p2 $0x0  }
0x16: {  	s3 =	sld [smem:$0x3FDB];
	s0 =	simm.s32 @p2 $0x1  }
0x17: {  	s4 =	simm.s32 $0x1BF5;
	[smem:$0x3FAE] =	sst s0  }
0x18: {  	s0 =	sld [smem:$0x3F91];
	_ =	swait.ge [sflag:s4], $0x0  }
0x19: {  	s7 =	sld [smem:$0x3F92]  }
0x1a: {  	s8 =	sadd.s32 $0xFFFFE003, lr  }
0x1b: {  	s9 =	sadd.s32 $0xFFFFFEF7, lr;
	s5 =	simm.s32 $0xFFFFFFFF;
	p2 =	slt.u32 s8, $0xFFFFF086  }
0x1c: {  	p1 =	slt.u32 s9, $0xF7A;
	s5 =	simm.s32 @!p2 $0x0  }
0x1d: {  	s5 =	simm.s32 @p1 $0x1;
	p0 =	seq.s32 s7, s2  }
0x1e: {  	s7 =	smul.u32 @!p0 $0xF7A, s2;
	p2 =	seq.s32 @!p0 s5, $0x0  }
0x1f: {  	s9 =	smul.u32 $0xF7A, s1;
	s8 =	simm.s32 @!p0 $0x1BF5;
	p2 =	por !p2, p0  }
0x20: {  	[sflag:s8] =	ssyncset.s32 @!p0 $0xFFFFF086;
	s6 =	sadd.s32 @!p0 s3, s7;
	s7 =	simm.s32 @!p0 $0x108  }
0x21: {  	s3 =	sadd.s32 s3, s9;
	s6 =	sadd.s32 @!p0 $0x88, s6;
	s7 =	simm.s32 @p2 $0x1082  }
0x22: {  	[simem:s7], [sflag:s8] =	dma.local @!p0 [hbm:s6], $0xF7A  }
0x23: {  	s9 =	sor.u32 $0xD0000000, s2;
	s6 =	simm.s32 $0x108;
	_ =	swait.ge @!p0 [sflag:s8], $0x0  }
0x24: {  	s3 =	sadd.s32 $0x88, s3;
	s6 =	simm.s32 @!p1 $0x1082;
	[sflag:s4] =	ssyncset.s32 $0xFFFFF086  }
0x25: {  	[simem:s6], [sflag:s4] =	dma.local [hbm:s3], $0xF7A  }
0x26: {  	[smem:$0x3F92] =	sst s1;
	(tag) =	ssettag s2;
	_ =	strace s9  }
0x27: {  	s1 =	sld [smem:$0x3FA2]  }
0x28: {  	s2 =	sld [smem:$0x3FA3]  }
0x29: {  	s4 =	sld [smem:$0x3FA5]  }
0x2a: {  	p0 =	seq.s32 s5, $0x0;
	s5 =	sld [smem:$0x3FA6]  }
0x2b: {  	s6 =	sld [smem:$0x3FA7]  }
0x2c: {  	s7 =	sld [smem:$0x3FA8]  }
0x2d: {  	s3 =	simm.s32 $0x108;
	s8 =	sld [smem:$0x3FA9]  }
0x2e: {  	s3 =	simm.s32 @!p0 $0x1082;
	s9 =	sld [smem:$0x3FAA]  }
0x2f: {  	lr =	sadd.s32 s0, s3;
	s0 =	sld [smem:$0x3FA1]  }
0x30: {  	s3 =	sld [smem:$0x3FA4]  }
0x31: {  	[smem:$0x3FAD] =	sst s10  }
0x32: {  	s10 =	sld [smem:$0x3FAB];
	_ =	sdelay $0x3  }
0x33: {  	p0 =	seq.s32 s10, $0x1;
	s10 =	sld [smem:$0x3FAD];
	_ =	sdelay $0x3  }
0x34: {  	[smem:$0x3FAD] =	sst s10  }
0x35: {  	s10 =	sld [smem:$0x3FAC];
	_ =	sdelay $0x3  }
0x36: {  	p1 =	seq.s32 s10, $0x1;
	s10 =	sld [smem:$0x3FAD];
	_ =	sdelay $0x3  }
0x37: {  	[smem:$0x3FAD] =	sst s10  }
0x38: {  	s10 =	sld [smem:$0x3FAE]  }
0x39: {  	_ = 	snop;
	(pc) =	sbr.ind lr, $3  }
0x3a: {  	_ = 	snop  }
0x3b: {  	_ = 	snop  }
0x3c: {  	p2 =	seq.s32 s10, $0x1;
	s10 =	sld [smem:$0x3FAD]  }
0x3d: {  	_ =	shalt  }
0x3e: {  	_ =	shalt  }
0x3f: {  	_ =	shalt  }
0x40: {  	_ =	shalt  }
0x41: {  	_ =	shalt  }
0x42: {  	_ =	shalt  }
0x43: {  	_ =	shalt  }
0x44: {  	_ =	shalt  }
0x45: {  	_ =	shalt  }
0x46: {  	_ =	shalt  }
0x47: {  	_ =	shalt  }
0x48: {  	_ =	shalt  }
0x49: {  	_ =	shalt  }
0x4a: {  	_ =	shalt  }
0x4b: {  	_ =	shalt  }
0x4c: {  	_ =	shalt  }
0x4d: {  	_ =	shalt  }
0x4e: {  	_ =	shalt  }
0x4f: {  	_ =	shalt  }
0x50: {  	_ =	shalt  }
0x51: {  	_ =	shalt  }
0x52: {  	_ =	shalt  }
0x53: {  	_ =	shalt  }
0x54: {  	_ =	shalt  }
0x55: {  	_ =	shalt  }
0x56: {  	_ =	shalt  }
0x57: {  	_ =	shalt  }
0x58: {  	_ =	shalt  }
0x59: {  	_ =	shalt  }
0x5a: {  	_ =	shalt  }
0x5b: {  	_ =	shalt  }
0x5c: {  	_ =	shalt  }
0x5d: {  	_ =	shalt  }
0x5e: {  	_ =	shalt  }
0x5f: {  	_ =	shalt  }
0x60: {  	_ =	shalt  }
0x61: {  	_ =	shalt  }
0x62: {  	_ =	shalt  }
0x63: {  	_ =	shalt  }
0x64: {  	_ =	shalt  }
0x65: {  	_ =	shalt  }
0x66: {  	_ =	shalt  }
0x67: {  	_ =	shalt  }
0x68: {  	_ =	shalt  }
0x69: {  	_ =	shalt  }
0x6a: {  	_ =	shalt  }
0x6b: {  	_ =	shalt  }
0x6c: {  	_ =	shalt  }
0x6d: {  	_ =	shalt  }
0x6e: {  	_ =	shalt  }
0x6f: {  	_ =	shalt  }
0x70: {  	_ =	shalt  }
0x71: {  	_ =	shalt  }
0x72: {  	_ =	shalt  }
0x73: {  	_ =	shalt  }
0x74: {  	_ =	shalt  }
0x75: {  	_ =	shalt  }
0x76: {  	_ =	shalt  }
0x77: {  	_ =	shalt  }
0x78: {  	_ =	shalt  }
0x79: {  	_ =	shalt  }
0x7a: {  	_ =	shalt  }
0x7b: {  	_ =	shalt  }
0x7c: {  	_ =	shalt  }
0x7d: {  	_ =	shalt  }
0x7e: {  	_ =	shalt  }
0x7f: {  	_ =	shalt  }
0x80: {  	_ =	shalt  }
0x81: {  	_ =	shalt  }
0x82: {  	_ =	shalt  }
0x83: {  	_ =	shalt  }
0x84: {  	_ =	shalt  }
0x85: {  	_ =	shalt  }
0x86: {  	_ =	shalt  }
0x87: {  	_ =	shalt  }
.Lfunc_end0:
.L_simem_size_0:
called_computation.1_lowered:
.L_overlay_start_0:
0x88: {  	s2 =	sld [smem:$0x3FD9]  }
0x89: {  	s3 =	sld [smem:$0x3FFE];
	_ =	sdelay $0x1  }
0x8a: {  	s1 =	srdreg.scid  }
0x8b: {  	s0 =	sand.u32 $0x1, s1  }
0x8c: {  	s17 =	sshll.u32 s0, $0xA;
	s2 =	sadd.s32 s3, s2  }
0x8d: {  	s2 =	sadd.s32 s2, s17  }
0x8e: {  	[smem:$0x3FB9] =	sst s2  }
0x8f: {  	_ = 	snop  }
0x90: {  	s2 =	sld [smem:$0x3FD0];
	(tm) =	ssettm $0x1  }
0x91: {  	s18 =	sld [smem:$0x3FFB];
	_ =	sdelay $0x3  }
0x92: {  	_ =	strace s18  }
0x93: {  	s3 =	sld [smem:$0x3FFC];
	_ =	sdelay $0x3  }
0x94: {  	_ =	strace s3  }
0x95: {  	s3 =	sld [smem:$0x3FFD];
	_ =	sdelay $0x3  }
0x96: {  	_ =	strace s3  }
0x97: {  	_ =	strace $0x8FFFFFFF  }
0x98: {  	s19 =	sld [smem:$0x3FDB];
	_ =	sdelay $0x1  }
0x99: {  	s4 =	simm.s32 $_scs_section_size  }
0x9a: {  	s5 =	simm.s32 $_size__tile_overlayer_lowered;
	s6 =	simm.s32 $_tile_overlayer_lowered  }
0x9b: {  	s22 =	simm.s32 $0x1BFF;
	s21 =	sshll.u32 s6, $0x1;
	s3 =	sadd.s32 s4, s19  }
0x9c: {  	s7 =	simm.s32 $0x0;
	s20 =	sshll.u32 s5, $0x1;
	s5 =	sadd.s32 s21, s3  }
0x9d: {  	[timem:s7], [sflag:s22] =	dma.local [hbm:s5], s20  }
0x9e: {  	_ =	swait.ge [sflag:s22], s20  }
0x9f: {  	s4 =	ssub.s32 $0x0, s20;
	[sflag:s22] =	ssyncset.done $0x0  }
0xa0: {  	[sflag:s22] =	ssyncadd.s32 s4;
	_ =	sdelay $0x1  }
0xa1: {  	s23 =	simm.s32 $0x1B8B  }
0xa2: {  	_ =	swait.ge [sflag:s23], $0x1  }
0xa3: {  	[sflag:s23] =	ssyncset.done $0x0  }
0xa4: {  	s25 =	simm.s32 $0x1B8E;
	s24 =	sld [smem:$0x3FFE];
	[sflag:s23] =	ssyncadd.s32 $0xFFFFFFFF  }
0xa5: {  	s26 =	simm.s32 $execute0_lowered;
	[smem:$0x3FD2] =	sst s25  }
0xa6: {  	s5 =	sshll.u32 s26, $0x1;
	_ =	strace $0x80000046;
	[dreg:$0x1] =	wrdreg $0xFFFFFFFF  }
0xa7: {  	s28 =	simm.s32 $_size_execute0_lowered;
	s3 =	sadd.s32 s3, s5;
	[dreg:$0x0] =	wrdreg $0x0  }
0xa8: {  	s5 =	sshll.u32 s28, $0x1;
	[dreg:$0x2] =	wrdreg s3  }
0xa9: {  	[dreg:$0x3] =	wrdreg s5  }
0xaa: {  	[dreg:$0x4] =	wrdreg $0xC0  }
0xab: {  	_ =	task [dreg:s7], $0x5FFFF  }
0xac: {  	[dreg:$0x1] =	wrdreg $0xFFFFFFFF  }
0xad: {  	[dreg:$0x0] =	wrdreg $0x60  }
0xae: {  	[dreg:$0x2] =	wrdreg s2  }
0xaf: {  	[dreg:$0x3] =	wrdreg s24  }
0xb0: {  	[dreg:$0x4] =	wrdreg $0x0  }
0xb1: {  	[dreg:$0x5] =	wrdreg $0x9  }
0xb2: {  	_ =	task.clear_ibuf [dreg:s7], $0x6FFFF;
	_ =	strace $0x90000046  }
0xb3: {  	s29 =	simm.s32 $0x9;
	_ =	strace $0x80000048  }
0xb4: {  	_ =	swait.ge [sflag:s29], $0x1  }
0xb5: {  	[sflag:s29] =	ssyncadd.s32 $0xFFFFFFFF  }
0xb6: {  	_ =	strace $0x90000048  }
0xb7: {  	_ =	sfence  }
0xb8: {  	s30 =	sld [smem:$0x0];
	_ =	sdelay $0x2  }
0xb9: {  	s31 =	sshll.u32 s1, $0xD;
	s1 =	sshrl.u32 s1, $0x2  }
0xba: {  	s3 =	sand.u32 $0x4000, s31;
	s1 =	sadd.s32 s1, s30  }
0xbb: {  	s0 =	sor.u32 s3, s0;
	s1 =	sshll.u32 s1, $0x11  }
0xbc: {  	s0 =	sor.u32 s1, s0  }
0xbd: {  	s0 =	sadd.s32 $0x8F2B, s0  }
0xbe: {  	[sflag:s0] =	ssyncadd.remote.s32 $0x1  }
0xbf: {  	_ =	sfence.sel $0xFFFF  }
0xc0: {  	[dreg:$0x0] =	wrdreg $0xFFFFFFFF;
	(pc) =	sbr.abs _section_cstart, $3  }
0xc1: {  	[dreg:$0x1] =	wrdreg $0xFFFFFFFF  }
0xc2: {  	_ =	task.clear_ibuf [dreg:s7], $0x2FFFF;
	_ =	strace $0x9FFFFFFF  }
0xc3: {  	(tm) =	ssettm $0x7FFFFFFF  }
tec
execute0_lowered:
.L_overlay_start_1:
0x0: {  	(tag) =	ssettag $0x1  }
0x1: {  	s0 =	rddreg [dreg:$0x0]  }
0x2: {  	s1 =	rddreg [dreg:$0x1]  }
0x3: {  	s3 =	srdreg.scid;
	s19 =	stileid.u32  }
0x4: {  	s2 =	rddreg [dreg:$0x2];
	s22 =	simm.s32 $0x11260;
	s23 =	simm.s32 $0x80  }
0x5: {  	s24 =	simm.s32 $0x188E0;
	s25 =	simm.s32 $0x1;
	s13 =	sand.u32 $0x1, s3  }
0x6: {  	s26 =	simm.s32 $0x190E0;
	s28 =	simm.s32 $0x0;
	s8 =	smul.u32 $0x61A800, s13  }
0x7: {  	s4 =	sshll.u32 s19, $0x1;
	s3 =	simm.s32 $0x0;
	s10 =	smul.u32 $0xC3500, s13  }
0x8: {  	s9 =	sadd.s32 $0x38800, s1;
	p0 =	sne.s32 s19, $0x0;
	s16 =	smul.u32 $0x138800, s13  }
0x9: {  	s4 =	sor.u32 s13, s4;
	s5 =	ssub.s32 $0x2, s13;
	s17 =	smul.u32 $0x27100, s13  }
0xa: {  	[smem:$0x7FF] =	sst s3;
	s4 =	smul.u32 $0x4F0, s4;
	s6 =	sshrl.u32 s5, $0x1  }
0xb: {  	_ =	strace $0x80000047;
	s18 =	ssub.s32 s5, s6;
	s11 =	sshrl.u32 s8, $0x3  }
0xc: {  	s8 =	sadd.s32 s9, s10;
	s20 =	sshrl.u32 s16, $0x3;
	s7 =	sadd.s32 s4, s1  }
0xd: {  	s4 =	sadd.s32 $0x20000, s1;
	s1 =	sadd.s32 $0x1BF200, s1;
	s15 =	sadd.s32 s9, s11  }
0xe: {  	s18 =	smax.u32 s18, $0x1;
	s5 =	sadd.s32 $0xC400, s7;
	s6 =	sadd.s32 $0x2600, s7  }
0xf: {  	s7 =	sadd.s32 $0x16200, s7;
	s9 =	sadd.s32 $0x186A0, s15;
	s10 =	sadd.s32 $0x30D40, s15  }
0x10: {  	s11 =	sadd.s32 $0x493E0, s15;
	s12 =	sadd.s32 $0x61A80, s15;
	s13 =	sadd.s32 $0x7A120, s15  }
0x11: {  	s14 =	sadd.s32 $0x927C0, s15;
	s16 =	sadd.s32 s1, s17;
	s1 =	sadd.s32 s1, s20  }
0x12: {  	v0 =	vimm.f32 $1.000000000e+00;
	s15 =	sadd.s32 $0xAAE60, s15;
	s20 =	simm.s32 $0x2;
	s17 =	sadd.s32 $0x13880, s1  }
.LBB2_1:
0x13: {  	s1 =	simm.s32 $0xC360  }
0x14: {  	[tilespmem:s1], [sflag:$0x2] =	stream.linear.gather [hbm4b:s5+s3], $0x2780, $0x38;
	[tilespmem:$0x198E0] =	vst v63  }
0x15: {  	_ =	swait.ge [sflag:s20], $0x2780  }
0x16: {  	[sflag:s20] =	ssyncset.done $0x0  }
0x17: {  	s31 =	simm.s32 $0xEAE0;
	[sflag:s20] =	ssyncadd.s32 $0xFFFFD880  }
0x18: {  	[tilespmem:s31], [sflag:$0x2] =	stream.linear.gather [hbm4b:s6+s3], $0x2780, $0x38;
	[tilespmem:$0x198E0] =	vst v63  }
0x19: {  	_ =	swait.ge [sflag:s20], $0x2780  }
0x1a: {  	[sflag:s20] =	ssyncset.done $0x0  }
0x1b: {  	[sflag:s20] =	ssyncadd.s32 $0xFFFFD880  }
0x1c: {  	[tilespmem:s22], [sflag:$0x2] =	stream.linear.gather [hbm4b:s7+s3], $0x2780, $0x38;
	[tilespmem:$0x198E0] =	vst v63  }
0x1d: {  	_ =	swait.ge [sflag:s20], $0x2780  }
0x1e: {  	[sflag:s20] =	ssyncset.done $0x0  }
0x1f: {  	s29 =	simm.s32 $0x0;
	[sflag:s20] =	ssyncadd.s32 $0xFFFFD880  }
0x20: {  	v1 =	vld [tilespmem:s29+$0xEB50]  }
0x21: {  	v2 =	vld [tilespmem:s29+$0x112D0]  }
0x22: {  	v3 =	vld [tilespmem:s29+$0xEAE0]  }
0x23: {  	v4 =	vld [tilespmem:s29+$0xEAF0]  }
0x24: {  	v5 =	vld [tilespmem:s29+$0xEB00]  }
0x25: {  	v7 =	vld [tilespmem:s29+$0xEB10]  }
0x26: {  	v9 =	vld [tilespmem:s29+$0xEB20]  }
0x27: {  	v10 =	vld [tilespmem:s29+$0xEB30]  }
0x28: {  	v13 =	vld [tilespmem:s29+$0x11260]  }
0x29: {  	v14 =	vld [tilespmem:s29+$0x11270]  }
0x2a: {  	v12 =	vld [tilespmem:s29+$0xEB40];
	v1 =	vmul.u32 $0x5, v1  }
0x2b: {  	v11 =	vld [tilespmem:s29+$0x11280];
	v2 =	vadd.s32 $0xFFFFFFFD, v2;
	v15 =	vmul.u32 $0x5, v3;
	v6 =	vmul.u32 $0x5, v4  }
0x2c: {  	v8 =	vld [tilespmem:s29+$0x11290];
	v5 =	vmul.u32 $0x5, v5;
	v4 =	vmul.u32 $0x5, v7;
	v3 =	vmul.u32 $0x5, v9  }
0x2d: {  	v9 =	vld [tilespmem:s29+$0x112A0];
	vm0 =	vlt.u32 v2, $0x5;
	v1 =	vadd.s32 v1, v2;
	v2 =	vmul.u32 $0x5, v10  }
0x2e: {  	v7 =	vld [tilespmem:s29+$0x112B0];
	v10 =	vadd.s32 $0xFFFFFFFD, v13;
	v13 =	vadd.s32 $0xFFFFFFFD, v14;
	v1 =	vnsel vm0, $0xC358, v1  }
0x2f: {  	s19 =	simm.s32 $0x400;
	s1 =	simm.s32 $0x80;
	vm0 =	vlt.u32 v10, $0x5;
	[tilespmem:s29+$0x13A50] =	vst v1;
	v1 =	vmul.u32 $0x5, v12;
	v12 =	vadd.s32 v15, v10;
	v10 =	vld [tilespmem:s29+$0x112C0]  }
.LBB2_2:
0x30: {  	p1 =	sne.s32 s19, $0x9C00;
	v14 =	vld [tilespmem:s1+$0xEB50];
	vm5 =	vlt.u32 v13, $0x5;
	v6 =	vadd.s32 v6, v13;
	v11 =	vadd.s32 $0xFFFFFFFD, v11  }
0x31: {  	v13 =	vld [tilespmem:s1+$0x112D0];
	vm1 =	vlt.u32 v11, $0x5;
	v5 =	vadd.s32 v5, v11;
	v8 =	vadd.s32 $0xFFFFFFFD, v8  }
0x32: {  	v11 =	vld [tilespmem:s1+$0xEAE0];
	vm2 =	vlt.u32 v8, $0x5;
	v4 =	vadd.s32 v4, v8;
	v8 =	vadd.s32 $0xFFFFFFFD, v9  }
0x33: {  	v9 =	vld [tilespmem:s1+$0xEAF0];
	vm3 =	vlt.u32 v8, $0x5;
	v3 =	vadd.s32 v3, v8;
	v7 =	vadd.s32 $0xFFFFFFFD, v7  }
0x34: {  	v8 =	vld [tilespmem:s1+$0xEB00];
	vm4 =	vlt.u32 v7, $0x5;
	v2 =	vadd.s32 v2, v7;
	v7 =	vadd.s32 $0xFFFFFFFD, v10  }
0x35: {  	v10 =	vld [tilespmem:s1+$0xEB10];
	v14 =	vmul.u32 $0x5, v14;
	vm6 =	vlt.u32 v7, $0x5;
	v1 =	vadd.s32 v1, v7  }
0x36: {  	v12 =	vnsel vm0, $0xC358, v12;
	v15 =	vnsel vm5, $0xC358, v6;
	v7 =	vld [tilespmem:s1+$0xEB20];
	v13 =	vadd.s32 $0xFFFFFFFD, v13  }
0x37: {  	v16 =	vmul.u32 $0x5, v11;
	v17 =	vld [tilespmem:s1+$0xEB30];
	vm0 =	vlt.u32 v13, $0x5;
	v11 =	vadd.s32 v14, v13;
	[tilespmem:s29+$0x139E0] =	vst v12  }
0x38: {  	v6 =	vmul.u32 $0x5, v9;
	v12 =	vld [tilespmem:s1+$0xEB40];
	v9 =	vnsel vm0, $0xC358, v11;
	[tilespmem:s29+$0x139F0] =	vst v15;
	v11 =	vnsel vm1, $0xC358, v5  }
0x39: {  	v13 =	vld [tilespmem:s1+$0x11260];
	v5 =	vmul.u32 $0x5, v8;
	[tilespmem:s1+$0x13A50] =	vst v9;
	v8 =	vnsel vm2, $0xC358, v4;
	v9 =	vnsel vm3, $0xC358, v3  }
0x3a: {  	v15 =	vnsel vm6, $0xC358, v1;
	v14 =	vld [tilespmem:s1+$0x11270];
	v4 =	vmul.u32 $0x5, v10;
	[tilespmem:s29+$0x13A00] =	vst v11;
	v10 =	vnsel vm4, $0xC358, v2  }
.Ltmp0:
0x3b: {  	v11 =	vld [tilespmem:s1+$0x11280];
	v3 =	vmul.u32 $0x5, v7;
	[tilespmem:s29+$0x13A10] =	vst v8;
	(pc) =	sbr.rel @p1 .LBB2_2-.Ltmp0, $4  }
0x3c: {  	v8 =	vld [tilespmem:s1+$0x11290];
	v2 =	vmul.u32 $0x5, v17;
	[tilespmem:s29+$0x13A20] =	vst v9  }
0x3d: {  	v9 =	vld [tilespmem:s1+$0x112A0];
	v1 =	vmul.u32 $0x5, v12;
	[tilespmem:s29+$0x13A30] =	vst v10  }
0x3e: {  	v10 =	vadd.s32 $0xFFFFFFFD, v13;
	v7 =	vld [tilespmem:s1+$0x112B0];
	[tilespmem:s29+$0x13A40] =	vst v15;
	s29 =	smov.u32 s1  }
0x3f: {  	s1 =	sshra.s32 s19, $0x2;
	s19 =	sadd.s32 $0x200, s19;
	vm0 =	vlt.u32 v10, $0x5;
	v12 =	vadd.s32 v16, v10;
	v13 =	vadd.s32 $0xFFFFFFFD, v14;
	v10 =	vld [tilespmem:s29+$0x112C0]  }
0x40: {  	v14 =	vld [tilespmem:s1+$0xEB50]  }
0x41: {  	v15 =	vld [tilespmem:s1+$0x112D0]  }
0x42: {  	v16 =	vld [tilespmem:s1+$0xEAE0]  }
0x43: {  	v17 =	vld [tilespmem:s1+$0xEAF0]  }
0x44: {  	v18 =	vld [tilespmem:s1+$0xEB00]  }
0x45: {  	v19 =	vld [tilespmem:s1+$0xEB10]  }
0x46: {  	v20 =	vld [tilespmem:s1+$0xEB20];
	v12 =	vnsel vm0, $0xC358, v12;
	vm5 =	vlt.u32 v13, $0x5;
	v6 =	vadd.s32 v6, v13  }
0x47: {  	v21 =	vld [tilespmem:s1+$0xEB30];
	[tilespmem:s29+$0x139E0] =	vst v12;
	v6 =	vnsel vm5, $0xC358, v6  }
0x48: {  	v53 =	vld [tilespmem:s1+$0xEB40];
	[tilespmem:s29+$0x139F0] =	vst v6;
	v6 =	vadd.s32 $0xFFFFFFFD, v11;
	v56 =	vadd.s32 $0xFFFFFFFD, v9  }
0x49: {  	vm7 =	vlt.u32 v6, $0x5;
	v5 =	vadd.s32 v5, v6;
	v51 =	vmul.u32 $0x5, v14  }
0x4a: {  	v6 =	vadd.s32 $0xFFFFFFFD, v8;
	v57 =	vld [tilespmem:s1+$0x11270];
	vm1 =	vlt.u32 v56, $0x5;
	v52 =	vadd.s32 $0xFFFFFFFD, v15  }
0x4b: {  	v3 =	vadd.s32 v3, v56;
	vm6 =	vlt.u32 v52, $0x5;
	v12 =	vadd.s32 v51, v52  }
0x4c: {  	vm8 =	vlt.u32 v6, $0x5;
	v4 =	vadd.s32 v4, v6;
	v54 =	vnsel vm6, $0xC358, v12  }
0x4d: {  	v5 =	vnsel vm7, $0xC358, v5;
	v3 =	vnsel vm1, $0xC358, v3;
	v4 =	vnsel vm8, $0xC358, v4;
	[tilespmem:s1+$0x13A50] =	vst v54  }
0x4e: {  	v55 =	vld [tilespmem:s1+$0x11260];
	v58 =	vmul.u32 $0x5, v18;
	v60 =	vmul.u32 $0x5, v20;
	v61 =	vmul.u32 $0x5, v21;
	[tilespmem:s29+$0x13A00] =	vst v5  }
0x4f: {  	v62 =	vmul.u32 $0x5, v53;
	v9 =	vadd.s32 $0xFFFFFFFD, v57;
	v5 =	vadd.s32 $0xFFFFFFFD, v7;
	v6 =	vld [tilespmem:s1+$0x11280]  }
0x50: {  	vm11 =	vlt.u32 v9, $0x5;
	vm9 =	vlt.u32 v5, $0x5;
	v2 =	vadd.s32 v2, v5;
	[tilespmem:s29+$0x13A10] =	vst v4  }
0x51: {  	v7 =	vmul.u32 $0x5, v17;
	v5 =	vadd.s32 $0xFFFFFFFD, v10;
	v4 =	vld [tilespmem:s1+$0x11290];
	[tilespmem:s29+$0x13A20] =	vst v3;
	v2 =	vnsel vm9, $0xC358, v2  }
0x52: {  	vm2 =	vlt.u32 v5, $0x5;
	v1 =	vadd.s32 v1, v5;
	v5 =	vmul.u32 $0x5, v16;
	v59 =	vld [tilespmem:s1+$0x112A0];
	[tilespmem:s29+$0x13A30] =	vst v2  }
0x53: {  	v3 =	vmul.u32 $0x5, v19;
	v1 =	vnsel vm2, $0xC358, v1;
	v2 =	vadd.s32 $0xFFFFFFFD, v55;
	v63 =	vld [tilespmem:s1+$0x112B0]  }
0x54: {  	vm10 =	vlt.u32 v2, $0x5;
	[tilespmem:s29+$0x13A40] =	vst v1;
	v1 =	vadd.s32 v5, v2;
	v2 =	vadd.s32 $0xFFFFFFFD, v6  }
0x55: {  	v5 =	vld [tilespmem:s1+$0x112C0];
	v1 =	vnsel vm10, $0xC358, v1;
	v6 =	vadd.s32 v7, v9;
	vm12 =	vlt.u32 v2, $0x5  }
0x56: {  	v4 =	vadd.s32 $0xFFFFFFFD, v4;
	v2 =	vadd.s32 v58, v2;
	v6 =	vnsel vm11, $0xC358, v6  }
0x57: {  	[tilespmem:s1+$0x139E0] =	vst v1;
	vm3 =	vlt.u32 v4, $0x5;
	v3 =	vadd.s32 v3, v4;
	v4 =	vadd.s32 $0xFFFFFFFD, v59  }
0x58: {  	[tilespmem:s1+$0x139F0] =	vst v6;
	v2 =	vnsel vm12, $0xC358, v2;
	vm13 =	vlt.u32 v4, $0x5;
	v1 =	vadd.s32 $0xFFFFFFFD, v63  }
0x59: {  	v4 =	vadd.s32 v60, v4;
	v3 =	vnsel vm3, $0xC358, v3;
	[tilespmem:s1+$0x13A00] =	vst v2;
	vm14 =	vlt.u32 v1, $0x5  }
0x5a: {  	v1 =	vadd.s32 v61, v1;
	v2 =	vadd.s32 $0xFFFFFFFD, v5;
	v4 =	vnsel vm13, $0xC358, v4;
	[tilespmem:s1+$0x13A10] =	vst v3  }
0x5b: {  	vm15 =	vlt.u32 v2, $0x5;
	v2 =	vadd.s32 v62, v2;
	v1 =	vnsel vm14, $0xC358, v1;
	[tilespmem:s1+$0x13A20] =	vst v4  }
0x5c: {  	v2 =	vnsel vm15, $0xC358, v2;
	[tilespmem:s1+$0x13A30] =	vst v1  }
0x5d: {  	s29 =	sshrl.u32 @!p0 s2, $0x3;
	[tilespmem:s1+$0x13A40] =	vst v2;
	s1 =	simm.s32 @!p0 $0x1C02  }
0x5e: {  	[spmem:s29], [sflag:s1] =	dma.local @!p0 [hbm:s4], $0x186C0  }
0x5f: {  	s1 =	simm.s32 @!p0 $0x2  }
0x60: {  	_ =	swait.ge @!p0 [sflag:s1], $0x186C0  }
0x61: {  	[sflag:s1] =	ssyncset.done @!p0 $0x0  }
0x62: {  	[sflag:s1] =	ssyncadd.s32 @!p0 $0xFFFE7940  }
0x63: {  	s1 =	simm.s32 $0x0;
	[bflag:$0x0] =	sbarrier.arrive $0xFFFF  }
0x64: {  	v4 =	vld [tilespmem:s1+$0xC3D0]  }
0x65: {  	v5 =	vld [tilespmem:s1+$0xC360]  }
0x66: {  	v6 =	vld [tilespmem:s1+$0xC370]  }
0x67: {  	v3 =	vld [tilespmem:s1+$0xC380]  }
0x68: {  	v1 =	vld [tilespmem:s1+$0xC390]  }
0x69: {  	v2 =	vld [tilespmem:s1+$0xC3A0];
	[tilespmem:s1+$0x161D0] =	vst v4  }
0x6a: {  	[tilespmem:s1+$0x16160] =	vst v5;
	v4 =	vld [tilespmem:s1+$0xC3B0]  }
0x6b: {  	s19 =	simm.s32 $0x80;
	s21 =	simm.s32 $0x400;
	[tilespmem:s1+$0x16170] =	vst v6;
	v5 =	vld [tilespmem:s1+$0xC3C0]  }
.LBB2_4:
0x6c: {  	p1 =	sne.s32 s21, $0x9C00;
	v6 =	vld [tilespmem:s19+$0xC3D0];
	[tilespmem:s1+$0x16180] =	vst v3  }
0x6d: {  	v7 =	vld [tilespmem:s19+$0xC360];
	[tilespmem:s1+$0x16190] =	vst v1  }
0x6e: {  	v8 =	vld [tilespmem:s19+$0xC370];
	[tilespmem:s1+$0x161A0] =	vst v2  }
.Ltmp1:
0x6f: {  	v3 =	vld [tilespmem:s19+$0xC380];
	[tilespmem:s1+$0x161B0] =	vst v4;
	(pc) =	sbr.rel @p1 .LBB2_4-.Ltmp1, $4  }
0x70: {  	v1 =	vld [tilespmem:s19+$0xC390];
	[tilespmem:s1+$0x161C0] =	vst v5;
	s1 =	smov.u32 s19  }
0x71: {  	v2 =	vld [tilespmem:s1+$0xC3A0];
	[tilespmem:s1+$0x161D0] =	vst v6  }
0x72: {  	[tilespmem:s1+$0x16160] =	vst v7;
	v4 =	vld [tilespmem:s1+$0xC3B0]  }
0x73: {  	s19 =	sshra.s32 s21, $0x2;
	s21 =	sadd.s32 $0x200, s21;
	[tilespmem:s1+$0x16170] =	vst v8;
	v5 =	vld [tilespmem:s1+$0xC3C0]  }
0x74: {  	v6 =	vld [tilespmem:s19+$0xC3D0];
	[tilespmem:s1+$0x16180] =	vst v3  }
0x75: {  	v3 =	vld [tilespmem:s19+$0xC360];
	[tilespmem:s1+$0x16190] =	vst v1  }
0x76: {  	v1 =	vld [tilespmem:s19+$0xC370];
	[tilespmem:s1+$0x161A0] =	vst v2  }
0x77: {  	v2 =	vld [tilespmem:s19+$0xC380];
	[tilespmem:s1+$0x161B0] =	vst v4  }
0x78: {  	v4 =	vld [tilespmem:s19+$0xC390];
	[tilespmem:s1+$0x161C0] =	vst v5  }
0x79: {  	v5 =	vld [tilespmem:s19+$0xC3A0];
	[tilespmem:s19+$0x161D0] =	vst v6  }
0x7a: {  	[tilespmem:s19+$0x16160] =	vst v3;
	v3 =	vld [tilespmem:s19+$0xC3B0]  }
0x7b: {  	[tilespmem:s19+$0x16170] =	vst v1;
	v1 =	vld [tilespmem:s19+$0xC3C0]  }
0x7c: {  	[tilespmem:s19+$0x16180] =	vst v2  }
0x7d: {  	[tilespmem:s19+$0x16190] =	vst v4  }
0x7e: {  	[tilespmem:s19+$0x161A0] =	vst v5  }
0x7f: {  	[tilespmem:s19+$0x161B0] =	vst v3  }
0x80: {  	s30 =	simm.s32 $0x16160;
	[tilespmem:s19+$0x161C0] =	vst v1  }
0x81: {  	[tilespmem:s24], [sflag:$0x1] =	stream.indirect.gather [hbm4b:s0+s23], $0x10, s30, s23, $0xb8;
	[tilespmem:$0x198E0] =	vst v63  }
0x82: {  	_ =	swait.ge [sflag:s25], $0x800  }
0x83: {  	[sflag:s25] =	ssyncset.done $0x0  }
0x84: {  	s31 =	simm.s32 $0x139E0;
	[sflag:s25] =	ssyncadd.s32 $0xFFFFF800  }
0x85: {  	[spmem:s2] =	stream.indirect.scatter.add.f32 [tilespmem:s24], [sflag:$0x2], $0x10, s31, s23, $0xb8;
	[tilespmem:$0x198E0] =	vst v63  }
0x86: {  	_ =	swait.ge [sflag:s20], $0x800  }
0x87: {  	s1 =	simm.s32 $0x80;
	s19 =	simm.s32 $0x400;
	[sflag:s20] =	ssyncset.done $0x0  }
.LBB2_6:
0x88: {  	s21 =	sadd.s32 $0x16160, s1  }
0x89: {  	[sflag:s20] =	ssyncadd.s32 $0xFFFFF800;
	s30 =	smov.u32 s19;
	s31 =	sadd.s32 $0x200, s19  }
0x8a: {  	[tilespmem:s24], [sflag:$0x1] =	stream.indirect.gather [hbm4b:s0+s23], $0x10, s21, s23, $0xb8;
	[tilespmem:$0x198E0] =	vst v63  }
0x8b: {  	p1 =	sne.s32 s19, $0x9C00;
	_ =	swait.ge [sflag:s25], $0x800  }
.Ltmp2:
0x8c: {  	[sflag:s25] =	ssyncset.done $0x0;
	(pc) =	sbr.rel @p1 .LBB2_6-.Ltmp2, $4  }
0x8d: {  	s1 =	sadd.s32 $0x139E0, s1;
	[sflag:s25] =	ssyncadd.s32 $0xFFFFF800  }
0x8e: {  	[spmem:s2] =	stream.indirect.scatter.add.f32 [tilespmem:s24], [sflag:$0x2], $0x10, s1, s23, $0xb8;
	[tilespmem:$0x198E0] =	vst v63  }
0x8f: {  	_ =	swait.ge [sflag:s20], $0x800  }
0x90: {  	s19 =	smov.u32 s31;
	s1 =	sshra.s32 s30, $0x2;
	[sflag:s20] =	ssyncset.done $0x0  }
0x91: {  	s19 =	sadd.s32 $0x16160, s1;
	[sflag:s20] =	ssyncadd.s32 $0xFFFFF800  }
0x92: {  	[tilespmem:s24], [sflag:$0x1] =	stream.indirect.gather [hbm4b:s0+s23], $0x10, s19, s23, $0xb8;
	[tilespmem:$0x198E0] =	vst v63  }
0x93: {  	_ =	swait.ge [sflag:s25], $0x800  }
0x94: {  	[sflag:s25] =	ssyncset.done $0x0  }
0x95: {  	s31 =	sadd.s32 $0x139E0, s1;
	[sflag:s25] =	ssyncadd.s32 $0xFFFFF800  }
0x96: {  	[spmem:s2] =	stream.indirect.scatter.add.f32 [tilespmem:s24], [sflag:$0x2], $0x10, s31, s23, $0xb8;
	[tilespmem:$0x198E0] =	vst v63  }
0x97: {  	_ =	swait.ge [sflag:s20], $0x800  }
0x98: {  	[sflag:s20] =	ssyncset.done $0x0  }
0x99: {  	[sflag:s20] =	ssyncadd.s32 $0xFFFFF800  }
0x9a: {  	[bflag:$0x0] =	sbarrier.arrive $0xFFFF  }
0x9b: {  	s1 =	simm.s32 @!p0 $0x1C02;
	s19 =	simm.s32 @!p0 $0x2;
	[bflag:$0x0] =	sbarrier.arrive @p0 $0xFFFF  }
0x9c: {  	[hbm:s8], [sflag:s1] =	dma.local @!p0 [spmem:s29], $0x186A0  }
0x9d: {  	_ =	swait.ge @!p0 [sflag:s19], $0x186A0  }
0x9e: {  	[sflag:s19] =	ssyncset.done @!p0 $0x0  }
0x9f: {  	[sflag:s19] =	ssyncadd.s32 @!p0 $0xFFFE7960  }
0xa0: {  	[bflag:$0x0] =	sbarrier.arrive @!p0 $0xFFFF  }
0xa1: {  	[spmem:s29], [sflag:s1] =	dma.local @!p0 [hbm:s4], $0x186C0  }
0xa2: {  	_ =	swait.ge @!p0 [sflag:s19], $0x186C0  }
0xa3: {  	[sflag:s19] =	ssyncset.done @!p0 $0x0  }
0xa4: {  	[sflag:s19] =	ssyncadd.s32 @!p0 $0xFFFE7940  }
0xa5: {  	s19 =	simm.s32 $0x0;
	[bflag:$0x0] =	sbarrier.arrive $0xFFFF  }
0xa6: {  	v2 =	vld [tilespmem:s19+$0xC3D0]  }
0xa7: {  	v5 =	vld [tilespmem:s19+$0xC360]  }
0xa8: {  	v6 =	vld [tilespmem:s19+$0xC370]  }
0xa9: {  	v4 =	vld [tilespmem:s19+$0xC380]  }
0xaa: {  	v3 =	vld [tilespmem:s19+$0xC390]  }
0xab: {  	v1 =	vld [tilespmem:s19+$0xC3A0];
	v7 =	vadd.s32 $0x2710, v2  }
0xac: {  	v2 =	vld [tilespmem:s19+$0xC3B0];
	v5 =	vadd.s32 $0x2710, v5;
	[tilespmem:s19+$0x161D0] =	vst v7  }
0xad: {  	s21 =	simm.s32 $0x400;
	s1 =	simm.s32 $0x80;
	v6 =	vadd.s32 $0x2710, v6;
	[tilespmem:s19+$0x16160] =	vst v5;
	v5 =	vld [tilespmem:s19+$0xC3C0]  }
.LBB2_8:
0xae: {  	p1 =	sne.s32 s21, $0x9C00;
	v7 =	vld [tilespmem:s1+$0xC3D0];
	[tilespmem:s19+$0x16170] =	vst v6;
	v4 =	vadd.s32 $0x2710, v4  }
0xaf: {  	v6 =	vld [tilespmem:s1+$0xC360];
	[tilespmem:s19+$0x16180] =	vst v4;
	v3 =	vadd.s32 $0x2710, v3  }
0xb0: {  	v8 =	vld [tilespmem:s1+$0xC370];
	[tilespmem:s19+$0x16190] =	vst v3;
	v1 =	vadd.s32 $0x2710, v1  }
.Ltmp3:
0xb1: {  	v4 =	vld [tilespmem:s1+$0xC380];
	[tilespmem:s19+$0x161A0] =	vst v1;
	v1 =	vadd.s32 $0x2710, v2;
	(pc) =	sbr.rel @p1 .LBB2_8-.Ltmp3, $4  }
0xb2: {  	v3 =	vld [tilespmem:s1+$0xC390];
	[tilespmem:s19+$0x161B0] =	vst v1;
	v2 =	vadd.s32 $0x2710, v5  }
0xb3: {  	v1 =	vld [tilespmem:s1+$0xC3A0];
	v5 =	vadd.s32 $0x2710, v7;
	[tilespmem:s19+$0x161C0] =	vst v2;
	s19 =	smov.u32 s1  }
0xb4: {  	v6 =	vadd.s32 $0x2710, v6;
	v2 =	vld [tilespmem:s19+$0xC3B0];
	[tilespmem:s19+$0x161D0] =	vst v5  }
0xb5: {  	s1 =	sshra.s32 s21, $0x2;
	s21 =	sadd.s32 $0x200, s21;
	[tilespmem:s19+$0x16160] =	vst v6;
	v6 =	vadd.s32 $0x2710, v8;
	v5 =	vld [tilespmem:s19+$0xC3C0]  }
0xb6: {  	v7 =	vld [tilespmem:s1+$0xC3D0];
	[tilespmem:s19+$0x16170] =	vst v6;
	v4 =	vadd.s32 $0x2710, v4  }
0xb7: {  	v6 =	vld [tilespmem:s1+$0xC360];
	[tilespmem:s19+$0x16180] =	vst v4;
	v3 =	vadd.s32 $0x2710, v3  }
0xb8: {  	v4 =	vld [tilespmem:s1+$0xC370];
	[tilespmem:s19+$0x16190] =	vst v3;
	v1 =	vadd.s32 $0x2710, v1  }
0xb9: {  	v3 =	vld [tilespmem:s1+$0xC380];
	[tilespmem:s19+$0x161A0] =	vst v1;
	v1 =	vadd.s32 $0x2710, v2  }
0xba: {  	v2 =	vld [tilespmem:s1+$0xC390];
	[tilespmem:s19+$0x161B0] =	vst v1;
	v1 =	vadd.s32 $0x2710, v5  }
0xbb: {  	v61 =	vld [tilespmem:s1+$0xC3A0];
	[tilespmem:s19+$0x161C0] =	vst v1;
	v1 =	vadd.s32 $0x2710, v7  }
0xbc: {  	v62 =	vld [tilespmem:s1+$0xC3B0];
	v6 =	vadd.s32 $0x2710, v6;
	[tilespmem:s1+$0x161D0] =	vst v1  }
0xbd: {  	v63 =	vld [tilespmem:s1+$0xC3C0];
	[tilespmem:s1+$0x16160] =	vst v6;
	v1 =	vadd.s32 $0x2710, v4  }
0xbe: {  	[tilespmem:s1+$0x16170] =	vst v1;
	v1 =	vadd.s32 $0x2710, v3  }
0xbf: {  	[tilespmem:s1+$0x16180] =	vst v1;
	v1 =	vadd.s32 $0x2710, v2  }
0xc0: {  	[tilespmem:s1+$0x16190] =	vst v1;
	v1 =	vadd.s32 $0x2710, v61  }
0xc1: {  	[tilespmem:s1+$0x161A0] =	vst v1;
	v1 =	vadd.s32 $0x2710, v62  }
0xc2: {  	[tilespmem:s1+$0x161B0] =	vst v1;
	v1 =	vadd.s32 $0x2710, v63  }
0xc3: {  	s30 =	simm.s32 $0x16160;
	[tilespmem:s1+$0x161C0] =	vst v1  }
0xc4: {  	[tilespmem:s24], [sflag:$0x1] =	stream.indirect.gather [hbm4b:s0+s23], $0x10, s30, s23, $0xb8;
	[tilespmem:$0x198E0] =	vst v63  }
0xc5: {  	_ =	swait.ge [sflag:s25], $0x800  }
0xc6: {  	[sflag:s25] =	ssyncset.done $0x0  }
0xc7: {  	s31 =	simm.s32 $0x139E0;
	[sflag:s25] =	ssyncadd.s32 $0xFFFFF800  }
0xc8: {  	[spmem:s2] =	stream.indirect.scatter.add.f32 [tilespmem:s24], [sflag:$0x2], $0x10, s31, s23, $0xb8;
	[tilespmem:$0x198E0] =	vst v63  }
0xc9: {  	_ =	swait.ge [sflag:s20], $0x800  }
0xca: {  	s19 =	simm.s32 $0x400;
	s1 =	simm.s32 $0x80;
	[sflag:s20] =	ssyncset.done $0x0  }
.LBB2_10:
0xcb: {  	s21 =	sadd.s32 $0x16160, s1  }
0xcc: {  	[sflag:s20] =	ssyncadd.s32 $0xFFFFF800;
	s30 =	smov.u32 s19;
	s31 =	sadd.s32 $0x200, s19  }
0xcd: {  	[tilespmem:s24], [sflag:$0x1] =	stream.indirect.gather [hbm4b:s0+s23], $0x10, s21, s23, $0xb8;
	[tilespmem:$0x198E0] =	vst v63  }
0xce: {  	p1 =	sne.s32 s19, $0x9C00;
	_ =	swait.ge [sflag:s25], $0x800  }
.Ltmp4:
0xcf: {  	[sflag:s25] =	ssyncset.done $0x0;
	(pc) =	sbr.rel @p1 .LBB2_10-.Ltmp4, $4  }
0xd0: {  	s1 =	sadd.s32 $0x139E0, s1;
	[sflag:s25] =	ssyncadd.s32 $0xFFFFF800  }
0xd1: {  	[spmem:s2] =	stream.indirect.scatter.add.f32 [tilespmem:s24], [sflag:$0x2], $0x10, s1, s23, $0xb8;
	[tilespmem:$0x198E0] =	vst v63  }
0xd2: {  	_ =	swait.ge [sflag:s20], $0x800  }
0xd3: {  	s19 =	smov.u32 s31;
	s1 =	sshra.s32 s30, $0x2;
	[sflag:s20] =	ssyncset.done $0x0  }
0xd4: {  	s19 =	sadd.s32 $0x16160, s1;
	[sflag:s20] =	ssyncadd.s32 $0xFFFFF800  }
0xd5: {  	[tilespmem:s24], [sflag:$0x1] =	stream.indirect.gather [hbm4b:s0+s23], $0x10, s19, s23, $0xb8;
	[tilespmem:$0x198E0] =	vst v63  }
0xd6: {  	_ =	swait.ge [sflag:s25], $0x800  }
0xd7: {  	[sflag:s25] =	ssyncset.done $0x0  }
0xd8: {  	s31 =	sadd.s32 $0x139E0, s1;
	[sflag:s25] =	ssyncadd.s32 $0xFFFFF800  }
0xd9: {  	[spmem:s2] =	stream.indirect.scatter.add.f32 [tilespmem:s24], [sflag:$0x2], $0x10, s31, s23, $0xb8;
	[tilespmem:$0x198E0] =	vst v63  }
0xda: {  	_ =	swait.ge [sflag:s20], $0x800  }
0xdb: {  	[sflag:s20] =	ssyncset.done $0x0  }
0xdc: {  	[sflag:s20] =	ssyncadd.s32 $0xFFFFF800  }
0xdd: {  	[bflag:$0x0] =	sbarrier.arrive $0xFFFF  }
0xde: {  	s1 =	simm.s32 @!p0 $0x1C02;
	s19 =	simm.s32 @!p0 $0x2;
	[bflag:$0x0] =	sbarrier.arrive @p0 $0xFFFF  }
0xdf: {  	[hbm:s9], [sflag:s1] =	dma.local @!p0 [spmem:s29], $0x186A0  }
0xe0: {  	_ =	swait.ge @!p0 [sflag:s19], $0x186A0  }
0xe1: {  	[sflag:s19] =	ssyncset.done @!p0 $0x0  }
0xe2: {  	[sflag:s19] =	ssyncadd.s32 @!p0 $0xFFFE7960  }
0xe3: {  	[bflag:$0x0] =	sbarrier.arrive @!p0 $0xFFFF  }
0xe4: {  	[spmem:s29], [sflag:s1] =	dma.local @!p0 [hbm:s4], $0x186C0  }
0xe5: {  	_ =	swait.ge @!p0 [sflag:s19], $0x186C0  }
0xe6: {  	[sflag:s19] =	ssyncset.done @!p0 $0x0  }
0xe7: {  	[sflag:s19] =	ssyncadd.s32 @!p0 $0xFFFE7940  }
0xe8: {  	s19 =	simm.s32 $0x0;
	[bflag:$0x0] =	sbarrier.arrive $0xFFFF  }
0xe9: {  	v2 =	vld [tilespmem:s19+$0xC3D0]  }
0xea: {  	v5 =	vld [tilespmem:s19+$0xC360]  }
0xeb: {  	v6 =	vld [tilespmem:s19+$0xC370]  }
0xec: {  	v4 =	vld [tilespmem:s19+$0xC380]  }
0xed: {  	v3 =	vld [tilespmem:s19+$0xC390]  }
0xee: {  	v1 =	vld [tilespmem:s19+$0xC3A0];
	v7 =	vadd.s32 $0x4E20, v2  }
0xef: {  	v2 =	vld [tilespmem:s19+$0xC3B0];
	v5 =	vadd.s32 $0x4E20, v5;
	[tilespmem:s19+$0x161D0] =	vst v7  }
0xf0: {  	s21 =	simm.s32 $0x400;
	s1 =	simm.s32 $0x80;
	v6 =	vadd.s32 $0x4E20, v6;
	[tilespmem:s19+$0x16160] =	vst v5;
	v5 =	vld [tilespmem:s19+$0xC3C0]  }
.LBB2_12:
0xf1: {  	p1 =	sne.s32 s21, $0x9C00;
	v7 =	vld [tilespmem:s1+$0xC3D0];
	[tilespmem:s19+$0x16170] =	vst v6;
	v4 =	vadd.s32 $0x4E20, v4  }
0xf2: {  	v6 =	vld [tilespmem:s1+$0xC360];
	[tilespmem:s19+$0x16180] =	vst v4;
	v3 =	vadd.s32 $0x4E20, v3  }
0xf3: {  	v8 =	vld [tilespmem:s1+$0xC370];
	[tilespmem:s19+$0x16190] =	vst v3;
	v1 =	vadd.s32 $0x4E20, v1  }
.Ltmp5:
0xf4: {  	v4 =	vld [tilespmem:s1+$0xC380];
	[tilespmem:s19+$0x161A0] =	vst v1;
	v1 =	vadd.s32 $0x4E20, v2;
	(pc) =	sbr.rel @p1 .LBB2_12-.Ltmp5, $4  }
0xf5: {  	v3 =	vld [tilespmem:s1+$0xC390];
	[tilespmem:s19+$0x161B0] =	vst v1;
	v2 =	vadd.s32 $0x4E20, v5  }
0xf6: {  	v1 =	vld [tilespmem:s1+$0xC3A0];
	v5 =	vadd.s32 $0x4E20, v7;
	[tilespmem:s19+$0x161C0] =	vst v2;
	s19 =	smov.u32 s1  }
0xf7: {  	v6 =	vadd.s32 $0x4E20, v6;
	v2 =	vld [tilespmem:s19+$0xC3B0];
	[tilespmem:s19+$0x161D0] =	vst v5  }
0xf8: {  	s1 =	sshra.s32 s21, $0x2;
	s21 =	sadd.s32 $0x200, s21;
	[tilespmem:s19+$0x16160] =	vst v6;
	v6 =	vadd.s32 $0x4E20, v8;
	v5 =	vld [tilespmem:s19+$0xC3C0]  }
0xf9: {  	v7 =	vld [tilespmem:s1+$0xC3D0];
	[tilespmem:s19+$0x16170] =	vst v6;
	v4 =	vadd.s32 $0x4E20, v4  }
0xfa: {  	v6 =	vld [tilespmem:s1+$0xC360];
	[tilespmem:s19+$0x16180] =	vst v4;
	v3 =	vadd.s32 $0x4E20, v3  }
0xfb: {  	v4 =	vld [tilespmem:s1+$0xC370];
	[tilespmem:s19+$0x16190] =	vst v3;
	v1 =	vadd.s32 $0x4E20, v1  }
0xfc: {  	v3 =	vld [tilespmem:s1+$0xC380];
	[tilespmem:s19+$0x161A0] =	vst v1;
	v1 =	vadd.s32 $0x4E20, v2  }
0xfd: {  	v2 =	vld [tilespmem:s1+$0xC390];
	[tilespmem:s19+$0x161B0] =	vst v1;
	v1 =	vadd.s32 $0x4E20, v5  }
0xfe: {  	v61 =	vld [tilespmem:s1+$0xC3A0];
	[tilespmem:s19+$0x161C0] =	vst v1;
	v1 =	vadd.s32 $0x4E20, v7  }
0xff: {  	v62 =	vld [tilespmem:s1+$0xC3B0];
	v6 =	vadd.s32 $0x4E20, v6;
	[tilespmem:s1+$0x161D0] =	vst v1  }
0x100: {  	v63 =	vld [tilespmem:s1+$0xC3C0];
	[tilespmem:s1+$0x16160] =	vst v6;
	v1 =	vadd.s32 $0x4E20, v4  }
0x101: {  	[tilespmem:s1+$0x16170] =	vst v1;
	v1 =	vadd.s32 $0x4E20, v3  }
0x102: {  	[tilespmem:s1+$0x16180] =	vst v1;
	v1 =	vadd.s32 $0x4E20, v2  }
0x103: {  	[tilespmem:s1+$0x16190] =	vst v1;
	v1 =	vadd.s32 $0x4E20, v61  }
0x104: {  	[tilespmem:s1+$0x161A0] =	vst v1;
	v1 =	vadd.s32 $0x4E20, v62  }
0x105: {  	[tilespmem:s1+$0x161B0] =	vst v1;
	v1 =	vadd.s32 $0x4E20, v63  }
0x106: {  	s30 =	simm.s32 $0x16160;
	[tilespmem:s1+$0x161C0] =	vst v1  }
0x107: {  	[tilespmem:s24], [sflag:$0x1] =	stream.indirect.gather [hbm4b:s0+s23], $0x10, s30, s23, $0xb8;
	[tilespmem:$0x198E0] =	vst v63  }
0x108: {  	_ =	swait.ge [sflag:s25], $0x800  }
0x109: {  	[sflag:s25] =	ssyncset.done $0x0  }
0x10a: {  	s31 =	simm.s32 $0x139E0;
	[sflag:s25] =	ssyncadd.s32 $0xFFFFF800  }
0x10b: {  	[spmem:s2] =	stream.indirect.scatter.add.f32 [tilespmem:s24], [sflag:$0x2], $0x10, s31, s23, $0xb8;
	[tilespmem:$0x198E0] =	vst v63  }
0x10c: {  	_ =	swait.ge [sflag:s20], $0x800  }
0x10d: {  	s19 =	simm.s32 $0x400;
	s1 =	simm.s32 $0x80;
	[sflag:s20] =	ssyncset.done $0x0  }
.LBB2_14:
0x10e: {  	s21 =	sadd.s32 $0x16160, s1  }
0x10f: {  	[sflag:s20] =	ssyncadd.s32 $0xFFFFF800;
	s30 =	smov.u32 s19;
	s31 =	sadd.s32 $0x200, s19  }
0x110: {  	[tilespmem:s24], [sflag:$0x1] =	stream.indirect.gather [hbm4b:s0+s23], $0x10, s21, s23, $0xb8;
	[tilespmem:$0x198E0] =	vst v63  }
0x111: {  	p1 =	sne.s32 s19, $0x9C00;
	_ =	swait.ge [sflag:s25], $0x800  }
.Ltmp6:
0x112: {  	[sflag:s25] =	ssyncset.done $0x0;
	(pc) =	sbr.rel @p1 .LBB2_14-.Ltmp6, $4  }
0x113: {  	s1 =	sadd.s32 $0x139E0, s1;
	[sflag:s25] =	ssyncadd.s32 $0xFFFFF800  }
0x114: {  	[spmem:s2] =	stream.indirect.scatter.add.f32 [tilespmem:s24], [sflag:$0x2], $0x10, s1, s23, $0xb8;
	[tilespmem:$0x198E0] =	vst v63  }
0x115: {  	_ =	swait.ge [sflag:s20], $0x800  }
0x116: {  	s19 =	smov.u32 s31;
	s1 =	sshra.s32 s30, $0x2;
	[sflag:s20] =	ssyncset.done $0x0  }
0x117: {  	s19 =	sadd.s32 $0x16160, s1;
	[sflag:s20] =	ssyncadd.s32 $0xFFFFF800  }
0x118: {  	[tilespmem:s24], [sflag:$0x1] =	stream.indirect.gather [hbm4b:s0+s23], $0x10, s19, s23, $0xb8;
	[tilespmem:$0x198E0] =	vst v63  }
0x119: {  	_ =	swait.ge [sflag:s25], $0x800  }
0x11a: {  	[sflag:s25] =	ssyncset.done $0x0  }
0x11b: {  	s31 =	sadd.s32 $0x139E0, s1;
	[sflag:s25] =	ssyncadd.s32 $0xFFFFF800  }
0x11c: {  	[spmem:s2] =	stream.indirect.scatter.add.f32 [tilespmem:s24], [sflag:$0x2], $0x10, s31, s23, $0xb8;
	[tilespmem:$0x198E0] =	vst v63  }
0x11d: {  	_ =	swait.ge [sflag:s20], $0x800  }
0x11e: {  	[sflag:s20] =	ssyncset.done $0x0  }
0x11f: {  	[sflag:s20] =	ssyncadd.s32 $0xFFFFF800  }
0x120: {  	[bflag:$0x0] =	sbarrier.arrive $0xFFFF  }
0x121: {  	s1 =	simm.s32 @!p0 $0x1C02;
	s19 =	simm.s32 @!p0 $0x2;
	[bflag:$0x0] =	sbarrier.arrive @p0 $0xFFFF  }
0x122: {  	[hbm:s10], [sflag:s1] =	dma.local @!p0 [spmem:s29], $0x186A0  }
0x123: {  	_ =	swait.ge @!p0 [sflag:s19], $0x186A0  }
0x124: {  	[sflag:s19] =	ssyncset.done @!p0 $0x0  }
0x125: {  	[sflag:s19] =	ssyncadd.s32 @!p0 $0xFFFE7960  }
0x126: {  	[bflag:$0x0] =	sbarrier.arrive @!p0 $0xFFFF  }
0x127: {  	[spmem:s29], [sflag:s1] =	dma.local @!p0 [hbm:s4], $0x186C0  }
0x128: {  	_ =	swait.ge @!p0 [sflag:s19], $0x186C0  }
0x129: {  	[sflag:s19] =	ssyncset.done @!p0 $0x0  }
0x12a: {  	[sflag:s19] =	ssyncadd.s32 @!p0 $0xFFFE7940  }
0x12b: {  	s19 =	simm.s32 $0x0;
	[bflag:$0x0] =	sbarrier.arrive $0xFFFF  }
0x12c: {  	v2 =	vld [tilespmem:s19+$0xC3D0]  }
0x12d: {  	v5 =	vld [tilespmem:s19+$0xC360]  }
0x12e: {  	v6 =	vld [tilespmem:s19+$0xC370]  }
0x12f: {  	v4 =	vld [tilespmem:s19+$0xC380]  }
0x130: {  	v3 =	vld [tilespmem:s19+$0xC390]  }
0x131: {  	v1 =	vld [tilespmem:s19+$0xC3A0];
	v7 =	vadd.s32 $0x7530, v2  }
0x132: {  	v2 =	vld [tilespmem:s19+$0xC3B0];
	v5 =	vadd.s32 $0x7530, v5;
	[tilespmem:s19+$0x161D0] =	vst v7  }
0x133: {  	s21 =	simm.s32 $0x400;
	s1 =	simm.s32 $0x80;
	v6 =	vadd.s32 $0x7530, v6;
	[tilespmem:s19+$0x16160] =	vst v5;
	v5 =	vld [tilespmem:s19+$0xC3C0]  }
.LBB2_16:
0x134: {  	p1 =	sne.s32 s21, $0x9C00;
	v7 =	vld [tilespmem:s1+$0xC3D0];
	[tilespmem:s19+$0x16170] =	vst v6;
	v4 =	vadd.s32 $0x7530, v4  }
0x135: {  	v6 =	vld [tilespmem:s1+$0xC360];
	[tilespmem:s19+$0x16180] =	vst v4;
	v3 =	vadd.s32 $0x7530, v3  }
0x136: {  	v8 =	vld [tilespmem:s1+$0xC370];
	[tilespmem:s19+$0x16190] =	vst v3;
	v1 =	vadd.s32 $0x7530, v1  }
.Ltmp7:
0x137: {  	v4 =	vld [tilespmem:s1+$0xC380];
	[tilespmem:s19+$0x161A0] =	vst v1;
	v1 =	vadd.s32 $0x7530, v2;
	(pc) =	sbr.rel @p1 .LBB2_16-.Ltmp7, $4  }
0x138: {  	v3 =	vld [tilespmem:s1+$0xC390];
	[tilespmem:s19+$0x161B0] =	vst v1;
	v2 =	vadd.s32 $0x7530, v5  }
0x139: {  	v1 =	vld [tilespmem:s1+$0xC3A0];
	v5 =	vadd.s32 $0x7530, v7;
	[tilespmem:s19+$0x161C0] =	vst v2;
	s19 =	smov.u32 s1  }
0x13a: {  	v6 =	vadd.s32 $0x7530, v6;
	v2 =	vld [tilespmem:s19+$0xC3B0];
	[tilespmem:s19+$0x161D0] =	vst v5  }
0x13b: {  	s1 =	sshra.s32 s21, $0x2;
	s21 =	sadd.s32 $0x200, s21;
	[tilespmem:s19+$0x16160] =	vst v6;
	v6 =	vadd.s32 $0x7530, v8;
	v5 =	vld [tilespmem:s19+$0xC3C0]  }
0x13c: {  	v7 =	vld [tilespmem:s1+$0xC3D0];
	[tilespmem:s19+$0x16170] =	vst v6;
	v4 =	vadd.s32 $0x7530, v4  }
0x13d: {  	v6 =	vld [tilespmem:s1+$0xC360];
	[tilespmem:s19+$0x16180] =	vst v4;
	v3 =	vadd.s32 $0x7530, v3  }
0x13e: {  	v4 =	vld [tilespmem:s1+$0xC370];
	[tilespmem:s19+$0x16190] =	vst v3;
	v1 =	vadd.s32 $0x7530, v1  }
0x13f: {  	v3 =	vld [tilespmem:s1+$0xC380];
	[tilespmem:s19+$0x161A0] =	vst v1;
	v1 =	vadd.s32 $0x7530, v2  }
0x140: {  	v2 =	vld [tilespmem:s1+$0xC390];
	[tilespmem:s19+$0x161B0] =	vst v1;
	v1 =	vadd.s32 $0x7530, v5  }
0x141: {  	v61 =	vld [tilespmem:s1+$0xC3A0];
	[tilespmem:s19+$0x161C0] =	vst v1;
	v1 =	vadd.s32 $0x7530, v7  }
0x142: {  	v62 =	vld [tilespmem:s1+$0xC3B0];
	v6 =	vadd.s32 $0x7530, v6;
	[tilespmem:s1+$0x161D0] =	vst v1  }
0x143: {  	v63 =	vld [tilespmem:s1+$0xC3C0];
	[tilespmem:s1+$0x16160] =	vst v6;
	v1 =	vadd.s32 $0x7530, v4  }
0x144: {  	[tilespmem:s1+$0x16170] =	vst v1;
	v1 =	vadd.s32 $0x7530, v3  }
0x145: {  	[tilespmem:s1+$0x16180] =	vst v1;
	v1 =	vadd.s32 $0x7530, v2  }
0x146: {  	[tilespmem:s1+$0x16190] =	vst v1;
	v1 =	vadd.s32 $0x7530, v61  }
0x147: {  	[tilespmem:s1+$0x161A0] =	vst v1;
	v1 =	vadd.s32 $0x7530, v62  }
0x148: {  	[tilespmem:s1+$0x161B0] =	vst v1;
	v1 =	vadd.s32 $0x7530, v63  }
0x149: {  	s30 =	simm.s32 $0x16160;
	[tilespmem:s1+$0x161C0] =	vst v1  }
0x14a: {  	[tilespmem:s24], [sflag:$0x1] =	stream.indirect.gather [hbm4b:s0+s23], $0x10, s30, s23, $0xb8;
	[tilespmem:$0x198E0] =	vst v63  }
0x14b: {  	_ =	swait.ge [sflag:s25], $0x800  }
0x14c: {  	[sflag:s25] =	ssyncset.done $0x0  }
0x14d: {  	s31 =	simm.s32 $0x139E0;
	[sflag:s25] =	ssyncadd.s32 $0xFFFFF800  }
0x14e: {  	[spmem:s2] =	stream.indirect.scatter.add.f32 [tilespmem:s24], [sflag:$0x2], $0x10, s31, s23, $0xb8;
	[tilespmem:$0x198E0] =	vst v63  }
0x14f: {  	_ =	swait.ge [sflag:s20], $0x800  }
0x150: {  	s19 =	simm.s32 $0x400;
	s1 =	simm.s32 $0x80;
	[sflag:s20] =	ssyncset.done $0x0  }
.LBB2_18:
0x151: {  	s21 =	sadd.s32 $0x16160, s1  }
0x152: {  	[sflag:s20] =	ssyncadd.s32 $0xFFFFF800;
	s30 =	smov.u32 s19;
	s31 =	sadd.s32 $0x200, s19  }
0x153: {  	[tilespmem:s24], [sflag:$0x1] =	stream.indirect.gather [hbm4b:s0+s23], $0x10, s21, s23, $0xb8;
	[tilespmem:$0x198E0] =	vst v63  }
0x154: {  	p1 =	sne.s32 s19, $0x9C00;
	_ =	swait.ge [sflag:s25], $0x800  }
.Ltmp8:
0x155: {  	[sflag:s25] =	ssyncset.done $0x0;
	(pc) =	sbr.rel @p1 .LBB2_18-.Ltmp8, $4  }
0x156: {  	s1 =	sadd.s32 $0x139E0, s1;
	[sflag:s25] =	ssyncadd.s32 $0xFFFFF800  }
0x157: {  	[spmem:s2] =	stream.indirect.scatter.add.f32 [tilespmem:s24], [sflag:$0x2], $0x10, s1, s23, $0xb8;
	[tilespmem:$0x198E0] =	vst v63  }
0x158: {  	_ =	swait.ge [sflag:s20], $0x800  }
0x159: {  	s19 =	smov.u32 s31;
	s1 =	sshra.s32 s30, $0x2;
	[sflag:s20] =	ssyncset.done $0x0  }
0x15a: {  	s19 =	sadd.s32 $0x16160, s1;
	[sflag:s20] =	ssyncadd.s32 $0xFFFFF800  }
0x15b: {  	[tilespmem:s24], [sflag:$0x1] =	stream.indirect.gather [hbm4b:s0+s23], $0x10, s19, s23, $0xb8;
	[tilespmem:$0x198E0] =	vst v63  }
0x15c: {  	_ =	swait.ge [sflag:s25], $0x800  }
0x15d: {  	[sflag:s25] =	ssyncset.done $0x0  }
0x15e: {  	s31 =	sadd.s32 $0x139E0, s1;
	[sflag:s25] =	ssyncadd.s32 $0xFFFFF800  }
0x15f: {  	[spmem:s2] =	stream.indirect.scatter.add.f32 [tilespmem:s24], [sflag:$0x2], $0x10, s31, s23, $0xb8;
	[tilespmem:$0x198E0] =	vst v63  }
0x160: {  	_ =	swait.ge [sflag:s20], $0x800  }
0x161: {  	[sflag:s20] =	ssyncset.done $0x0  }
0x162: {  	[sflag:s20] =	ssyncadd.s32 $0xFFFFF800  }
0x163: {  	[bflag:$0x0] =	sbarrier.arrive $0xFFFF  }
0x164: {  	s1 =	simm.s32 @!p0 $0x1C02;
	s19 =	simm.s32 @!p0 $0x2;
	[bflag:$0x0] =	sbarrier.arrive @p0 $0xFFFF  }
0x165: {  	[hbm:s11], [sflag:s1] =	dma.local @!p0 [spmem:s29], $0x186A0  }
0x166: {  	_ =	swait.ge @!p0 [sflag:s19], $0x186A0  }
0x167: {  	[sflag:s19] =	ssyncset.done @!p0 $0x0  }
0x168: {  	[sflag:s19] =	ssyncadd.s32 @!p0 $0xFFFE7960  }
0x169: {  	[bflag:$0x0] =	sbarrier.arrive @!p0 $0xFFFF  }
0x16a: {  	[spmem:s29], [sflag:s1] =	dma.local @!p0 [hbm:s4], $0x186C0  }
0x16b: {  	_ =	swait.ge @!p0 [sflag:s19], $0x186C0  }
0x16c: {  	[sflag:s19] =	ssyncset.done @!p0 $0x0  }
0x16d: {  	[sflag:s19] =	ssyncadd.s32 @!p0 $0xFFFE7940  }
0x16e: {  	s19 =	simm.s32 $0x0;
	[bflag:$0x0] =	sbarrier.arrive $0xFFFF  }
0x16f: {  	v2 =	vld [tilespmem:s19+$0xC3D0]  }
0x170: {  	v5 =	vld [tilespmem:s19+$0xC360]  }
0x171: {  	v6 =	vld [tilespmem:s19+$0xC370]  }
0x172: {  	v4 =	vld [tilespmem:s19+$0xC380]  }
0x173: {  	v3 =	vld [tilespmem:s19+$0xC390]  }
0x174: {  	v1 =	vld [tilespmem:s19+$0xC3A0];
	v7 =	vadd.s32 $0x9C40, v2  }
0x175: {  	v2 =	vld [tilespmem:s19+$0xC3B0];
	v5 =	vadd.s32 $0x9C40, v5;
	[tilespmem:s19+$0x161D0] =	vst v7  }
0x176: {  	s21 =	simm.s32 $0x400;
	s1 =	simm.s32 $0x80;
	v6 =	vadd.s32 $0x9C40, v6;
	[tilespmem:s19+$0x16160] =	vst v5;
	v5 =	vld [tilespmem:s19+$0xC3C0]  }
.LBB2_20:
0x177: {  	p1 =	sne.s32 s21, $0x9C00;
	v7 =	vld [tilespmem:s1+$0xC3D0];
	[tilespmem:s19+$0x16170] =	vst v6;
	v4 =	vadd.s32 $0x9C40, v4  }
0x178: {  	v6 =	vld [tilespmem:s1+$0xC360];
	[tilespmem:s19+$0x16180] =	vst v4;
	v3 =	vadd.s32 $0x9C40, v3  }
0x179: {  	v8 =	vld [tilespmem:s1+$0xC370];
	[tilespmem:s19+$0x16190] =	vst v3;
	v1 =	vadd.s32 $0x9C40, v1  }
.Ltmp9:
0x17a: {  	v4 =	vld [tilespmem:s1+$0xC380];
	[tilespmem:s19+$0x161A0] =	vst v1;
	v1 =	vadd.s32 $0x9C40, v2;
	(pc) =	sbr.rel @p1 .LBB2_20-.Ltmp9, $4  }
0x17b: {  	v3 =	vld [tilespmem:s1+$0xC390];
	[tilespmem:s19+$0x161B0] =	vst v1;
	v2 =	vadd.s32 $0x9C40, v5  }
0x17c: {  	v1 =	vld [tilespmem:s1+$0xC3A0];
	v5 =	vadd.s32 $0x9C40, v7;
	[tilespmem:s19+$0x161C0] =	vst v2;
	s19 =	smov.u32 s1  }
0x17d: {  	v6 =	vadd.s32 $0x9C40, v6;
	v2 =	vld [tilespmem:s19+$0xC3B0];
	[tilespmem:s19+$0x161D0] =	vst v5  }
0x17e: {  	s1 =	sshra.s32 s21, $0x2;
	s21 =	sadd.s32 $0x200, s21;
	[tilespmem:s19+$0x16160] =	vst v6;
	v6 =	vadd.s32 $0x9C40, v8;
	v5 =	vld [tilespmem:s19+$0xC3C0]  }
0x17f: {  	v7 =	vld [tilespmem:s1+$0xC3D0];
	[tilespmem:s19+$0x16170] =	vst v6;
	v4 =	vadd.s32 $0x9C40, v4  }
0x180: {  	v6 =	vld [tilespmem:s1+$0xC360];
	[tilespmem:s19+$0x16180] =	vst v4;
	v3 =	vadd.s32 $0x9C40, v3  }
0x181: {  	v4 =	vld [tilespmem:s1+$0xC370];
	[tilespmem:s19+$0x16190] =	vst v3;
	v1 =	vadd.s32 $0x9C40, v1  }
0x182: {  	v3 =	vld [tilespmem:s1+$0xC380];
	[tilespmem:s19+$0x161A0] =	vst v1;
	v1 =	vadd.s32 $0x9C40, v2  }
0x183: {  	v2 =	vld [tilespmem:s1+$0xC390];
	[tilespmem:s19+$0x161B0] =	vst v1;
	v1 =	vadd.s32 $0x9C40, v5  }
0x184: {  	v61 =	vld [tilespmem:s1+$0xC3A0];
	[tilespmem:s19+$0x161C0] =	vst v1;
	v1 =	vadd.s32 $0x9C40, v7  }
0x185: {  	v62 =	vld [tilespmem:s1+$0xC3B0];
	v6 =	vadd.s32 $0x9C40, v6;
	[tilespmem:s1+$0x161D0] =	vst v1  }
0x186: {  	v63 =	vld [tilespmem:s1+$0xC3C0];
	[tilespmem:s1+$0x16160] =	vst v6;
	v1 =	vadd.s32 $0x9C40, v4  }
0x187: {  	[tilespmem:s1+$0x16170] =	vst v1;
	v1 =	vadd.s32 $0x9C40, v3  }
0x188: {  	[tilespmem:s1+$0x16180] =	vst v1;
	v1 =	vadd.s32 $0x9C40, v2  }
0x189: {  	[tilespmem:s1+$0x16190] =	vst v1;
	v1 =	vadd.s32 $0x9C40, v61  }
0x18a: {  	[tilespmem:s1+$0x161A0] =	vst v1;
	v1 =	vadd.s32 $0x9C40, v62  }
0x18b: {  	[tilespmem:s1+$0x161B0] =	vst v1;
	v1 =	vadd.s32 $0x9C40, v63  }
0x18c: {  	s30 =	simm.s32 $0x16160;
	[tilespmem:s1+$0x161C0] =	vst v1  }
0x18d: {  	[tilespmem:s24], [sflag:$0x1] =	stream.indirect.gather [hbm4b:s0+s23], $0x10, s30, s23, $0xb8;
	[tilespmem:$0x198E0] =	vst v63  }
0x18e: {  	_ =	swait.ge [sflag:s25], $0x800  }
0x18f: {  	[sflag:s25] =	ssyncset.done $0x0  }
0x190: {  	s31 =	simm.s32 $0x139E0;
	[sflag:s25] =	ssyncadd.s32 $0xFFFFF800  }
0x191: {  	[spmem:s2] =	stream.indirect.scatter.add.f32 [tilespmem:s24], [sflag:$0x2], $0x10, s31, s23, $0xb8;
	[tilespmem:$0x198E0] =	vst v63  }
0x192: {  	_ =	swait.ge [sflag:s20], $0x800  }
0x193: {  	s19 =	simm.s32 $0x400;
	s1 =	simm.s32 $0x80;
	[sflag:s20] =	ssyncset.done $0x0  }
.LBB2_22:
0x194: {  	s21 =	sadd.s32 $0x16160, s1  }
0x195: {  	[sflag:s20] =	ssyncadd.s32 $0xFFFFF800;
	s30 =	smov.u32 s19;
	s31 =	sadd.s32 $0x200, s19  }
0x196: {  	[tilespmem:s24], [sflag:$0x1] =	stream.indirect.gather [hbm4b:s0+s23], $0x10, s21, s23, $0xb8;
	[tilespmem:$0x198E0] =	vst v63  }
0x197: {  	p1 =	sne.s32 s19, $0x9C00;
	_ =	swait.ge [sflag:s25], $0x800  }
.Ltmp10:
0x198: {  	[sflag:s25] =	ssyncset.done $0x0;
	(pc) =	sbr.rel @p1 .LBB2_22-.Ltmp10, $4  }
0x199: {  	s1 =	sadd.s32 $0x139E0, s1;
	[sflag:s25] =	ssyncadd.s32 $0xFFFFF800  }
0x19a: {  	[spmem:s2] =	stream.indirect.scatter.add.f32 [tilespmem:s24], [sflag:$0x2], $0x10, s1, s23, $0xb8;
	[tilespmem:$0x198E0] =	vst v63  }
0x19b: {  	_ =	swait.ge [sflag:s20], $0x800  }
0x19c: {  	s19 =	smov.u32 s31;
	s1 =	sshra.s32 s30, $0x2;
	[sflag:s20] =	ssyncset.done $0x0  }
0x19d: {  	s19 =	sadd.s32 $0x16160, s1;
	[sflag:s20] =	ssyncadd.s32 $0xFFFFF800  }
0x19e: {  	[tilespmem:s24], [sflag:$0x1] =	stream.indirect.gather [hbm4b:s0+s23], $0x10, s19, s23, $0xb8;
	[tilespmem:$0x198E0] =	vst v63  }
0x19f: {  	_ =	swait.ge [sflag:s25], $0x800  }
0x1a0: {  	[sflag:s25] =	ssyncset.done $0x0  }
0x1a1: {  	s31 =	sadd.s32 $0x139E0, s1;
	[sflag:s25] =	ssyncadd.s32 $0xFFFFF800  }
0x1a2: {  	[spmem:s2] =	stream.indirect.scatter.add.f32 [tilespmem:s24], [sflag:$0x2], $0x10, s31, s23, $0xb8;
	[tilespmem:$0x198E0] =	vst v63  }
0x1a3: {  	_ =	swait.ge [sflag:s20], $0x800  }
0x1a4: {  	[sflag:s20] =	ssyncset.done $0x0  }
0x1a5: {  	[sflag:s20] =	ssyncadd.s32 $0xFFFFF800  }
0x1a6: {  	[bflag:$0x0] =	sbarrier.arrive $0xFFFF  }
0x1a7: {  	s1 =	simm.s32 @!p0 $0x1C02;
	s19 =	simm.s32 @!p0 $0x2;
	[bflag:$0x0] =	sbarrier.arrive @p0 $0xFFFF  }
0x1a8: {  	[hbm:s12], [sflag:s1] =	dma.local @!p0 [spmem:s29], $0x186A0  }
0x1a9: {  	_ =	swait.ge @!p0 [sflag:s19], $0x186A0  }
0x1aa: {  	[sflag:s19] =	ssyncset.done @!p0 $0x0  }
0x1ab: {  	[sflag:s19] =	ssyncadd.s32 @!p0 $0xFFFE7960  }
0x1ac: {  	[bflag:$0x0] =	sbarrier.arrive @!p0 $0xFFFF  }
0x1ad: {  	[spmem:s29], [sflag:s1] =	dma.local @!p0 [hbm:s4], $0x186C0  }
0x1ae: {  	_ =	swait.ge @!p0 [sflag:s19], $0x186C0  }
0x1af: {  	[sflag:s19] =	ssyncset.done @!p0 $0x0  }
0x1b0: {  	[sflag:s19] =	ssyncadd.s32 @!p0 $0xFFFE7940  }
0x1b1: {  	s19 =	simm.s32 $0x0;
	[bflag:$0x0] =	sbarrier.arrive $0xFFFF  }
0x1b2: {  	v2 =	vld [tilespmem:s19+$0xC3D0]  }
0x1b3: {  	v5 =	vld [tilespmem:s19+$0xC360]  }
0x1b4: {  	v6 =	vld [tilespmem:s19+$0xC370]  }
0x1b5: {  	v4 =	vld [tilespmem:s19+$0xC380]  }
0x1b6: {  	v3 =	vld [tilespmem:s19+$0xC390]  }
0x1b7: {  	v1 =	vld [tilespmem:s19+$0xC3A0];
	v7 =	vadd.s32 $0xC350, v2  }
0x1b8: {  	v2 =	vld [tilespmem:s19+$0xC3B0];
	v5 =	vadd.s32 $0xC350, v5;
	[tilespmem:s19+$0x161D0] =	vst v7  }
0x1b9: {  	s21 =	simm.s32 $0x400;
	s1 =	simm.s32 $0x80;
	v6 =	vadd.s32 $0xC350, v6;
	[tilespmem:s19+$0x16160] =	vst v5;
	v5 =	vld [tilespmem:s19+$0xC3C0]  }
.LBB2_24:
0x1ba: {  	p1 =	sne.s32 s21, $0x9C00;
	v7 =	vld [tilespmem:s1+$0xC3D0];
	[tilespmem:s19+$0x16170] =	vst v6;
	v4 =	vadd.s32 $0xC350, v4  }
0x1bb: {  	v6 =	vld [tilespmem:s1+$0xC360];
	[tilespmem:s19+$0x16180] =	vst v4;
	v3 =	vadd.s32 $0xC350, v3  }
0x1bc: {  	v8 =	vld [tilespmem:s1+$0xC370];
	[tilespmem:s19+$0x16190] =	vst v3;
	v1 =	vadd.s32 $0xC350, v1  }
.Ltmp11:
0x1bd: {  	v4 =	vld [tilespmem:s1+$0xC380];
	[tilespmem:s19+$0x161A0] =	vst v1;
	v1 =	vadd.s32 $0xC350, v2;
	(pc) =	sbr.rel @p1 .LBB2_24-.Ltmp11, $4  }
0x1be: {  	v3 =	vld [tilespmem:s1+$0xC390];
	[tilespmem:s19+$0x161B0] =	vst v1;
	v2 =	vadd.s32 $0xC350, v5  }
0x1bf: {  	v1 =	vld [tilespmem:s1+$0xC3A0];
	v5 =	vadd.s32 $0xC350, v7;
	[tilespmem:s19+$0x161C0] =	vst v2;
	s19 =	smov.u32 s1  }
0x1c0: {  	v6 =	vadd.s32 $0xC350, v6;
	v2 =	vld [tilespmem:s19+$0xC3B0];
	[tilespmem:s19+$0x161D0] =	vst v5  }
0x1c1: {  	s1 =	sshra.s32 s21, $0x2;
	s21 =	sadd.s32 $0x200, s21;
	[tilespmem:s19+$0x16160] =	vst v6;
	v6 =	vadd.s32 $0xC350, v8;
	v5 =	vld [tilespmem:s19+$0xC3C0]  }
0x1c2: {  	v7 =	vld [tilespmem:s1+$0xC3D0];
	[tilespmem:s19+$0x16170] =	vst v6;
	v4 =	vadd.s32 $0xC350, v4  }
0x1c3: {  	v6 =	vld [tilespmem:s1+$0xC360];
	[tilespmem:s19+$0x16180] =	vst v4;
	v3 =	vadd.s32 $0xC350, v3  }
0x1c4: {  	v4 =	vld [tilespmem:s1+$0xC370];
	[tilespmem:s19+$0x16190] =	vst v3;
	v1 =	vadd.s32 $0xC350, v1  }
0x1c5: {  	v3 =	vld [tilespmem:s1+$0xC380];
	[tilespmem:s19+$0x161A0] =	vst v1;
	v1 =	vadd.s32 $0xC350, v2  }
0x1c6: {  	v2 =	vld [tilespmem:s1+$0xC390];
	[tilespmem:s19+$0x161B0] =	vst v1;
	v1 =	vadd.s32 $0xC350, v5  }
0x1c7: {  	v61 =	vld [tilespmem:s1+$0xC3A0];
	[tilespmem:s19+$0x161C0] =	vst v1;
	v1 =	vadd.s32 $0xC350, v7  }
0x1c8: {  	v62 =	vld [tilespmem:s1+$0xC3B0];
	v6 =	vadd.s32 $0xC350, v6;
	[tilespmem:s1+$0x161D0] =	vst v1  }
0x1c9: {  	v63 =	vld [tilespmem:s1+$0xC3C0];
	[tilespmem:s1+$0x16160] =	vst v6;
	v1 =	vadd.s32 $0xC350, v4  }
0x1ca: {  	[tilespmem:s1+$0x16170] =	vst v1;
	v1 =	vadd.s32 $0xC350, v3  }
0x1cb: {  	[tilespmem:s1+$0x16180] =	vst v1;
	v1 =	vadd.s32 $0xC350, v2  }
0x1cc: {  	[tilespmem:s1+$0x16190] =	vst v1;
	v1 =	vadd.s32 $0xC350, v61  }
0x1cd: {  	[tilespmem:s1+$0x161A0] =	vst v1;
	v1 =	vadd.s32 $0xC350, v62  }
0x1ce: {  	[tilespmem:s1+$0x161B0] =	vst v1;
	v1 =	vadd.s32 $0xC350, v63  }
0x1cf: {  	s30 =	simm.s32 $0x16160;
	[tilespmem:s1+$0x161C0] =	vst v1  }
0x1d0: {  	[tilespmem:s24], [sflag:$0x1] =	stream.indirect.gather [hbm4b:s0+s23], $0x10, s30, s23, $0xb8;
	[tilespmem:$0x198E0] =	vst v63  }
0x1d1: {  	_ =	swait.ge [sflag:s25], $0x800  }
0x1d2: {  	[sflag:s25] =	ssyncset.done $0x0  }
0x1d3: {  	s31 =	simm.s32 $0x139E0;
	[sflag:s25] =	ssyncadd.s32 $0xFFFFF800  }
0x1d4: {  	[spmem:s2] =	stream.indirect.scatter.add.f32 [tilespmem:s24], [sflag:$0x2], $0x10, s31, s23, $0xb8;
	[tilespmem:$0x198E0] =	vst v63  }
0x1d5: {  	_ =	swait.ge [sflag:s20], $0x800  }
0x1d6: {  	s19 =	simm.s32 $0x400;
	s1 =	simm.s32 $0x80;
	[sflag:s20] =	ssyncset.done $0x0  }
.LBB2_26:
0x1d7: {  	s21 =	sadd.s32 $0x16160, s1  }
0x1d8: {  	[sflag:s20] =	ssyncadd.s32 $0xFFFFF800;
	s30 =	smov.u32 s19;
	s31 =	sadd.s32 $0x200, s19  }
0x1d9: {  	[tilespmem:s24], [sflag:$0x1] =	stream.indirect.gather [hbm4b:s0+s23], $0x10, s21, s23, $0xb8;
	[tilespmem:$0x198E0] =	vst v63  }
0x1da: {  	p1 =	sne.s32 s19, $0x9C00;
	_ =	swait.ge [sflag:s25], $0x800  }
.Ltmp12:
0x1db: {  	[sflag:s25] =	ssyncset.done $0x0;
	(pc) =	sbr.rel @p1 .LBB2_26-.Ltmp12, $4  }
0x1dc: {  	s1 =	sadd.s32 $0x139E0, s1;
	[sflag:s25] =	ssyncadd.s32 $0xFFFFF800  }
0x1dd: {  	[spmem:s2] =	stream.indirect.scatter.add.f32 [tilespmem:s24], [sflag:$0x2], $0x10, s1, s23, $0xb8;
	[tilespmem:$0x198E0] =	vst v63  }
0x1de: {  	_ =	swait.ge [sflag:s20], $0x800  }
0x1df: {  	s19 =	smov.u32 s31;
	s1 =	sshra.s32 s30, $0x2;
	[sflag:s20] =	ssyncset.done $0x0  }
0x1e0: {  	s19 =	sadd.s32 $0x16160, s1;
	[sflag:s20] =	ssyncadd.s32 $0xFFFFF800  }
0x1e1: {  	[tilespmem:s24], [sflag:$0x1] =	stream.indirect.gather [hbm4b:s0+s23], $0x10, s19, s23, $0xb8;
	[tilespmem:$0x198E0] =	vst v63  }
0x1e2: {  	_ =	swait.ge [sflag:s25], $0x800  }
0x1e3: {  	[sflag:s25] =	ssyncset.done $0x0  }
0x1e4: {  	s31 =	sadd.s32 $0x139E0, s1;
	[sflag:s25] =	ssyncadd.s32 $0xFFFFF800  }
0x1e5: {  	[spmem:s2] =	stream.indirect.scatter.add.f32 [tilespmem:s24], [sflag:$0x2], $0x10, s31, s23, $0xb8;
	[tilespmem:$0x198E0] =	vst v63  }
0x1e6: {  	_ =	swait.ge [sflag:s20], $0x800  }
0x1e7: {  	[sflag:s20] =	ssyncset.done $0x0  }
0x1e8: {  	[sflag:s20] =	ssyncadd.s32 $0xFFFFF800  }
0x1e9: {  	[bflag:$0x0] =	sbarrier.arrive $0xFFFF  }
0x1ea: {  	s1 =	simm.s32 @!p0 $0x1C02;
	s19 =	simm.s32 @!p0 $0x2;
	[bflag:$0x0] =	sbarrier.arrive @p0 $0xFFFF  }
0x1eb: {  	[hbm:s13], [sflag:s1] =	dma.local @!p0 [spmem:s29], $0x186A0  }
0x1ec: {  	_ =	swait.ge @!p0 [sflag:s19], $0x186A0  }
0x1ed: {  	[sflag:s19] =	ssyncset.done @!p0 $0x0  }
0x1ee: {  	[sflag:s19] =	ssyncadd.s32 @!p0 $0xFFFE7960  }
0x1ef: {  	[bflag:$0x0] =	sbarrier.arrive @!p0 $0xFFFF  }
0x1f0: {  	[spmem:s29], [sflag:s1] =	dma.local @!p0 [hbm:s4], $0x186C0  }
0x1f1: {  	_ =	swait.ge @!p0 [sflag:s19], $0x186C0  }
0x1f2: {  	[sflag:s19] =	ssyncset.done @!p0 $0x0  }
0x1f3: {  	[sflag:s19] =	ssyncadd.s32 @!p0 $0xFFFE7940  }
0x1f4: {  	s19 =	simm.s32 $0x0;
	[bflag:$0x0] =	sbarrier.arrive $0xFFFF  }
0x1f5: {  	v2 =	vld [tilespmem:s19+$0xC3D0]  }
0x1f6: {  	v5 =	vld [tilespmem:s19+$0xC360]  }
0x1f7: {  	v6 =	vld [tilespmem:s19+$0xC370]  }
0x1f8: {  	v4 =	vld [tilespmem:s19+$0xC380]  }
0x1f9: {  	v3 =	vld [tilespmem:s19+$0xC390]  }
0x1fa: {  	v1 =	vld [tilespmem:s19+$0xC3A0];
	v7 =	vadd.s32 $0xEA60, v2  }
0x1fb: {  	v2 =	vld [tilespmem:s19+$0xC3B0];
	v5 =	vadd.s32 $0xEA60, v5;
	[tilespmem:s19+$0x161D0] =	vst v7  }
0x1fc: {  	s21 =	simm.s32 $0x400;
	s1 =	simm.s32 $0x80;
	v6 =	vadd.s32 $0xEA60, v6;
	[tilespmem:s19+$0x16160] =	vst v5;
	v5 =	vld [tilespmem:s19+$0xC3C0]  }
.LBB2_28:
0x1fd: {  	p1 =	sne.s32 s21, $0x9C00;
	v7 =	vld [tilespmem:s1+$0xC3D0];
	[tilespmem:s19+$0x16170] =	vst v6;
	v4 =	vadd.s32 $0xEA60, v4  }
0x1fe: {  	v6 =	vld [tilespmem:s1+$0xC360];
	[tilespmem:s19+$0x16180] =	vst v4;
	v3 =	vadd.s32 $0xEA60, v3  }
0x1ff: {  	v8 =	vld [tilespmem:s1+$0xC370];
	[tilespmem:s19+$0x16190] =	vst v3;
	v1 =	vadd.s32 $0xEA60, v1  }
.Ltmp13:
0x200: {  	v4 =	vld [tilespmem:s1+$0xC380];
	[tilespmem:s19+$0x161A0] =	vst v1;
	v1 =	vadd.s32 $0xEA60, v2;
	(pc) =	sbr.rel @p1 .LBB2_28-.Ltmp13, $4  }
0x201: {  	v3 =	vld [tilespmem:s1+$0xC390];
	[tilespmem:s19+$0x161B0] =	vst v1;
	v2 =	vadd.s32 $0xEA60, v5  }
0x202: {  	v1 =	vld [tilespmem:s1+$0xC3A0];
	v5 =	vadd.s32 $0xEA60, v7;
	[tilespmem:s19+$0x161C0] =	vst v2;
	s19 =	smov.u32 s1  }
0x203: {  	v6 =	vadd.s32 $0xEA60, v6;
	v2 =	vld [tilespmem:s19+$0xC3B0];
	[tilespmem:s19+$0x161D0] =	vst v5  }
0x204: {  	s1 =	sshra.s32 s21, $0x2;
	s21 =	sadd.s32 $0x200, s21;
	[tilespmem:s19+$0x16160] =	vst v6;
	v6 =	vadd.s32 $0xEA60, v8;
	v5 =	vld [tilespmem:s19+$0xC3C0]  }
0x205: {  	v7 =	vld [tilespmem:s1+$0xC3D0];
	[tilespmem:s19+$0x16170] =	vst v6;
	v4 =	vadd.s32 $0xEA60, v4  }
0x206: {  	v6 =	vld [tilespmem:s1+$0xC360];
	[tilespmem:s19+$0x16180] =	vst v4;
	v3 =	vadd.s32 $0xEA60, v3  }
0x207: {  	v4 =	vld [tilespmem:s1+$0xC370];
	[tilespmem:s19+$0x16190] =	vst v3;
	v1 =	vadd.s32 $0xEA60, v1  }
0x208: {  	v3 =	vld [tilespmem:s1+$0xC380];
	[tilespmem:s19+$0x161A0] =	vst v1;
	v1 =	vadd.s32 $0xEA60, v2  }
0x209: {  	v2 =	vld [tilespmem:s1+$0xC390];
	[tilespmem:s19+$0x161B0] =	vst v1;
	v1 =	vadd.s32 $0xEA60, v5  }
0x20a: {  	v61 =	vld [tilespmem:s1+$0xC3A0];
	[tilespmem:s19+$0x161C0] =	vst v1;
	v1 =	vadd.s32 $0xEA60, v7  }
0x20b: {  	v62 =	vld [tilespmem:s1+$0xC3B0];
	v6 =	vadd.s32 $0xEA60, v6;
	[tilespmem:s1+$0x161D0] =	vst v1  }
0x20c: {  	v63 =	vld [tilespmem:s1+$0xC3C0];
	[tilespmem:s1+$0x16160] =	vst v6;
	v1 =	vadd.s32 $0xEA60, v4  }
0x20d: {  	[tilespmem:s1+$0x16170] =	vst v1;
	v1 =	vadd.s32 $0xEA60, v3  }
0x20e: {  	[tilespmem:s1+$0x16180] =	vst v1;
	v1 =	vadd.s32 $0xEA60, v2  }
0x20f: {  	[tilespmem:s1+$0x16190] =	vst v1;
	v1 =	vadd.s32 $0xEA60, v61  }
0x210: {  	[tilespmem:s1+$0x161A0] =	vst v1;
	v1 =	vadd.s32 $0xEA60, v62  }
0x211: {  	[tilespmem:s1+$0x161B0] =	vst v1;
	v1 =	vadd.s32 $0xEA60, v63  }
0x212: {  	s30 =	simm.s32 $0x16160;
	[tilespmem:s1+$0x161C0] =	vst v1  }
0x213: {  	[tilespmem:s24], [sflag:$0x1] =	stream.indirect.gather [hbm4b:s0+s23], $0x10, s30, s23, $0xb8;
	[tilespmem:$0x198E0] =	vst v63  }
0x214: {  	_ =	swait.ge [sflag:s25], $0x800  }
0x215: {  	[sflag:s25] =	ssyncset.done $0x0  }
0x216: {  	s31 =	simm.s32 $0x139E0;
	[sflag:s25] =	ssyncadd.s32 $0xFFFFF800  }
0x217: {  	[spmem:s2] =	stream.indirect.scatter.add.f32 [tilespmem:s24], [sflag:$0x2], $0x10, s31, s23, $0xb8;
	[tilespmem:$0x198E0] =	vst v63  }
0x218: {  	_ =	swait.ge [sflag:s20], $0x800  }
0x219: {  	s19 =	simm.s32 $0x400;
	s1 =	simm.s32 $0x80;
	[sflag:s20] =	ssyncset.done $0x0  }
.LBB2_30:
0x21a: {  	s21 =	sadd.s32 $0x16160, s1  }
0x21b: {  	[sflag:s20] =	ssyncadd.s32 $0xFFFFF800;
	s30 =	smov.u32 s19;
	s31 =	sadd.s32 $0x200, s19  }
0x21c: {  	[tilespmem:s24], [sflag:$0x1] =	stream.indirect.gather [hbm4b:s0+s23], $0x10, s21, s23, $0xb8;
	[tilespmem:$0x198E0] =	vst v63  }
0x21d: {  	p1 =	sne.s32 s19, $0x9C00;
	_ =	swait.ge [sflag:s25], $0x800  }
.Ltmp14:
0x21e: {  	[sflag:s25] =	ssyncset.done $0x0;
	(pc) =	sbr.rel @p1 .LBB2_30-.Ltmp14, $4  }
0x21f: {  	s1 =	sadd.s32 $0x139E0, s1;
	[sflag:s25] =	ssyncadd.s32 $0xFFFFF800  }
0x220: {  	[spmem:s2] =	stream.indirect.scatter.add.f32 [tilespmem:s24], [sflag:$0x2], $0x10, s1, s23, $0xb8;
	[tilespmem:$0x198E0] =	vst v63  }
0x221: {  	_ =	swait.ge [sflag:s20], $0x800  }
0x222: {  	s19 =	smov.u32 s31;
	s1 =	sshra.s32 s30, $0x2;
	[sflag:s20] =	ssyncset.done $0x0  }
0x223: {  	s19 =	sadd.s32 $0x16160, s1;
	[sflag:s20] =	ssyncadd.s32 $0xFFFFF800  }
0x224: {  	[tilespmem:s24], [sflag:$0x1] =	stream.indirect.gather [hbm4b:s0+s23], $0x10, s19, s23, $0xb8;
	[tilespmem:$0x198E0] =	vst v63  }
0x225: {  	_ =	swait.ge [sflag:s25], $0x800  }
0x226: {  	[sflag:s25] =	ssyncset.done $0x0  }
0x227: {  	s31 =	sadd.s32 $0x139E0, s1;
	[sflag:s25] =	ssyncadd.s32 $0xFFFFF800  }
0x228: {  	[spmem:s2] =	stream.indirect.scatter.add.f32 [tilespmem:s24], [sflag:$0x2], $0x10, s31, s23, $0xb8;
	[tilespmem:$0x198E0] =	vst v63  }
0x229: {  	_ =	swait.ge [sflag:s20], $0x800  }
0x22a: {  	[sflag:s20] =	ssyncset.done $0x0  }
0x22b: {  	[sflag:s20] =	ssyncadd.s32 $0xFFFFF800  }
0x22c: {  	[bflag:$0x0] =	sbarrier.arrive $0xFFFF  }
0x22d: {  	s1 =	simm.s32 @!p0 $0x1C02;
	s19 =	simm.s32 @!p0 $0x2;
	[bflag:$0x0] =	sbarrier.arrive @p0 $0xFFFF  }
0x22e: {  	[hbm:s14], [sflag:s1] =	dma.local @!p0 [spmem:s29], $0x186A0  }
0x22f: {  	_ =	swait.ge @!p0 [sflag:s19], $0x186A0  }
0x230: {  	[sflag:s19] =	ssyncset.done @!p0 $0x0  }
0x231: {  	[sflag:s19] =	ssyncadd.s32 @!p0 $0xFFFE7960  }
0x232: {  	[bflag:$0x0] =	sbarrier.arrive @!p0 $0xFFFF  }
0x233: {  	[spmem:s29], [sflag:s1] =	dma.local @!p0 [hbm:s4], $0x186C0  }
0x234: {  	_ =	swait.ge @!p0 [sflag:s19], $0x186C0  }
0x235: {  	[sflag:s19] =	ssyncset.done @!p0 $0x0  }
0x236: {  	[sflag:s19] =	ssyncadd.s32 @!p0 $0xFFFE7940  }
0x237: {  	s19 =	simm.s32 $0x0;
	[bflag:$0x0] =	sbarrier.arrive $0xFFFF  }
0x238: {  	v2 =	vld [tilespmem:s19+$0xC3D0]  }
0x239: {  	v5 =	vld [tilespmem:s19+$0xC360]  }
0x23a: {  	v6 =	vld [tilespmem:s19+$0xC370]  }
0x23b: {  	v4 =	vld [tilespmem:s19+$0xC380]  }
0x23c: {  	v3 =	vld [tilespmem:s19+$0xC390]  }
0x23d: {  	v1 =	vld [tilespmem:s19+$0xC3A0];
	v7 =	vadd.s32 $0x11170, v2  }
0x23e: {  	v2 =	vld [tilespmem:s19+$0xC3B0];
	v5 =	vadd.s32 $0x11170, v5;
	[tilespmem:s19+$0x161D0] =	vst v7  }
0x23f: {  	s21 =	simm.s32 $0x400;
	s1 =	simm.s32 $0x80;
	v6 =	vadd.s32 $0x11170, v6;
	[tilespmem:s19+$0x16160] =	vst v5;
	v5 =	vld [tilespmem:s19+$0xC3C0]  }
.LBB2_32:
0x240: {  	p1 =	sne.s32 s21, $0x9C00;
	v7 =	vld [tilespmem:s1+$0xC3D0];
	[tilespmem:s19+$0x16170] =	vst v6;
	v4 =	vadd.s32 $0x11170, v4  }
0x241: {  	v6 =	vld [tilespmem:s1+$0xC360];
	[tilespmem:s19+$0x16180] =	vst v4;
	v3 =	vadd.s32 $0x11170, v3  }
0x242: {  	v8 =	vld [tilespmem:s1+$0xC370];
	[tilespmem:s19+$0x16190] =	vst v3;
	v1 =	vadd.s32 $0x11170, v1  }
.Ltmp15:
0x243: {  	v4 =	vld [tilespmem:s1+$0xC380];
	[tilespmem:s19+$0x161A0] =	vst v1;
	v1 =	vadd.s32 $0x11170, v2;
	(pc) =	sbr.rel @p1 .LBB2_32-.Ltmp15, $4  }
0x244: {  	v3 =	vld [tilespmem:s1+$0xC390];
	[tilespmem:s19+$0x161B0] =	vst v1;
	v2 =	vadd.s32 $0x11170, v5  }
0x245: {  	v1 =	vld [tilespmem:s1+$0xC3A0];
	v5 =	vadd.s32 $0x11170, v7;
	[tilespmem:s19+$0x161C0] =	vst v2;
	s19 =	smov.u32 s1  }
0x246: {  	v6 =	vadd.s32 $0x11170, v6;
	v2 =	vld [tilespmem:s19+$0xC3B0];
	[tilespmem:s19+$0x161D0] =	vst v5  }
0x247: {  	s1 =	sshra.s32 s21, $0x2;
	s21 =	sadd.s32 $0x200, s21;
	[tilespmem:s19+$0x16160] =	vst v6;
	v6 =	vadd.s32 $0x11170, v8;
	v5 =	vld [tilespmem:s19+$0xC3C0]  }
0x248: {  	v7 =	vld [tilespmem:s1+$0xC3D0];
	[tilespmem:s19+$0x16170] =	vst v6;
	v4 =	vadd.s32 $0x11170, v4  }
0x249: {  	v6 =	vld [tilespmem:s1+$0xC360];
	[tilespmem:s19+$0x16180] =	vst v4;
	v3 =	vadd.s32 $0x11170, v3  }
0x24a: {  	v4 =	vld [tilespmem:s1+$0xC370];
	[tilespmem:s19+$0x16190] =	vst v3;
	v1 =	vadd.s32 $0x11170, v1  }
0x24b: {  	v3 =	vld [tilespmem:s1+$0xC380];
	[tilespmem:s19+$0x161A0] =	vst v1;
	v1 =	vadd.s32 $0x11170, v2  }
0x24c: {  	v2 =	vld [tilespmem:s1+$0xC390];
	[tilespmem:s19+$0x161B0] =	vst v1;
	v1 =	vadd.s32 $0x11170, v5  }
0x24d: {  	v61 =	vld [tilespmem:s1+$0xC3A0];
	[tilespmem:s19+$0x161C0] =	vst v1;
	v1 =	vadd.s32 $0x11170, v7  }
0x24e: {  	v62 =	vld [tilespmem:s1+$0xC3B0];
	v6 =	vadd.s32 $0x11170, v6;
	[tilespmem:s1+$0x161D0] =	vst v1  }
0x24f: {  	v63 =	vld [tilespmem:s1+$0xC3C0];
	[tilespmem:s1+$0x16160] =	vst v6;
	v1 =	vadd.s32 $0x11170, v4  }
0x250: {  	[tilespmem:s1+$0x16170] =	vst v1;
	v1 =	vadd.s32 $0x11170, v3  }
0x251: {  	[tilespmem:s1+$0x16180] =	vst v1;
	v1 =	vadd.s32 $0x11170, v2  }
0x252: {  	[tilespmem:s1+$0x16190] =	vst v1;
	v1 =	vadd.s32 $0x11170, v61  }
0x253: {  	[tilespmem:s1+$0x161A0] =	vst v1;
	v1 =	vadd.s32 $0x11170, v62  }
0x254: {  	[tilespmem:s1+$0x161B0] =	vst v1;
	v1 =	vadd.s32 $0x11170, v63  }
0x255: {  	s30 =	simm.s32 $0x16160;
	[tilespmem:s1+$0x161C0] =	vst v1  }
0x256: {  	[tilespmem:s24], [sflag:$0x1] =	stream.indirect.gather [hbm4b:s0+s23], $0x10, s30, s23, $0xb8;
	[tilespmem:$0x198E0] =	vst v63  }
0x257: {  	_ =	swait.ge [sflag:s25], $0x800  }
0x258: {  	[sflag:s25] =	ssyncset.done $0x0  }
0x259: {  	s31 =	simm.s32 $0x139E0;
	[sflag:s25] =	ssyncadd.s32 $0xFFFFF800  }
0x25a: {  	[spmem:s2] =	stream.indirect.scatter.add.f32 [tilespmem:s24], [sflag:$0x2], $0x10, s31, s23, $0xb8;
	[tilespmem:$0x198E0] =	vst v63  }
0x25b: {  	_ =	swait.ge [sflag:s20], $0x800  }
0x25c: {  	s19 =	simm.s32 $0x400;
	s1 =	simm.s32 $0x80;
	[sflag:s20] =	ssyncset.done $0x0  }
.LBB2_34:
0x25d: {  	s21 =	sadd.s32 $0x16160, s1  }
0x25e: {  	[sflag:s20] =	ssyncadd.s32 $0xFFFFF800;
	s30 =	smov.u32 s19;
	s31 =	sadd.s32 $0x200, s19  }
0x25f: {  	[tilespmem:s24], [sflag:$0x1] =	stream.indirect.gather [hbm4b:s0+s23], $0x10, s21, s23, $0xb8;
	[tilespmem:$0x198E0] =	vst v63  }
0x260: {  	p1 =	sne.s32 s19, $0x9C00;
	_ =	swait.ge [sflag:s25], $0x800  }
.Ltmp16:
0x261: {  	[sflag:s25] =	ssyncset.done $0x0;
	(pc) =	sbr.rel @p1 .LBB2_34-.Ltmp16, $4  }
0x262: {  	s1 =	sadd.s32 $0x139E0, s1;
	[sflag:s25] =	ssyncadd.s32 $0xFFFFF800  }
0x263: {  	[spmem:s2] =	stream.indirect.scatter.add.f32 [tilespmem:s24], [sflag:$0x2], $0x10, s1, s23, $0xb8;
	[tilespmem:$0x198E0] =	vst v63  }
0x264: {  	_ =	swait.ge [sflag:s20], $0x800  }
0x265: {  	s19 =	smov.u32 s31;
	s1 =	sshra.s32 s30, $0x2;
	[sflag:s20] =	ssyncset.done $0x0  }
0x266: {  	s19 =	sadd.s32 $0x16160, s1;
	[sflag:s20] =	ssyncadd.s32 $0xFFFFF800  }
0x267: {  	[tilespmem:s24], [sflag:$0x1] =	stream.indirect.gather [hbm4b:s0+s23], $0x10, s19, s23, $0xb8;
	[tilespmem:$0x198E0] =	vst v63  }
0x268: {  	_ =	swait.ge [sflag:s25], $0x800  }
0x269: {  	[sflag:s25] =	ssyncset.done $0x0  }
0x26a: {  	s31 =	sadd.s32 $0x139E0, s1;
	[sflag:s25] =	ssyncadd.s32 $0xFFFFF800  }
0x26b: {  	[spmem:s2] =	stream.indirect.scatter.add.f32 [tilespmem:s24], [sflag:$0x2], $0x10, s31, s23, $0xb8;
	[tilespmem:$0x198E0] =	vst v63  }
0x26c: {  	_ =	swait.ge [sflag:s20], $0x800  }
0x26d: {  	[sflag:s20] =	ssyncset.done $0x0  }
0x26e: {  	[sflag:s20] =	ssyncadd.s32 $0xFFFFF800  }
0x26f: {  	s1 =	simm.s32 @!p0 $0x1C02;
	[bflag:$0x0] =	sbarrier.arrive $0xFFFF  }
0x270: {  	[hbm:s15], [sflag:s1] =	dma.local @!p0 [spmem:s29], $0x186A0  }
0x271: {  	s1 =	simm.s32 @!p0 $0x2  }
0x272: {  	_ =	swait.ge @!p0 [sflag:s1], $0x186A0  }
0x273: {  	[sflag:s1] =	ssyncset.done @!p0 $0x0  }
0x274: {  	[sflag:s1] =	ssyncadd.s32 @!p0 $0xFFFE7960  }
0x275: {  	s19 =	simm.s32 $0x0;
	s1 =	simm.s32 $0x40;
	[bflag:$0x0] =	sbarrier.arrive $0xFFFF  }
.LBB2_36:
0x276: {  	p1 =	sne.s32 s1, $0x1FC0;
	[tilespmem:s19+$0x190E0] =	vst v0;
	s19 =	smov.u32 s1;
	s1 =	sadd.s32 $0x40, s1  }
.Ltmp17:
0x277: {  	(pc) =	sbr.rel @p1 .LBB2_36-.Ltmp17, $2  }
0x278: {  	_ =	sdelay $0x2  }
0x279: {  	s19 =	sshra.s32 s19, $0x2  }
0x27a: {  	[tilespmem:s19+$0x190E0] =	vst v0;
	s1 =	simm.s32 @!p0 $0x1C02  }
0x27b: {  	[spmem:s29], [sflag:s1] =	dma.local @!p0 [hbm:s4], $0x13890  }
0x27c: {  	s1 =	simm.s32 @!p0 $0x2  }
0x27d: {  	_ =	swait.ge @!p0 [sflag:s1], $0x13890  }
0x27e: {  	[sflag:s1] =	ssyncset.done @!p0 $0x0  }
0x27f: {  	[sflag:s1] =	ssyncadd.s32 @!p0 $0xFFFEC770  }
0x280: {  	s30 =	simm.s32 $0x0;
	[bflag:$0x0] =	sbarrier.arrive $0xFFFF  }
0x281: {  	v1 =	vld [tilespmem:s30+$0xEB50]  }
0x282: {  	v2 =	vld [tilespmem:s30+$0x112D0]  }
0x283: {  	v3 =	vld [tilespmem:s30+$0xEAE0]  }
0x284: {  	v4 =	vld [tilespmem:s30+$0xEAF0]  }
0x285: {  	v5 =	vld [tilespmem:s30+$0xEB00]  }
0x286: {  	v6 =	vld [tilespmem:s30+$0xEB10]  }
0x287: {  	v8 =	vld [tilespmem:s30+$0xEB20]  }
0x288: {  	v13 =	vld [tilespmem:s30+$0x11260]  }
0x289: {  	v14 =	vld [tilespmem:s30+$0x11270]  }
0x28a: {  	v11 =	vld [tilespmem:s30+$0xEB30]  }
0x28b: {  	v12 =	vld [tilespmem:s30+$0xEB40];
	v1 =	vshll.u32 v1, $0x3;
	vm0 =	vlt.s32 v2, $0x8  }
0x28c: {  	v10 =	vld [tilespmem:s30+$0x11280];
	v15 =	vshll.u32 v3, $0x3;
	v16 =	vshll.u32 v4, $0x3;
	v9 =	vshll.u32 v5, $0x3  }
0x28d: {  	v7 =	vld [tilespmem:s30+$0x11290];
	v4 =	vshll.u32 v6, $0x3;
	v3 =	vshll.u32 v8, $0x3;
	v1 =	vadd.s32 v2, v1  }
0x28e: {  	v5 =	vld [tilespmem:s30+$0x112A0];
	vm1 =	vlt.s32 v14, $0x8;
	v8 =	vadd.s32 v13, v15;
	v1 =	vmin.u32 v1, $0x9C40  }
0x28f: {  	v6 =	vld [tilespmem:s30+$0x112B0];
	v2 =	vshll.u32 v11, $0x3;
	v11 =	vmin.u32 v8, $0x9C40;
	v1 =	vnsel vm0, $0x9C40, v1  }
0x290: {  	s31 =	simm.s32 $0x80;
	s19 =	simm.s32 $0x400;
	s1 =	simm.s32 $0x200;
	v8 =	vld [tilespmem:s30+$0x112C0];
	vm0 =	vlt.s32 v13, $0x8;
	[tilespmem:s30+$0x161D0] =	vst v1;
	v1 =	vshll.u32 v12, $0x3;
	v12 =	vadd.s32 v14, v16  }
.LBB2_38:
0x291: {  	p1 =	sne.s32 s19, $0x9C00;
	v13 =	vld [tilespmem:s31+$0xEB50];
	v12 =	vmin.u32 v12, $0x9C40;
	v9 =	vadd.s32 v10, v9;
	vm6 =	vlt.s32 v10, $0x8  }
0x292: {  	v10 =	vld [tilespmem:s31+$0x112D0];
	v9 =	vmin.u32 v9, $0x9C40;
	v4 =	vadd.s32 v7, v4;
	vm2 =	vlt.s32 v7, $0x8  }
0x293: {  	v7 =	vld [tilespmem:s31+$0xEAE0];
	v4 =	vmin.u32 v4, $0x9C40;
	v3 =	vadd.s32 v5, v3;
	vm3 =	vlt.s32 v5, $0x8  }
0x294: {  	v5 =	vld [tilespmem:s31+$0xEAF0];
	v3 =	vmin.u32 v3, $0x9C40;
	v2 =	vadd.s32 v6, v2;
	vm4 =	vlt.s32 v6, $0x8  }
0x295: {  	v6 =	vld [tilespmem:s31+$0xEB00];
	v2 =	vmin.u32 v2, $0x9C40;
	v1 =	vadd.s32 v8, v1;
	vm5 =	vlt.s32 v8, $0x8  }
0x296: {  	v11 =	vnsel vm0, $0x9C40, v11;
	v8 =	vld [tilespmem:s31+$0xEB10];
	v13 =	vshll.u32 v13, $0x3;
	v1 =	vmin.u32 v1, $0x9C40  }
0x297: {  	v9 =	vnsel vm6, $0x9C40, v9;
	v14 =	vld [tilespmem:s31+$0xEB20];
	v13 =	vadd.s32 v10, v13;
	[tilespmem:s30+$0x16160] =	vst v11;
	v11 =	vnsel vm1, $0x9C40, v12  }
0x298: {  	vm0 =	vlt.s32 v10, $0x8;
	v12 =	vshll.u32 v7, $0x3;
	v15 =	vld [tilespmem:s31+$0xEB30];
	v7 =	vmin.u32 v13, $0x9C40;
	[tilespmem:s30+$0x16170] =	vst v11  }
0x299: {  	v13 =	vshll.u32 v5, $0x3;
	v11 =	vld [tilespmem:s31+$0xEB40];
	v5 =	vnsel vm0, $0x9C40, v7;
	[tilespmem:s30+$0x16180] =	vst v9;
	v7 =	vnsel vm2, $0x9C40, v4  }
0x29a: {  	v16 =	vld [tilespmem:s31+$0x11260];
	v9 =	vshll.u32 v6, $0x3;
	[tilespmem:s31+$0x161D0] =	vst v5;
	v5 =	vnsel vm3, $0x9C40, v3;
	v6 =	vnsel vm4, $0x9C40, v2  }
0x29b: {  	v17 =	vld [tilespmem:s31+$0x11270];
	v4 =	vshll.u32 v8, $0x3;
	[tilespmem:s30+$0x16190] =	vst v7;
	v8 =	vnsel vm5, $0x9C40, v1  }
.Ltmp18:
0x29c: {  	v10 =	vld [tilespmem:s31+$0x11280];
	v3 =	vshll.u32 v14, $0x3;
	[tilespmem:s30+$0x161A0] =	vst v5;
	(pc) =	sbr.rel @p1 .LBB2_38-.Ltmp18, $4  }
0x29d: {  	v7 =	vld [tilespmem:s31+$0x11290];
	v2 =	vshll.u32 v15, $0x3;
	[tilespmem:s30+$0x161B0] =	vst v6  }
0x29e: {  	v5 =	vld [tilespmem:s31+$0x112A0];
	v1 =	vshll.u32 v11, $0x3;
	[tilespmem:s30+$0x161C0] =	vst v8;
	s30 =	smov.u32 s31  }
0x29f: {  	v8 =	vadd.s32 v16, v12;
	vm0 =	vlt.s32 v16, $0x8;
	v6 =	vld [tilespmem:s30+$0x112B0]  }
0x2a0: {  	s31 =	sshra.s32 s19, $0x2;
	s19 =	sadd.s32 $0x200, s19;
	v11 =	vmin.u32 v8, $0x9C40;
	v12 =	vadd.s32 v17, v13;
	vm1 =	vlt.s32 v17, $0x8;
	v8 =	vld [tilespmem:s30+$0x112C0]  }
0x2a1: {  	v13 =	vld [tilespmem:s31+$0xEB50]  }
0x2a2: {  	v14 =	vld [tilespmem:s31+$0x112D0]  }
0x2a3: {  	v15 =	vld [tilespmem:s31+$0xEAE0]  }
0x2a4: {  	v16 =	vld [tilespmem:s31+$0xEAF0];
	v11 =	vnsel vm0, $0x9C40, v11;
	v12 =	vmin.u32 v12, $0x9C40  }
0x2a5: {  	v17 =	vld [tilespmem:s31+$0xEB00];
	v9 =	vadd.s32 v10, v9;
	vm5 =	vlt.s32 v10, $0x8;
	v47 =	vnsel vm1, $0x9C40, v12  }
0x2a6: {  	v18 =	vld [tilespmem:s31+$0xEB10];
	v9 =	vmin.u32 v9, $0x9C40;
	v4 =	vadd.s32 v7, v4;
	vm7 =	vlt.s32 v7, $0x8  }
0x2a7: {  	v19 =	vld [tilespmem:s31+$0xEB20];
	[tilespmem:s30+$0x16160] =	vst v11;
	v9 =	vnsel vm5, $0x9C40, v9;
	v4 =	vmin.u32 v4, $0x9C40;
	v49 =	vshll.u32 v13, $0x3  }
0x2a8: {  	v48 =	vld [tilespmem:s31+$0xEB30];
	[tilespmem:s30+$0x16170] =	vst v47;
	v3 =	vadd.s32 v5, v3;
	vm8 =	vlt.s32 v5, $0x8;
	v10 =	vadd.s32 v14, v49  }
0x2a9: {  	v11 =	vld [tilespmem:s31+$0xEB40];
	[tilespmem:s30+$0x16180] =	vst v9;
	v4 =	vnsel vm7, $0x9C40, v4;
	vm6 =	vlt.s32 v14, $0x8;
	v10 =	vmin.u32 v10, $0x9C40  }
0x2aa: {  	v3 =	vmin.u32 v3, $0x9C40;
	v2 =	vadd.s32 v6, v2;
	v51 =	vld [tilespmem:s31+$0x11260];
	v50 =	vnsel vm6, $0x9C40, v10  }
0x2ab: {  	vm9 =	vlt.s32 v6, $0x8;
	v52 =	vld [tilespmem:s31+$0x11270];
	v1 =	vadd.s32 v8, v1;
	v3 =	vnsel vm8, $0x9C40, v3;
	[tilespmem:s31+$0x161D0] =	vst v50  }
0x2ac: {  	v2 =	vmin.u32 v2, $0x9C40;
	vm10 =	vlt.s32 v8, $0x8;
	v1 =	vmin.u32 v1, $0x9C40;
	[tilespmem:s30+$0x16190] =	vst v4  }
0x2ad: {  	v53 =	vshll.u32 v16, $0x3;
	v2 =	vnsel vm9, $0x9C40, v2;
	v55 =	vshll.u32 v17, $0x3;
	v4 =	vld [tilespmem:s31+$0x11280];
	[tilespmem:s30+$0x161A0] =	vst v3  }
0x2ae: {  	v56 =	vshll.u32 v18, $0x3;
	v1 =	vnsel vm10, $0x9C40, v1;
	v3 =	vshll.u32 v15, $0x3;
	v54 =	vld [tilespmem:s31+$0x11290];
	[tilespmem:s30+$0x161B0] =	vst v2  }
0x2af: {  	v12 =	vshll.u32 v48, $0x3;
	v11 =	vshll.u32 v11, $0x3;
	v3 =	vadd.s32 v51, v3;
	v57 =	vld [tilespmem:s31+$0x112A0]  }
0x2b0: {  	vm11 =	vlt.s32 v51, $0x8;
	v5 =	vadd.s32 v52, v53;
	[tilespmem:s30+$0x161C0] =	vst v1;
	v1 =	vmin.u32 v3, $0x9C40  }
0x2b1: {  	vm12 =	vlt.s32 v52, $0x8;
	v5 =	vmin.u32 v5, $0x9C40;
	v3 =	vld [tilespmem:s31+$0x112B0];
	v1 =	vnsel vm11, $0x9C40, v1  }
0x2b2: {  	v2 =	vshll.u32 v19, $0x3;
	v59 =	vld [tilespmem:s31+$0x112C0];
	[tilespmem:s31+$0x16160] =	vst v1;
	v1 =	vnsel vm12, $0x9C40, v5;
	v58 =	vadd.s32 v4, v55  }
0x2b3: {  	vm2 =	vlt.s32 v4, $0x8;
	v60 =	vmin.u32 v58, $0x9C40;
	v61 =	vadd.s32 v54, v56  }
0x2b4: {  	vm3 =	vlt.s32 v54, $0x8;
	v62 =	vmin.u32 v61, $0x9C40;
	v2 =	vadd.s32 v57, v2  }
0x2b5: {  	[tilespmem:s31+$0x16170] =	vst v1;
	vm13 =	vlt.s32 v57, $0x8;
	v4 =	vnsel vm2, $0x9C40, v60;
	v2 =	vmin.u32 v2, $0x9C40  }
0x2b6: {  	v1 =	vadd.s32 v3, v12;
	vm14 =	vlt.s32 v3, $0x8;
	[tilespmem:s31+$0x16180] =	vst v4;
	v3 =	vnsel vm3, $0x9C40, v62  }
0x2b7: {  	v63 =	vadd.s32 v59, v11;
	v1 =	vmin.u32 v1, $0x9C40;
	v2 =	vnsel vm13, $0x9C40, v2;
	[tilespmem:s31+$0x16190] =	vst v3  }
0x2b8: {  	vm15 =	vlt.s32 v59, $0x8;
	v3 =	vmin.u32 v63, $0x9C40;
	v1 =	vnsel vm14, $0x9C40, v1;
	[tilespmem:s31+$0x161A0] =	vst v2  }
0x2b9: {  	v2 =	vnsel vm15, $0x9C40, v3;
	[tilespmem:s31+$0x161B0] =	vst v1  }
0x2ba: {  	s19 =	simm.s32 $0x16160;
	[tilespmem:s31+$0x161C0] =	vst v2  }
0x2bb: {  	[spmem:s2] =	stream.indirect.scatter.add.f32 [tilespmem:s26], [sflag:$0x2], $0x10, s19, s23, $0xb8;
	[tilespmem:$0x198E0] =	vst v63  }
0x2bc: {  	_ =	swait.ge [sflag:s20], $0x800  }
.LBB2_40:
0x2bd: {  	s19 =	sshra.s32 s1, $0x2;
	[sflag:s20] =	ssyncset.done $0x0;
	p1 =	sne.s32 s1, $0x9C00  }
.Ltmp19:
0x2be: {  	s19 =	sadd.s32 $0x16160, s19;
	[sflag:s20] =	ssyncadd.s32 $0xFFFFF800;
	(pc) =	sbr.rel @p1 .LBB2_40-.Ltmp19, $3  }
0x2bf: {  	[spmem:s2] =	stream.indirect.scatter.add.f32 [tilespmem:s26], [sflag:$0x2], $0x10, s19, s23, $0xb8;
	[tilespmem:$0x198E0] =	vst v63  }
0x2c0: {  	s1 =	sadd.s32 $0x200, s1;
	_ =	sdelay $0x1  }
0x2c1: {  	_ =	swait.ge [sflag:s20], $0x800  }
0x2c2: {  	[sflag:s20] =	ssyncset.done $0x0  }
0x2c3: {  	[sflag:s20] =	ssyncadd.s32 $0xFFFFF800  }
0x2c4: {  	[bflag:$0x0] =	sbarrier.arrive $0xFFFF  }
0x2c5: {  	s1 =	simm.s32 @!p0 $0x1C02;
	s19 =	simm.s32 @!p0 $0x2;
	[bflag:$0x0] =	sbarrier.arrive @p0 $0xFFFF  }
0x2c6: {  	[hbm:s16], [sflag:s1] =	dma.local @!p0 [spmem:s29], $0x13880  }
0x2c7: {  	_ =	swait.ge @!p0 [sflag:s19], $0x13880  }
0x2c8: {  	[sflag:s19] =	ssyncset.done @!p0 $0x0  }
0x2c9: {  	[sflag:s19] =	ssyncadd.s32 @!p0 $0xFFFEC780  }
0x2ca: {  	[bflag:$0x0] =	sbarrier.arrive @!p0 $0xFFFF  }
0x2cb: {  	[spmem:s29], [sflag:s1] =	dma.local @!p0 [hbm:s4], $0x13890  }
0x2cc: {  	_ =	swait.ge @!p0 [sflag:s19], $0x13890  }
0x2cd: {  	[sflag:s19] =	ssyncset.done @!p0 $0x0  }
0x2ce: {  	[sflag:s19] =	ssyncadd.s32 @!p0 $0xFFFEC770  }
0x2cf: {  	s1 =	simm.s32 $0x0;
	[bflag:$0x0] =	sbarrier.arrive $0xFFFF  }
0x2d0: {  	v1 =	vld [tilespmem:s1+$0xEB50]  }
0x2d1: {  	v2 =	vld [tilespmem:s1+$0x112D0]  }
0x2d2: {  	v3 =	vld [tilespmem:s1+$0xEAE0]  }
0x2d3: {  	v4 =	vld [tilespmem:s1+$0xEAF0]  }
0x2d4: {  	v5 =	vld [tilespmem:s1+$0xEB00]  }
0x2d5: {  	v6 =	vld [tilespmem:s1+$0xEB10]  }
0x2d6: {  	v7 =	vld [tilespmem:s1+$0xEB20]  }
0x2d7: {  	v8 =	vld [tilespmem:s1+$0xEB30]  }
0x2d8: {  	v9 =	vld [tilespmem:s1+$0xEB40]  }
0x2d9: {  	v11 =	vld [tilespmem:s1+$0x11290]  }
0x2da: {  	v12 =	vld [tilespmem:s1+$0x112A0];
	v1 =	vshll.u32 v1, $0x3  }
0x2db: {  	v14 =	vld [tilespmem:s1+$0x112C0];
	vm0 =	vlt.s32 v2, $0x8;
	v1 =	vadd.s32 v1, v2  }
0x2dc: {  	v13 =	vld [tilespmem:s1+$0x112B0];
	v3 =	vshll.u32 v3, $0x3;
	v4 =	vshll.u32 v4, $0x3;
	v1 =	vadd.s32 $0xFFFF63C0, v1  }
0x2dd: {  	v5 =	vshll.u32 v5, $0x3;
	v6 =	vshll.u32 v6, $0x3;
	v2 =	vld [tilespmem:s1+$0x11260];
	v1 =	vmin.u32 v1, $0x9C40  }
0x2de: {  	v10 =	vld [tilespmem:s1+$0x11270];
	v7 =	vshll.u32 v7, $0x3;
	v8 =	vshll.u32 v8, $0x3;
	v1 =	vnsel vm0, $0x9C40, v1  }
0x2df: {  	s30 =	simm.s32 $0x80;
	v9 =	vshll.u32 v9, $0x3;
	vm4 =	vlt.s32 v12, $0x8;
	v6 =	vadd.s32 v6, v11;
	[tilespmem:s1+$0x161D0] =	vst v1;
	v1 =	vld [tilespmem:s1+$0x11280]  }
0x2e0: {  	vm5 =	vlt.s32 v14, $0x8;
	v7 =	vadd.s32 v7, v12;
	v6 =	vadd.s32 $0xFFFF63C0, v6;
	v15 =	vld [tilespmem:s30+$0xEB50]  }
0x2e1: {  	v8 =	vadd.s32 v8, v13;
	v7 =	vadd.s32 $0xFFFF63C0, v7;
	v6 =	vmin.u32 v6, $0x9C40;
	v16 =	vld [tilespmem:s30+$0x112D0]  }
0x2e2: {  	v23 =	vmin.u32 v7, $0x9C40;
	v7 =	vadd.s32 v9, v14;
	v17 =	vld [tilespmem:s30+$0xEAE0];
	v3 =	vadd.s32 v3, v2  }
0x2e3: {  	vm0 =	vlt.s32 v10, $0x8;
	vm1 =	vlt.s32 v2, $0x8;
	v18 =	vld [tilespmem:s30+$0xEAF0];
	v2 =	vadd.s32 $0xFFFF63C0, v3  }
0x2e4: {  	v3 =	vadd.s32 v4, v10;
	v10 =	vld [tilespmem:s30+$0xEB00];
	v2 =	vmin.u32 v2, $0x9C40;
	v4 =	vadd.s32 v5, v1  }
0x2e5: {  	v3 =	vadd.s32 $0xFFFF63C0, v3;
	v5 =	vld [tilespmem:s30+$0xEB10];
	v4 =	vadd.s32 $0xFFFF63C0, v4;
	v15 =	vshll.u32 v15, $0x3  }
0x2e6: {  	v19 =	vld [tilespmem:s30+$0xEB20];
	v3 =	vmin.u32 v3, $0x9C40;
	v20 =	vmin.u32 v4, $0x9C40;
	v4 =	vadd.s32 v15, v16  }
0x2e7: {  	vm3 =	vlt.s32 v1, $0x8;
	v3 =	vnsel vm0, $0x9C40, v3;
	v4 =	vadd.s32 $0xFFFF63C0, v4  }
0x2e8: {  	v21 =	vld [tilespmem:s30+$0xEB40];
	vm2 =	vlt.s32 v16, $0x8;
	v17 =	vshll.u32 v17, $0x3;
	v4 =	vmin.u32 v4, $0x9C40  }
0x2e9: {  	v18 =	vshll.u32 v18, $0x3;
	v16 =	vld [tilespmem:s30+$0x11260];
	v10 =	vshll.u32 v10, $0x3;
	v1 =	vnsel vm2, $0x9C40, v4  }
0x2ea: {  	v15 =	vld [tilespmem:s30+$0xEB30];
	vm2 =	vlt.s32 v11, $0x8;
	v9 =	vshll.u32 v5, $0x3;
	v5 =	vnsel vm3, $0x9C40, v20  }
0x2eb: {  	v22 =	vld [tilespmem:s30+$0x11270];
	[tilespmem:s30+$0x161D0] =	vst v1;
	v1 =	vadd.s32 $0xFFFF63C0, v8;
	v8 =	vshll.u32 v19, $0x3;
	v63 =	vnsel vm2, $0x9C40, v6  }
0x2ec: {  	v4 =	vld [tilespmem:s30+$0x11280];
	v24 =	vmin.u32 v1, $0x9C40;
	v1 =	vadd.s32 $0xFFFF63C0, v7;
	v7 =	vnsel vm1, $0x9C40, v2  }
0x2ed: {  	v6 =	vshll.u32 v21, $0x3;
	v2 =	vld [tilespmem:s30+$0x11290];
	vm1 =	vlt.s32 v13, $0x8;
	v13 =	vnsel vm4, $0x9C40, v23;
	[tilespmem:s1+$0x16160] =	vst v7  }
0x2ee: {  	v14 =	vadd.s32 v17, v16;
	vm0 =	vlt.s32 v16, $0x8;
	v12 =	vmin.u32 v1, $0x9C40;
	v1 =	vld [tilespmem:s30+$0x112A0];
	[tilespmem:s1+$0x16170] =	vst v3  }
0x2ef: {  	v7 =	vshll.u32 v15, $0x3;
	v11 =	vnsel vm1, $0x9C40, v24;
	v15 =	vadd.s32 $0xFFFF63C0, v14;
	v3 =	vld [tilespmem:s30+$0x112B0];
	[tilespmem:s1+$0x16180] =	vst v5  }
0x2f0: {  	s31 =	simm.s32 $0x200;
	s21 =	simm.s32 $0x600;
	s19 =	simm.s32 $0x100;
	v14 =	vadd.s32 v18, v22;
	vm1 =	vlt.s32 v22, $0x8;
	v12 =	vnsel vm5, $0x9C40, v12;
	v5 =	vld [tilespmem:s30+$0x112C0];
	[tilespmem:s1+$0x16190] =	vst v63  }
.LBB2_42:
0x2f1: {  	p1 =	sne.s32 s21, $0x9C00;
	v16 =	vld [tilespmem:s19+$0xEB50];
	v15 =	vmin.u32 v15, $0x9C40;
	v14 =	vadd.s32 $0xFFFF63C0, v14;
	v10 =	vadd.s32 v10, v4;
	[tilespmem:s1+$0x161A0] =	vst v13  }
0x2f2: {  	v13 =	vld [tilespmem:s19+$0x112D0];
	v14 =	vmin.u32 v14, $0x9C40;
	v10 =	vadd.s32 $0xFFFF63C0, v10;
	v9 =	vadd.s32 v9, v2;
	[tilespmem:s1+$0x161B0] =	vst v11  }
0x2f3: {  	v11 =	vld [tilespmem:s19+$0xEAE0];
	v17 =	vmin.u32 v10, $0x9C40;
	v9 =	vadd.s32 $0xFFFF63C0, v9;
	v8 =	vadd.s32 v8, v1;
	[tilespmem:s1+$0x161C0] =	vst v12;
	s1 =	smov.u32 s30;
	s30 =	smov.u32 s19  }
0x2f4: {  	v10 =	vld [tilespmem:s30+$0xEAF0];
	v12 =	vmin.u32 v9, $0x9C40;
	v8 =	vadd.s32 $0xFFFF63C0, v8;
	v7 =	vadd.s32 v7, v3  }
0x2f5: {  	v9 =	vld [tilespmem:s30+$0xEB00];
	v18 =	vmin.u32 v8, $0x9C40;
	v7 =	vadd.s32 $0xFFFF63C0, v7;
	v6 =	vadd.s32 v6, v5  }
0x2f6: {  	v8 =	vld [tilespmem:s30+$0xEB10];
	v16 =	vshll.u32 v16, $0x3;
	v19 =	vmin.u32 v7, $0x9C40;
	v6 =	vadd.s32 $0xFFFF63C0, v6  }
0x2f7: {  	vm2 =	vlt.s32 v4, $0x8;
	v7 =	vld [tilespmem:s30+$0xEB20];
	v16 =	vadd.s32 v16, v13;
	v20 =	vmin.u32 v6, $0x9C40  }
0x2f8: {  	vm3 =	vlt.s32 v2, $0x8;
	v21 =	vshll.u32 v11, $0x3;
	v6 =	vld [tilespmem:s30+$0xEB30];
	v4 =	vadd.s32 $0xFFFF63C0, v16  }
0x2f9: {  	vm4 =	vlt.s32 v13, $0x8;
	v16 =	vshll.u32 v10, $0x3;
	v11 =	vld [tilespmem:s30+$0xEB40];
	v2 =	vmin.u32 v4, $0x9C40  }
0x2fa: {  	v22 =	vld [tilespmem:s30+$0x11260];
	v10 =	vshll.u32 v9, $0x3;
	v2 =	vnsel vm4, $0x9C40, v2;
	vm4 =	vlt.s32 v1, $0x8  }
0x2fb: {  	vm5 =	vlt.s32 v3, $0x8;
	vm6 =	vlt.s32 v5, $0x8;
	v23 =	vld [tilespmem:s30+$0x11270];
	v9 =	vshll.u32 v8, $0x3;
	[tilespmem:s30+$0x161D0] =	vst v2  }
.Ltmp20:
0x2fc: {  	v3 =	vnsel vm1, $0x9C40, v14;
	v1 =	vnsel vm0, $0x9C40, v15;
	v4 =	vld [tilespmem:s30+$0x11280];
	v8 =	vshll.u32 v7, $0x3;
	(pc) =	sbr.rel @p1 .LBB2_42-.Ltmp20, $4  }
0x2fd: {  	v5 =	vnsel vm2, $0x9C40, v17;
	v17 =	vnsel vm3, $0x9C40, v12;
	v2 =	vld [tilespmem:s30+$0x11290];
	v7 =	vshll.u32 v6, $0x3;
	[tilespmem:s1+$0x16160] =	vst v1  }
0x2fe: {  	v13 =	vnsel vm4, $0x9C40, v18;
	v1 =	vld [tilespmem:s30+$0x112A0];
	v6 =	vshll.u32 v11, $0x3;
	[tilespmem:s1+$0x16170] =	vst v3;
	v11 =	vnsel vm5, $0x9C40, v19  }
0x2ff: {  	v12 =	vnsel vm6, $0x9C40, v20;
	v14 =	vadd.s32 v21, v22;
	vm0 =	vlt.s32 v22, $0x8;
	v3 =	vld [tilespmem:s30+$0x112B0];
	[tilespmem:s1+$0x16180] =	vst v5  }
0x300: {  	s19 =	sshra.s32 s21, $0x2;
	s21 =	sadd.s32 $0x200, s21;
	v15 =	vadd.s32 $0xFFFF63C0, v14;
	v14 =	vadd.s32 v16, v23;
	vm1 =	vlt.s32 v23, $0x8;
	v5 =	vld [tilespmem:s30+$0x112C0];
	[tilespmem:s1+$0x16190] =	vst v17  }
0x301: {  	v16 =	vld [tilespmem:s19+$0xEB50];
	[tilespmem:s1+$0x161A0] =	vst v13  }
0x302: {  	v13 =	vld [tilespmem:s19+$0x112D0];
	[tilespmem:s1+$0x161B0] =	vst v11  }
0x303: {  	v41 =	vmin.u32 v15, $0x9C40;
	v10 =	vadd.s32 v10, v4;
	v11 =	vld [tilespmem:s19+$0xEAE0];
	[tilespmem:s1+$0x161C0] =	vst v12  }
0x304: {  	v14 =	vadd.s32 $0xFFFF63C0, v14;
	vm2 =	vlt.s32 v4, $0x8;
	v10 =	vadd.s32 $0xFFFF63C0, v10;
	v42 =	vld [tilespmem:s19+$0xEAF0]  }
0x305: {  	v9 =	vadd.s32 v9, v2;
	v14 =	vmin.u32 v14, $0x9C40;
	vm4 =	vlt.s32 v2, $0x8;
	v17 =	vld [tilespmem:s19+$0xEB00]  }
0x306: {  	v10 =	vmin.u32 v10, $0x9C40;
	v9 =	vadd.s32 $0xFFFF63C0, v9;
	v8 =	vadd.s32 v8, v1;
	v18 =	vld [tilespmem:s19+$0xEB10]  }
0x307: {  	vm15 =	vlt.s32 v1, $0x8;
	v9 =	vmin.u32 v9, $0x9C40;
	v19 =	vld [tilespmem:s19+$0xEB20];
	v8 =	vadd.s32 $0xFFFF63C0, v8  }
0x308: {  	v7 =	vadd.s32 v7, v3;
	v20 =	vld [tilespmem:s19+$0xEB30];
	vm5 =	vlt.s32 v3, $0x8;
	v3 =	vnsel vm0, $0x9C40, v41  }
0x309: {  	v44 =	vld [tilespmem:s19+$0xEB40];
	v10 =	vnsel vm2, $0x9C40, v10;
	v7 =	vadd.s32 $0xFFFF63C0, v7;
	v6 =	vadd.s32 v6, v5  }
0x30a: {  	v45 =	vld [tilespmem:s19+$0x11260];
	vm8 =	vlt.s32 v5, $0x8;
	v9 =	vnsel vm4, $0x9C40, v9;
	v16 =	vshll.u32 v16, $0x3  }
0x30b: {  	v46 =	vld [tilespmem:s19+$0x11270];
	v6 =	vadd.s32 $0xFFFF63C0, v6;
	v7 =	vmin.u32 v7, $0x9C40;
	v16 =	vadd.s32 v16, v13  }
0x30c: {  	v1 =	vld [tilespmem:s19+$0x11280];
	vm3 =	vlt.s32 v13, $0x8;
	v6 =	vmin.u32 v6, $0x9C40;
	v43 =	vadd.s32 $0xFFFF63C0, v16  }
0x30d: {  	v50 =	vld [tilespmem:s19+$0x11290];
	v47 =	vshll.u32 v11, $0x3;
	v6 =	vnsel vm8, $0x9C40, v6;
	v4 =	vmin.u32 v43, $0x9C40  }
0x30e: {  	v48 =	vshll.u32 v42, $0x3;
	v49 =	vshll.u32 v17, $0x3;
	v51 =	vshll.u32 v18, $0x3  }
0x30f: {  	v52 =	vshll.u32 v19, $0x3;
	v53 =	vshll.u32 v20, $0x3;
	v2 =	vnsel vm3, $0x9C40, v4  }
0x310: {  	v16 =	vshll.u32 v44, $0x3;
	v55 =	vadd.s32 v47, v45;
	vm9 =	vlt.s32 v45, $0x8;
	[tilespmem:s19+$0x161D0] =	vst v2  }
0x311: {  	vm10 =	vlt.s32 v46, $0x8;
	vm11 =	vlt.s32 v1, $0x8;
	[tilespmem:s30+$0x16160] =	vst v3;
	v3 =	vnsel vm1, $0x9C40, v14  }
0x312: {  	vm12 =	vlt.s32 v50, $0x8;
	v57 =	vadd.s32 v48, v46;
	v2 =	vmin.u32 v8, $0x9C40;
	v54 =	vld [tilespmem:s19+$0x112A0];
	[tilespmem:s30+$0x16170] =	vst v3  }
0x313: {  	v59 =	vadd.s32 v49, v1;
	v60 =	vadd.s32 v51, v50;
	v2 =	vnsel vm15, $0x9C40, v2;
	v56 =	vld [tilespmem:s19+$0x112B0];
	[tilespmem:s30+$0x16180] =	vst v10  }
0x314: {  	v3 =	vnsel vm5, $0x9C40, v7;
	v7 =	vadd.s32 $0xFFFF63C0, v55;
	v10 =	vadd.s32 $0xFFFF63C0, v57;
	v58 =	vld [tilespmem:s19+$0x112C0];
	[tilespmem:s30+$0x16190] =	vst v9  }
0x315: {  	v61 =	vadd.s32 $0xFFFF63C0, v60;
	v7 =	vmin.u32 v7, $0x9C40;
	v10 =	vmin.u32 v10, $0x9C40;
	[tilespmem:s30+$0x161A0] =	vst v2  }
0x316: {  	v2 =	vadd.s32 $0xFFFF63C0, v59;
	[tilespmem:s30+$0x161B0] =	vst v3;
	v3 =	vmin.u32 v61, $0x9C40;
	v7 =	vnsel vm9, $0x9C40, v7  }
0x317: {  	[tilespmem:s30+$0x161C0] =	vst v6;
	v2 =	vmin.u32 v2, $0x9C40;
	v1 =	vnsel vm10, $0x9C40, v10;
	v3 =	vnsel vm12, $0x9C40, v3  }
0x318: {  	[tilespmem:s19+$0x16160] =	vst v7;
	v2 =	vnsel vm11, $0x9C40, v2;
	v5 =	vadd.s32 v52, v54;
	vm13 =	vlt.s32 v54, $0x8  }
0x319: {  	[tilespmem:s19+$0x16170] =	vst v1;
	v5 =	vadd.s32 $0xFFFF63C0, v5;
	v62 =	vadd.s32 v53, v56;
	vm14 =	vlt.s32 v56, $0x8  }
0x31a: {  	[tilespmem:s19+$0x16190] =	vst v3;
	v5 =	vmin.u32 v5, $0x9C40;
	v6 =	vadd.s32 $0xFFFF63C0, v62;
	v63 =	vadd.s32 v16, v58  }
0x31b: {  	[tilespmem:s19+$0x16180] =	vst v2;
	v1 =	vmin.u32 v6, $0x9C40;
	v2 =	vadd.s32 $0xFFFF63C0, v63;
	v5 =	vnsel vm13, $0x9C40, v5  }
0x31c: {  	vm15 =	vlt.s32 v58, $0x8;
	v2 =	vmin.u32 v2, $0x9C40;
	v1 =	vnsel vm14, $0x9C40, v1;
	[tilespmem:s19+$0x161A0] =	vst v5  }
0x31d: {  	v2 =	vnsel vm15, $0x9C40, v2;
	[tilespmem:s19+$0x161B0] =	vst v1  }
0x31e: {  	s30 =	simm.s32 $0x16160;
	[tilespmem:s19+$0x161C0] =	vst v2  }
0x31f: {  	[spmem:s2] =	stream.indirect.scatter.add.f32 [tilespmem:s26], [sflag:$0x2], $0x10, s30, s23, $0xb8;
	[tilespmem:$0x198E0] =	vst v63  }
0x320: {  	_ =	swait.ge [sflag:s20], $0x800  }
.LBB2_44:
0x321: {  	s1 =	sshra.s32 s31, $0x2;
	[sflag:s20] =	ssyncset.done $0x0;
	p1 =	sne.s32 s31, $0x9C00  }
.Ltmp21:
0x322: {  	s1 =	sadd.s32 $0x16160, s1;
	[sflag:s20] =	ssyncadd.s32 $0xFFFFF800;
	(pc) =	sbr.rel @p1 .LBB2_44-.Ltmp21, $3  }
0x323: {  	[spmem:s2] =	stream.indirect.scatter.add.f32 [tilespmem:s26], [sflag:$0x2], $0x10, s1, s23, $0xb8;
	[tilespmem:$0x198E0] =	vst v63  }
0x324: {  	s31 =	sadd.s32 $0x200, s31;
	_ =	sdelay $0x1  }
0x325: {  	_ =	swait.ge [sflag:s20], $0x800  }
0x326: {  	[sflag:s20] =	ssyncset.done $0x0  }
0x327: {  	[sflag:s20] =	ssyncadd.s32 $0xFFFFF800  }
0x328: {  	s1 =	simm.s32 @!p0 $0x1C02;
	s28 =	sadd.s32 $0x1, s28;
	[bflag:$0x0] =	sbarrier.arrive $0xFFFF  }
0x329: {  	[hbm:s17], [sflag:s1] =	dma.local @!p0 [spmem:s29], $0x13880  }
0x32a: {  	p1 =	sne.s32 s28, s18;
	s1 =	simm.s32 @!p0 $0x2  }
.Ltmp22:
0x32b: {  	_ =	swait.ge @!p0 [sflag:s1], $0x13880;
	(pc) =	sbr.rel @p1 .LBB2_1-.Ltmp22, $3  }
0x32c: {  	[sflag:s1] =	ssyncset.done @!p0 $0x0  }
0x32d: {  	[sflag:s1] =	ssyncadd.s32 @!p0 $0xFFFEC780  }
0x32e: {  	[bflag:$0x0] =	sbarrier.arrive $0xFFFF;
	_ =	sdelay $0x1  }
0x32f: {  	_ =	sfence.sel $0x180000  }
0x330: {  	[bflag:$0x0] =	sbarrier.arrive $0xFFFF  }
0x331: {  	_ =	strace $0x90000047  }
0x332: {  	[bflag:$0x2] =	sbarrier.arrive $0xFFFF  }
0x333: {  	s0 =	rddreg [dreg:$0x3]  }
0x334: {  	s0 =	sadd.s32 @!p0 $0x100000, s0  }
0x335: {  	[sflag:s0] =	ssyncadd.tile.s32 @!p0 $0x1;
	_ =	shalt  }
.Lfunc_end2:
_tile_overlayer_lowered:
.L_overlay_start_2:
0x336: {  	(tag) =	ssettag $0x2  }
0x337: {  	s0 =	rddreg [dreg:$0x0];
	s2 =	stileid.u32  }
0x338: {  	s1 =	rddreg [dreg:$0x1];
	p0 =	sne.s32 s2, $0x0  }
0x339: {  	s3 =	rddreg [dreg:$0x2];
	[bflag:$0x3] =	sbarrier.arrive $0xFFFF;
	s2 =	simm.s32 @!p0 $0x1C02  }
0x33a: {  	[timem:s3], [sflag:s2] =	dma.local @!p0 [hbm:s0], s1  }
0x33b: {  	s0 =	simm.s32 @!p0 $0x2  }
0x33c: {  	_ =	swait.ge @!p0 [sflag:s0], s1  }
0x33d: {  	s1 =	ssub.s32 @!p0 $0x0, s1;
	[sflag:s0] =	ssyncset.done @!p0 $0x0  }
0x33e: {  	[sflag:s0] =	ssyncadd.s32 @!p0 s1  }
0x33f: {  	[bflag:$0x3] =	sbarrier.arrive $0xFFFF  }
0x340: {  	_ =	shalt  }

// kernel: sparse-core-data-format-call.cloned.1.call-start
scs
called_computation_lowered:
.L_overlay_start_0:
0x0: {  	s1 =	sld [smem:$0x3FD9]  }
0x1: {  	s2 =	sld [smem:$0x3FFE];
	_ =	sdelay $0x1  }
0x2: {  	s3 =	srdreg.scid  }
0x3: {  	s0 =	sand.u32 $0x1, s3  }
0x4: {  	s17 =	sshll.u32 s0, $0xA;
	s1 =	sadd.s32 s2, s1  }
0x5: {  	s1 =	sadd.s32 s1, s17  }
0x6: {  	[smem:$0x3FB9] =	sst s1  }
0x7: {  	_ = 	snop  }
0x8: {  	(tm) =	ssettm $0x1  }
0x9: {  	s18 =	sld [smem:$0x3FFB];
	_ =	sdelay $0x3  }
0xa: {  	_ =	strace s18  }
0xb: {  	s1 =	sld [smem:$0x3FFC];
	_ =	sdelay $0x3  }
0xc: {  	_ =	strace s1  }
0xd: {  	s1 =	sld [smem:$0x3FFD];
	_ =	sdelay $0x3  }
0xe: {  	_ =	strace s1  }
0xf: {  	_ =	strace $0x8FFFFFFF  }
0x10: {  	s19 =	sld [smem:$0x3FDB];
	_ =	sdelay $0x1  }
0x11: {  	s20 =	simm.s32 $_scs_section_size  }
0x12: {  	s4 =	simm.s32 $_size__tile_overlayer_lowered;
	s5 =	simm.s32 $_tile_overlayer_lowered  }
0x13: {  	s23 =	simm.s32 $0x1BFF;
	s22 =	sshll.u32 s5, $0x1;
	s1 =	sadd.s32 s20, s19  }
0x14: {  	s6 =	simm.s32 $0x0;
	s21 =	sshll.u32 s4, $0x1;
	s4 =	sadd.s32 s22, s1  }
0x15: {  	[timem:s6], [sflag:s23] =	dma.local [hbm:s4], s21  }
0x16: {  	_ =	swait.ge [sflag:s23], s21  }
0x17: {  	s2 =	ssub.s32 $0x0, s21;
	[sflag:s23] =	ssyncset.done $0x0  }
0x18: {  	[sflag:s23] =	ssyncadd.s32 s2;
	_ =	sdelay $0x1  }
0x19: {  	s24 =	simm.s32 $0x1B8B  }
0x1a: {  	_ =	swait.ge [sflag:s24], $0x1  }
0x1b: {  	[sflag:s24] =	ssyncset.done $0x0  }
0x1c: {  	s26 =	simm.s32 $0x1B8E;
	s25 =	sld [smem:$0x3FFE];
	[sflag:s24] =	ssyncadd.s32 $0xFFFFFFFF  }
0x1d: {  	s27 =	simm.s32 $execute0_lowered;
	[smem:$0x3FD2] =	sst s26  }
0x1e: {  	s4 =	sshll.u32 s27, $0x1;
	_ =	strace $0x80000049;
	[dreg:$0x1] =	wrdreg $0xFFFFFFFF  }
0x1f: {  	s28 =	simm.s32 $_size_execute0_lowered;
	s1 =	sadd.s32 s1, s4;
	[dreg:$0x0] =	wrdreg $0x0  }
0x20: {  	s4 =	sshll.u32 s28, $0x1;
	[dreg:$0x2] =	wrdreg s1  }
0x21: {  	[dreg:$0x3] =	wrdreg s4  }
0x22: {  	[dreg:$0x4] =	wrdreg $0xC0  }
0x23: {  	_ =	task [dreg:s6], $0x5FFFF  }
0x24: {  	[dreg:$0x1] =	wrdreg $0xFFFFFFFF  }
0x25: {  	[dreg:$0x0] =	wrdreg $0x60  }
0x26: {  	[dreg:$0x2] =	wrdreg s25  }
0x27: {  	[dreg:$0x3] =	wrdreg $0x9  }
0x28: {  	_ =	task.clear_ibuf [dreg:s6], $0x4FFFF;
	_ =	strace $0x90000049  }
0x29: {  	s29 =	simm.s32 $0x9;
	_ =	strace $0x8000004B  }
0x2a: {  	_ =	swait.ge [sflag:s29], $0x1  }
0x2b: {  	[sflag:s29] =	ssyncadd.s32 $0xFFFFFFFF  }
0x2c: {  	_ =	strace $0x9000004B  }
0x2d: {  	_ =	sfence  }
0x2e: {  	s30 =	sld [smem:$0x0];
	_ =	sdelay $0x2  }
0x2f: {  	s31 =	sshll.u32 s3, $0xD;
	s3 =	sshrl.u32 s3, $0x2  }
0x30: {  	s2 =	sand.u32 $0x4000, s31;
	s1 =	sadd.s32 s3, s30  }
0x31: {  	s0 =	sor.u32 s2, s0;
	s1 =	sshll.u32 s1, $0x11  }
0x32: {  	s0 =	sor.u32 s1, s0  }
0x33: {  	s0 =	sadd.s32 $0x8F2B, s0  }
0x34: {  	[sflag:s0] =	ssyncadd.remote.s32 $0x1  }
0x35: {  	_ =	sfence.sel $0xFFFF  }
0x36: {  	[dreg:$0x0] =	wrdreg $0xFFFFFFFF;
	(pc) =	sbr.abs _section_cstart, $3  }
0x37: {  	[dreg:$0x1] =	wrdreg $0xFFFFFFFF  }
0x38: {  	_ =	task.clear_ibuf [dreg:s6], $0x2FFFF;
	_ =	strace $0x9FFFFFFF  }
0x39: {  	(tm) =	ssettm $0x7FFFFFFF  }
tec
execute0_lowered:
.L_overlay_start_1:
0x0: {  	(tag) =	ssettag $0x1  }
0x1: {  	s0 =	rddreg [dreg:$0x0];
	s5 =	stileid.u32;
	_ =	strace $0x8000004A  }
0x2: {  	s6 =	srdreg.scid;
	s31 =	simm.s32 $0x2;
	s19 =	simm.s32 $0x0  }
0x3: {  	p0 =	por $0x0, $0x0;
	s11 =	simm.s32 $0x400;
	s20 =	simm.s32 $0x0  }
0x4: {  	s21 =	simm.s32 $0x0;
	s12 =	simm.s32 $0x0;
	s13 =	simm.s32 $0x0  }
0x5: {  	s14 =	simm.s32 $0x0;
	s18 =	simm.s32 $0x0;
	s2 =	sand.u32 $0x1, s5  }
0x6: {  	s3 =	sadd.s32 $0x2D1200, s0;
	s4 =	sadd.s32 $0x1520A00, s0;
	s1 =	ssub.s32 $0x2, s2  }
.Ltmp0:
0x7: {  	s29 =	sshrl.u32 s1, $0x1;
	s1 =	sand.u32 $0x1, s1;
	(pc) =	sbr.rel .LBB1_1-.Ltmp0, $4  }
0x8: {  	s5 =	sshrl.u32 s5, $0x1;
	s30 =	sshll.u32 s6, $0x9;
	s0 =	sadd.s32 s1, s29  }
0x9: {  	s6 =	simm.s32 $0x1;
	s8 =	sand.u32 $0x200, s30;
	s7 =	smul.u32 $0x31, s0  }
0xa: {  	[sflag:s6] =	ssyncpa.u1 $0x0;
	s16 =	smov.u32 s5;
	s17 =	smov.u32 s2  }
0xb: {  	[sflag:s31] =	ssyncpa.u1 $0x0;
	s15 =	smov.u32 s8;
	s9 =	sadd.s32 $0x1, s7  }
.LBB1_9:
0xc: {  	s0 =	smul.u32 $0x61A800, s14;
	_ =	sdelay $0x1  }
0xd: {  	s1 =	sshll.u32 s12, $0x7;
	s10 =	sshll.u32 s13, $0x4;
	s0 =	sadd.s32 s4, s0  }
0xe: {  	s10 =	sand.u32 $0x70, s10;
	s0 =	sadd.s32 s1, s0  }
0xf: {  	s30 =	sor.u32 $0x8000, s26;
	s31 =	simm.s32 $0x20;
	s0 =	sadd.s32 s10, s0  }
0x10: {  	[hbm4b:s0+s31] =	stream.strided.scatter [tilespmem:s30], [sflag:$0x2], s22, s11, s31, $0x38;
	[tilespmem:$0x10000] =	vst v63  }
.LBB1_10:
0x11: {  	p1 =	slt.u32 s18, $0x2  }
0x12: {  	s0 =	smov.u32 s21;
	p2 =	sgt.s32 @!p1 s21, $0x1  }
0x13: {  	s1 =	sshra.s32 @!p1 s21, $0x1F;
	p3 =	sgt.s32 @!p1 s19, $0xC150;
	s10 =	sshra.s32 @!p1 s19, $0x1F  }
0x14: {  	p2 =	por !p2, p1;
	s1 =	sand.u32 @!p1 s1, s21;
	s21 =	sshra.s32 @!p1 s20, $0x1F  }
0x15: {  	s0 =	simm.s32 @p2 $0x1;
	p2 =	por !p3, p1;
	p3 =	sgt.s32 @!p1 s20, $0x7  }
0x16: {  	s10 =	sand.u32 @!p1 s10, s19;
	s21 =	sand.u32 @!p1 s21, s20;
	p3 =	por !p3, p1  }
0x17: {  	s1 =	sxor.u32 @!p1 $0xFFFFFFFF, s1;
	s19 =	simm.s32 @p2 $0xC150;
	s20 =	simm.s32 @p3 $0x7  }
0x18: {  	s0 =	sadd.s32 @!p1 s1, s0;
	s1 =	ssub.s32 @!p1 s19, s10;
	s10 =	ssub.s32 @!p1 s20, s21  }
0x19: {  	p2 =	sgt.s32 @!p1 s0, $0x0;
	s0 =	sshll.u32 @!p1 s0, $0x5;
	s20 =	sadd.s32 @!p1 $0xFFFFFFF9, s10  }
0x1a: {  	s19 =	sadd.s32 @!p1 $0xFFFF3EB0, s1;
	s0 =	ssub.s32 @!p1 $0x20, s0;
	p3 =	sgt.s32 @!p1 s20, $0x0  }
0x1b: {  	p2 =	por !p2, p1;
	s10 =	ssub.s32 @!p1 $0x8, s10;
	p3 =	por !p3, p1  }
0x1c: {  	s0 =	simm.s32 @!p2 $0x0;
	s10 =	simm.s32 @!p3 $0x0;
	p3 =	sgt.s32 @!p1 s19, $0x1FF  }
0x1d: {  	s1 =	ssub.s32 @!p1 $0xC350, s1;
	p2 =	por !p3, p1;
	s0 =	smul.u32 @!p1 s10, s0  }
0x1e: {  	s1 =	simm.s32 @!p2 $0x0  }
0x1f: {  	s0 =	smul.u32 @!p1 s1, s0;
	s1 =	sadd.s32 $0x400, s15  }
0x20: {  	s22 =	smov.u32 s16;
	s10 =	sadd.s32 $0x8, s16;
	p2 =	sgt.s32 s1, $0xC34F  }
0x21: {  	s22 =	smov.u32 @p2 s10  }
0x22: {  	s24 =	smov.u32 s17;
	s10 =	sadd.s32 $0x2, s17;
	p3 =	sgt.s32 s22, $0x7  }
0x23: {  	p0 =	por !p0, !p0;
	s23 =	simm.s32 @!p1 $0x2;
	s24 =	smov.u32 @p3 s10  }
0x24: {  	s21 =	smov.u32 s14;
	s1 =	smov.u32 @p2 s8;
	p2 =	sgt.s32 s24, $0x1  }
0x25: {  	s14 =	smov.u32 s17;
	s24 =	smov.u32 @p2 s2;
	p2 =	sne.s32 s18, s9  }
.Ltmp1:
0x26: {  	s20 =	smov.u32 s13;
	s0 =	sand.u32 @!p1 $0x3FFFFFE0, s0;
	(pc) =	sbr.rel @!p2 .LBB1_11-.Ltmp1, $4  }
0x27: {  	s13 =	smov.u32 s16;
	s19 =	smov.u32 s12;
	_ =	swait.ge @!p1 [sflag:s23], s0  }
0x28: {  	s12 =	smov.u32 s15;
	s0 =	ssub.s32 @!p1 $0x0, s0;
	[sflag:s23] =	ssyncset.done @!p1 $0x0  }
0x29: {  	s15 =	smov.u32 s1;
	s22 =	smov.u32 @p3 s5;
	[sflag:s23] =	ssyncadd.s32 @!p1 s0  }
0x2a: {  	s16 =	smov.u32 s22;
	s18 =	sadd.s32 $0x1, s18;
	s17 =	smov.u32 s24  }
.LBB1_1:
0x2b: {  	p1 =	sge.u32 s18, s7  }
0x2c: {  	s22 =	smov.u32 s17;
	s24 =	smov.u32 s16;
	s0 =	sand.u32 @!p1 $0x1FFFFFF, s15  }
0x2d: {  	p2 =	sgt.s32 @!p1 s17, $0x1;
	s23 =	sshra.s32 @!p1 s17, $0x1F;
	s25 =	sshra.s32 @!p1 s16, $0x1F  }
0x2e: {  	s1 =	smulhi.u32 @!p1 $0x14F8B59, s0;
	p2 =	por !p2, p1;
	s23 =	sand.u32 @!p1 s23, s17  }
0x2f: {  	s25 =	sand.u32 @!p1 s25, s16;
	s22 =	simm.s32 @p2 $0x1;
	p2 =	sgt.s32 @!p1 s16, $0x7  }
0x30: {  	s23 =	sxor.u32 @!p1 $0xFFFFFFFF, s23;
	s1 =	sshrl.u32 @!p1 s1, $0x8;
	p2 =	por !p2, p1  }
0x31: {  	s22 =	sadd.s32 @!p1 s23, s22;
	s24 =	simm.s32 @p2 $0x7;
	p2 =	sgt.s32 @!p1 s15, $0xC150  }
0x32: {  	s24 =	ssub.s32 @!p1 s24, s25;
	p2 =	por !p2, p1;
	s25 =	smov.u32 s15  }
0x33: {  	s1 =	smul.u32 @!p1 $0xC350, s1;
	s23 =	sadd.s32 @!p1 $0xFFFFFFF9, s24;
	s25 =	simm.s32 @p2 $0xC150  }
0x34: {  	p2 =	sgt.s32 @!p1 s22, $0x0;
	s24 =	ssub.s32 @!p1 $0x8, s24;
	s22 =	sshll.u32 @!p1 s22, $0x5  }
0x35: {  	p3 =	sgt.s32 @!p1 s23, $0x0;
	s23 =	sshra.s32 @!p1 s15, $0x1F;
	s22 =	ssub.s32 @!p1 $0x20, s22  }
0x36: {  	p2 =	por !p2, p1;
	s23 =	sand.u32 @!p1 s23, s15;
	p3 =	por !p3, p1  }
0x37: {  	s22 =	simm.s32 @!p2 $0x0;
	s23 =	ssub.s32 @!p1 s25, s23;
	s24 =	simm.s32 @!p3 $0x0  }
0x38: {  	s31 =	sadd.s32 $0xFFFFFFFF, s18;
	s25 =	sadd.s32 @!p1 $0xFFFF3EB0, s23;
	s22 =	smul.u32 @!p1 s24, s22  }
0x39: {  	s0 =	ssub.s32 @!p1 s0, s1;
	s24 =	smul.u32 @!p1 $0x61A800, s17;
	p3 =	sgt.s32 @!p1 s25, $0x1FF  }
0x3a: {  	s23 =	ssub.s32 @!p1 $0xC350, s23;
	s25 =	smul.u32 @!p1 $0xC3500, s16;
	p2 =	por !p3, p1  }
0x3b: {  	s0 =	sshll.u32 @!p1 s0, $0x4;
	s1 =	sadd.s32 @!p1 s3, s24;
	s23 =	simm.s32 @!p2 $0x0  }
0x3c: {  	s1 =	sadd.s32 @!p1 s25, s1;
	s22 =	smul.u32 @!p1 s23, s22;
	s23 =	sxor.u32 @!p1 $0xFFFFFFFF, s18  }
0x3d: {  	s24 =	simm.s32 @!p1 $0x80;
	s0 =	sadd.s32 @!p1 s0, s1;
	s23 =	sshll.u32 @!p1 s23, $0xE  }
0x3e: {  	s1 =	simm.s32 @!p1 $0x20;
	s23 =	sand.u32 @!p1 $0x4000, s23;
	s22 =	sand.u32 @!p1 $0x3FFFFFE0, s22  }
0x3f: {  	[tilespmem:s23], [sflag:$0x1] =	stream.strided.gather @!p1 [hbm4b:s0+s1], s22, s24, s1, $0x38;
	[tilespmem:$0x10000] =	vst v63  }
0x40: {  	p1 =	sge.u32 s31, s7  }
.Ltmp2:
0x41: {  	_ = 	snop;
	(pc) =	sbr.rel @p1 .LBB1_10-.Ltmp2, $1  }
0x42: {  	_ =	sdelay $0x3  }
0x43: {  	s0 =	sshra.s32 s14, $0x1F;
	p1 =	sgt.s32 s14, $0x1  }
0x44: {  	s1 =	smov.u32 s14;
	s22 =	sshra.s32 s13, $0x1F;
	s0 =	sand.u32 s0, s14  }
0x45: {  	s24 =	sshra.s32 s12, $0x1F;
	s1 =	simm.s32 @!p1 $0x1;
	s0 =	sxor.u32 $0xFFFFFFFF, s0  }
0x46: {  	p1 =	sgt.s32 s13, $0x7;
	s0 =	sadd.s32 s0, s1;
	s1 =	smov.u32 s13  }
0x47: {  	s22 =	sand.u32 s22, s13;
	s29 =	sand.u32 s24, s12;
	s1 =	simm.s32 @!p1 $0x7  }
0x48: {  	p2 =	sgt.s32 s0, $0x0;
	s0 =	ssub.s32 $0x1, s0;
	s1 =	ssub.s32 s1, s22  }
0x49: {  	p1 =	sgt.s32 s12, $0xC150;
	s22 =	smov.u32 s12;
	s23 =	sadd.s32 $0xFFFFFFF9, s1  }
0x4a: {  	s22 =	simm.s32 @!p1 $0xC150;
	s1 =	ssub.s32 $0x8, s1;
	p1 =	sgt.s32 s23, $0x0  }
0x4b: {  	s0 =	simm.s32 @p2 $0x0;
	s22 =	ssub.s32 s22, s29;
	s1 =	simm.s32 @p1 $0x0  }
0x4c: {  	s30 =	sadd.s32 $0xFFFF3EB0, s22;
	s0 =	smul.u32 s0, s1  }
0x4d: {  	p1 =	sgt.s32 s30, $0x1FF;
	s1 =	ssub.s32 $0xC350, s22;
	s22 =	sadd.s32 $0x1, s14  }
0x4e: {  	s24 =	sadd.s32 $0x1, s13;
	s1 =	simm.s32 @p1 $0x0;
	p1 =	slt.s32 s22, $0x2  }
0x4f: {  	s0 =	smul.u32 s1, s0;
	s22 =	simm.s32 @!p1 $0x2;
	p1 =	slt.s32 s24, $0x8  }
0x50: {  	s1 =	sadd.s32 $0x200, s12;
	s23 =	ssub.s32 s22, s14;
	s24 =	simm.s32 @!p1 $0x8  }
0x51: {  	p1 =	slt.s32 s1, $0xC350;
	s24 =	ssub.s32 s24, s13;
	p2 =	slt.s32 s23, $0x1  }
0x52: {  	s1 =	simm.s32 @!p1 $0xC350;
	p1 =	slt.s32 @!p2 s24, $0x1  }
0x53: {  	s25 =	ssub.s32 s1, s12;
	p1 =	por p2, p1  }
0x54: {  	p2 =	slt.s32 @!p1 s25, $0x1  }
0x55: {  	p1 =	por p1, p2  }
.Ltmp3:
0x56: {  	s0 =	sshll.u32 s0, $0x5;
	(pc) =	sbr.rel @p1 .LBB1_9-.Ltmp3, $4  }
0x57: {  	s22 =	sand.u32 $0x3FFFFFE0, s0  }
0x58: {  	_ =	swait.ge [sflag:s6], s22  }
0x59: {  	s31 =	sshll.u32 s18, $0xE;
	s0 =	ssub.s32 $0x0, s22;
	[sflag:s6] =	ssyncset.done $0x0  }
0x5a: {  	s26 =	sand.u32 $0x4000, s31;
	[sflag:s6] =	ssyncadd.s32 s0  }
0x5b: {  	s0 =	simm.s32 $0x1  }
0x5c: {  	s0 =	simm.s32 @!p0 $0x0  }
0x5d: {  	s0 =	sshll.u32 s0, $0xE  }
0x5e: {  	s28 =	simm.s32 $0x0;
	s27 =	sor.u32 $0x8000, s0  }
.LBB1_4:
0x5f: {  	s29 =	simm.s32 $0x0;
	s30 =	simm.s32 $0x0  }
.LBB1_5:
0x60: {  	s0 =	sadd.s32 s28, s30  }
0x61: {  	s0 =	sshll.u32 s0, $0x10  }
0x62: {  	s0 =	sshra.s32 s0, $0x2  }
0x63: {  	s0 =	sadd.s32 s0, s26  }
0x64: {  	v0 =	vmov s0;
	_ =	sdelay $0x2  }
0x65: {  	s10 =	simm.s32 $0x0;
	p1 =	sne.s32 s25, $0x1  }
.Ltmp4:
0x66: {  	s10 =	sand.u32 $0x3FE0, s10;
	(pc) =	sbr.rel @!p1 .LBB1_7-.Ltmp4, $3  }
0x67: {  	v1 =	vld.idx.msk [tilespmem:v0+s10+$0x0 ss:$0x1], $0xffff;
	_ =	sdelay $0x1  }
0x68: {  	s1 =	sand.u32 $0xE0, s29  }
0x69: {  	s31 =	sadd.s32 s1, s27;
	s1 =	simm.s32 $0x20;
	s0 =	sadd.s32 $0xFFFFFFFF, s25  }
.LBB1_6:
0x6a: {  	s10 =	sand.u32 $0x3FE0, s1;
	p1 =	sne.s32 s0, $0x1;
	s0 =	sadd.s32 $0xFFFFFFFF, s0  }
.Ltmp5:
0x6b: {  	[tilespmem:s31+$0x0] =	vst v1;
	v1 =	vld.idx.msk [tilespmem:v0+s10+$0x0 ss:$0x1], $0xffff;
	(pc) =	sbr.rel @p1 .LBB1_6-.Ltmp5, $2  }
0x6c: {  	_ =	sdelay $0x2  }
0x6d: {  	s1 =	sadd.s32 $0x20, s1;
	s31 =	sadd.s32 $0x20, s31  }
.LBB1_7:
0x6e: {  	s30 =	sadd.s32 $0x1, s30  }
0x6f: {  	p1 =	sne.s32 s30, s24  }
.Ltmp6:
0x70: {  	_ = 	snop;
	(pc) =	sbr.rel @p1 .LBB1_5-.Ltmp6, $2  }
0x71: {  	_ =	sdelay $0x2  }
0x72: {  	s29 =	sadd.s32 $0x20, s29;
	[tilespmem:s31+$0x0] =	vst v1  }
0x73: {  	s28 =	sadd.s32 $0x1, s28  }
0x74: {  	p1 =	sne.s32 s28, s23  }
.Ltmp7:
0x75: {  	_ = 	snop;
	(pc) =	sbr.rel @p1 .LBB1_4-.Ltmp7, $4  }
.Ltmp8:
0x76: {  	_ = 	snop;
	(pc) =	sbr.rel @!p1 .LBB1_9-.Ltmp8, $4  }
0x77: {  	_ = 	snop  }
0x78: {  	_ = 	snop  }
0x79: {  	s27 =	sadd.s32 $0x4000, s27  }
0x7a: {  	_ = 	snop  }
.LBB1_11:
0x7b: {  	_ =	sfence.sel $0x180000  }
0x7c: {  	s0 =	simm.s32 $0x1;
	[bflag:$0x0] =	sbarrier.arrive $0xFFFF  }
0x7d: {  	s30 =	simm.s32 $0x2;
	[sflag:s0] =	ssyncpa.u1 $0x1  }
0x7e: {  	[sflag:s30] =	ssyncpa.u1 $0x1  }
0x7f: {  	_ =	strace $0x9000004A  }
0x80: {  	s31 =	stileid.u32;
	[bflag:$0x2] =	sbarrier.arrive $0xFFFF  }
0x81: {  	p0 =	sne.s32 s31, $0x0;
	s0 =	rddreg [dreg:$0x1]  }
0x82: {  	s0 =	sadd.s32 @!p0 $0x100000, s0  }
0x83: {  	[sflag:s0] =	ssyncadd.tile.s32 @!p0 $0x1;
	_ =	shalt  }
.Lfunc_end1:
_tile_overlayer_lowered:
.L_overlay_start_2:
0x84: {  	(tag) =	ssettag $0x2  }
0x85: {  	s0 =	rddreg [dreg:$0x0];
	s2 =	stileid.u32  }
0x86: {  	s1 =	rddreg [dreg:$0x1];
	p0 =	sne.s32 s2, $0x0  }
0x87: {  	s3 =	rddreg [dreg:$0x2];
	[bflag:$0x3] =	sbarrier.arrive $0xFFFF;
	s2 =	simm.s32 @!p0 $0x1C01  }
0x88: {  	[timem:s3], [sflag:s2] =	dma.local @!p0 [hbm:s0], s1  }
0x89: {  	s0 =	simm.s32 @!p0 $0x1  }
0x8a: {  	_ =	swait.ge @!p0 [sflag:s0], s1  }
0x8b: {  	s1 =	ssub.s32 @!p0 $0x0, s1;
	[sflag:s0] =	ssyncset.done @!p0 $0x0  }
0x8c: {  	[sflag:s0] =	ssyncadd.s32 @!p0 s1  }
0x8d: {  	[bflag:$0x3] =	sbarrier.arrive $0xFFFF  }
0x8e: {  	_ =	shalt  }

</sc_bundles>
